<compile_context>
chip_gen: v7x
topology: tpu7x:2x2x1
jax: 0.10.2.dev20260603
libtpu: 0.0.44.dev20260713+nightly
codegen_flags: <defaults>
</compile_context>

<pallas_src>
import jax
import jax.numpy as jnp
from jax import lax
from jax.experimental import pallas as pl
from jax.experimental.pallas import tpu as pltpu
from jax.experimental.pallas import tpu_sc as plsc

N = 10000
E = 320000
D = 128

NC = 2
NS = 16
NW = NC * NS
EW = E // NW
CH = 128
NCH = 80
NCB = 16
NBK = NCH // NCB
EWP = NCH * CH
EPAD = NW * EWP - E
NP = 10112
RT = NP // NS
PAD_ROWS = 112
PAD_LO = NP - PAD_ROWS

_MESH = plsc.VectorSubcoreMesh(core_axis_name="c", subcore_axis_name="s")


NPH = 10240
SEG = NPH // NS


def _deg_body(dsti, out, dst_i, hist, sum_v, tmp_v, acc_s, sem):
    c = lax.axis_index("c")
    s = lax.axis_index("s")
    wid = s * NC + c
    cd = pltpu.async_copy(dsti.at[wid], dst_i, sem)
    zeros16 = jnp.zeros((16,), jnp.float32)

    def zero(i, carry):
        hist[pl.ds(i * 16, 16)] = zeros16
        return carry

    lax.fori_loop(0, NPH // 16, zero, 0)
    cd.wait()
    ones16 = jnp.ones((16,), jnp.float32)

    def chunk(j, carry):
        for k in range(CH // 16):
            iv = dst_i[j, pl.ds(k * 16, 16)]
            plsc.addupdate_scatter(hist, [iv], ones16)
        return carry

    lax.fori_loop(0, NCH, chunk, 0)
    pltpu.sync_copy(hist, acc_s.at[s])
    plsc.subcore_barrier()

    def zero2(i, carry):
        sum_v[pl.ds(i * 16, 16)] = zeros16
        return carry

    lax.fori_loop(0, SEG // 16, zero2, 0)

    def srow(h, carry):
        pltpu.sync_copy(acc_s.at[h, pl.ds(s * SEG, SEG)], tmp_v)
        for k in range(SEG // 16):
            sl = pl.ds(k * 16, 16)
            sum_v[sl] = sum_v[sl] + tmp_v[sl]
        return carry

    lax.fori_loop(0, NS, srow, 0)
    pltpu.sync_copy(sum_v, out.at[c, pl.ds(s * SEG, SEG)])


_deg_call = pl.kernel(
    _deg_body,
    out_type=jax.ShapeDtypeStruct((NC, NPH), jnp.float32),
    mesh=_MESH,
    compiler_params=pltpu.CompilerParams(needs_layout_passes=False),
    scratch_types=[
        pltpu.VMEM((NCH, CH), jnp.int32),
        pltpu.VMEM((NPH,), jnp.float32),
        pltpu.VMEM((SEG,), jnp.float32),
        pltpu.VMEM((SEG,), jnp.float32),
        pltpu.VMEM_SHARED((NS, NPH), jnp.float32),
        pltpu.SemaphoreType.DMA,
    ],
)


def _agg_body(table, srci, dsti, zeros, out,
              src_i, dst_i, rows_a, rows_b, acc,
              sem_a, sem_b, sem_sa, sem_sb):
    c = lax.axis_index("c")
    s = lax.axis_index("s")
    wid = s * NC + c
    row_lo = s * RT
    pltpu.sync_copy(zeros.at[pl.ds(row_lo, RT)], acc.at[pl.ds(row_lo, RT)])
    plsc.subcore_barrier()

    def step(j, buf, gsem, ssem, obuf, ogsem, ossem):
        @pl.when(j >= 1)
        def _():
            pltpu.make_async_copy(obuf, acc.at[dst_i.at[j - 1]], ossem).wait()

        @pl.when(j + 1 < NCB)
        def _():
            pltpu.async_copy(table.at[src_i.at[j + 1]], obuf, ogsem)

        pltpu.make_async_copy(table.at[src_i.at[j]], buf, gsem).wait()
        pltpu.async_copy(buf, acc.at[dst_i.at[j]], ssem, add=True)

    def blk(g, carry):
        ci = pltpu.async_copy(srci.at[wid, pl.ds(g * NCB, NCB)], src_i, sem_a)
        cd = pltpu.async_copy(dsti.at[wid, pl.ds(g * NCB, NCB)], dst_i, sem_b)
        ci.wait()
        cd.wait()
        pltpu.async_copy(table.at[src_i.at[0]], rows_a, sem_a)

        def pair(h, carry2):
            step(2 * h, rows_a, sem_a, sem_sa, rows_b, sem_b, sem_sb)
            step(2 * h + 1, rows_b, sem_b, sem_sb, rows_a, sem_a, sem_sa)
            return carry2

        lax.fori_loop(0, NCB // 2, pair, 0)
        pltpu.make_async_copy(
            rows_b, acc.at[dst_i.at[NCB - 1]], sem_sb).wait()
        return carry

    lax.fori_loop(0, NBK, blk, 0)
    plsc.subcore_barrier()
    pltpu.sync_copy(acc.at[pl.ds(row_lo, RT)], out.at[c, pl.ds(row_lo, RT)])


_agg_call = pl.kernel(
    _agg_body,
    out_type=jax.ShapeDtypeStruct((NC, NP, D), jnp.float32),
    mesh=_MESH,
    scratch_types=[
        pltpu.VMEM((NCB, CH), jnp.int32),
        pltpu.VMEM((NCB, CH), jnp.int32),
        pltpu.VMEM((CH, D), jnp.float32),
        pltpu.VMEM((CH, D), jnp.float32),
        pltpu.VMEM_SHARED((NP, D), jnp.float32),
        pltpu.SemaphoreType.DMA,
        pltpu.SemaphoreType.DMA,
        pltpu.SemaphoreType.DMA,
        pltpu.SemaphoreType.DMA,
    ],
)

RB = 2048
NG = NPH // RB


def _scale1_kernel(x_ref, w_ref, g_ref, y_ref, d_ref):
    deg = g_ref[...]
    dis = jnp.where(deg > 0, lax.rsqrt(deg), 0.0)
    xw = jnp.dot(x_ref[...], w_ref[...], preferred_element_type=jnp.float32)
    y_ref[...] = xw * dis
    d_ref[...] = dis


def _mid_kernel(p_ref, d_ref, b_ref, w_ref, y_ref):
    t = p_ref[0] + p_ref[1]
    dis = d_ref[...]
    h = jnp.maximum(t * dis + b_ref[...], 0.0)
    y_ref[...] = jnp.dot(h, w_ref[...], preferred_element_type=jnp.float32) * dis


def _final_kernel(p_ref, d_ref, b_ref, z_ref):
    z_ref[...] = (p_ref[0] + p_ref[1]) * d_ref[...] + b_ref[...]


def _scale1(x, W1, deg1):
    return pl.pallas_call(
        _scale1_kernel,
        grid=(NG,),
        in_specs=[
            pl.BlockSpec((RB, D), lambda i: (i, 0)),
            pl.BlockSpec((D, D), lambda i: (0, 0)),
            pl.BlockSpec((RB, 1), lambda i: (i, 0)),
        ],
        out_specs=[
            pl.BlockSpec((RB, D), lambda i: (i, 0)),
            pl.BlockSpec((RB, 1), lambda i: (i, 0)),
        ],
        out_shape=[
            jax.ShapeDtypeStruct((N, D), jnp.float32),
            jax.ShapeDtypeStruct((NPH, 1), jnp.float32),
        ],
    )(x, W1, deg1)


def _mid(t1, dis, b1, W2):
    return pl.pallas_call(
        _mid_kernel,
        grid=(NG,),
        in_specs=[
            pl.BlockSpec((NC, RB, D), lambda i: (0, i, 0)),
            pl.BlockSpec((RB, 1), lambda i: (i, 0)),
            pl.BlockSpec((1, D), lambda i: (0, 0)),
            pl.BlockSpec((D, D), lambda i: (0, 0)),
        ],
        out_specs=pl.BlockSpec((RB, D), lambda i: (i, 0)),
        out_shape=jax.ShapeDtypeStruct((N, D), jnp.float32),
    )(t1, dis, b1, W2)


def _final(t2, dis, b2):
    return pl.pallas_call(
        _final_kernel,
        grid=(NG,),
        in_specs=[
            pl.BlockSpec((NC, RB, D), lambda i: (0, i, 0)),
            pl.BlockSpec((RB, 1), lambda i: (i, 0)),
            pl.BlockSpec((1, D), lambda i: (0, 0)),
        ],
        out_specs=pl.BlockSpec((RB, D), lambda i: (i, 0)),
        out_shape=jax.ShapeDtypeStruct((N, D), jnp.float32),
    )(t2, dis, b2)


def kernel(x, edge_index, W1, b1, W2, b2):
    pad = jnp.arange(EPAD, dtype=jnp.int32)
    src = jnp.concatenate(
        [edge_index[0].astype(jnp.int32), pad % N]).reshape(NW, NCH, CH)
    dst = jnp.concatenate(
        [edge_index[1].astype(jnp.int32), PAD_LO + pad % PAD_ROWS]
    ).reshape(NW, NCH, CH)
    zeros128 = jnp.zeros((NP, D), jnp.float32)

    degp = _deg_call(dst)
    deg1 = (degp[0] + degp[1]).reshape(NPH, 1)
    y1, dis = _scale1(x, W1, deg1)
    t1 = _agg_call(y1, src, dst, zeros128)
    y2 = _mid(t1, dis, b1.reshape(1, D), W2)
    t2 = _agg_call(y2, src, dst, zeros128)
    return _final(t2, dis, b2.reshape(1, D))

# --- scband reference (transcript-rebuilt; emitter-appended) ---
"""Pipeline reference for scband-gnnencoder-5677946765869 (READ-ONLY COPY).

The authoritative reference and input builder live on the scoring server;
editing this copy changes nothing except your own understanding.
"""

import jax, jax.numpy as jnp
import numpy as np

N_NODES = 10000
N_EDGES = 320000
D_IN = 128
D_HID = 128
D_OUT = 128


def _gcn_conv(x, edge_index, W, b):
    # GCNConv with add_self_loops=False, normalize=True (PyG semantics)
    src = edge_index[0]
    dst = edge_index[1]
    n = x.shape[0]
    ones = jnp.ones(src.shape[0], dtype=x.dtype)
    deg = jnp.zeros((n,), dtype=x.dtype).at[dst].add(ones)
    deg_inv_sqrt = jnp.where(deg > 0, deg ** -0.5, 0.0)
    norm = deg_inv_sqrt[src] * deg_inv_sqrt[dst]
    xw = x @ W
    msgs = jnp.take(xw, src, axis=0) * norm[:, None]
    out = jnp.zeros((n, W.shape[1]), dtype=x.dtype).at[dst].add(msgs)
    return out + b


def setup_inputs(seed: int = 0) -> dict:
    key = jax.random.key(seed)
    k1, k2, k3, k4, k5, k6 = jax.random.split(key, 6)
    x = jax.random.normal(k1, (N_NODES, D_IN), dtype=jnp.float32)
    edge_index = jax.random.randint(k2, (2, N_EDGES), 0, N_NODES, dtype=jnp.int64)
    s1 = (6.0 / (D_IN + D_HID)) ** 0.5
    s2 = (6.0 / (D_HID + D_OUT)) ** 0.5
    W1 = jax.random.uniform(k3, (D_IN, D_HID), dtype=jnp.float32, minval=-s1, maxval=s1)
    b1 = jnp.zeros((D_HID,), dtype=jnp.float32)
    W2 = jax.random.uniform(k4, (D_HID, D_OUT), dtype=jnp.float32, minval=-s2, maxval=s2)
    b2 = jnp.zeros((D_OUT,), dtype=jnp.float32)
    return {"x": x, "edge_index": edge_index, "W1": W1, "b1": b1, "W2": W2, "b2": b2}


def reference(x, edge_index, W1, b1, W2, b2):
    h = _gcn_conv(x, edge_index, W1, b1)
    h = jax.nn.relu(h)
    z = _gcn_conv(h, edge_index, W2, b2)
    return z

if __name__ == "__main__":
    import jax
    _d = setup_inputs()
    print(jax.jit(kernel)(*tuple(_d.values())))

</pallas_src>

<mosaic_0001>
#map = affine_map<(d0, d1) -> (0, 0)>
#map1 = affine_map<(d0, d1) -> (0, 0, 0)>
module attributes {stable_mosaic.version = 14 : i64} {
  func.func @_agg_body(%arg0: i32, %arg1: i32, %arg2: memref<10000x128xf32, #tpu.memory_space<hbm>>, %arg3: memref<32x80x128xi32, #tpu.memory_space<hbm>>, %arg4: memref<32x80x128xi32, #tpu.memory_space<hbm>>, %arg5: memref<10112x128xf32, #tpu.memory_space<hbm>>, %arg6: memref<2x10112x128xf32, #tpu.memory_space<hbm>>, %arg7: memref<16x128xi32, #tpu.memory_space<vmem>>, %arg8: memref<16x128xi32, #tpu.memory_space<vmem>>, %arg9: memref<128x128xf32, #tpu.memory_space<vmem>>, %arg10: memref<128x128xf32, #tpu.memory_space<vmem>>, %arg11: memref<10112x128xf32, #tpu.memory_space<vmem_shared>>, %arg12: memref<!tpu.dma_semaphore, #tpu.memory_space<semaphore_mem>>, %arg13: memref<!tpu.dma_semaphore, #tpu.memory_space<semaphore_mem>>, %arg14: memref<!tpu.dma_semaphore, #tpu.memory_space<semaphore_mem>>, %arg15: memref<!tpu.dma_semaphore, #tpu.memory_space<semaphore_mem>>) attributes {dimension_semantics = [#tpu.dimension_semantics<core_parallel>, #tpu.dimension_semantics<subcore_parallel>], iteration_bounds = array<i64: 2, 16>, scalar_prefetch = 0 : i64, scratch_operands = 9 : i64, tpu.core_type = #tpu.core_type<sc_vector_subcore>, window_params = [{transform_indices = #map}, {transform_indices = #map1}, {transform_indices = #map1}, {transform_indices = #map}, {transform_indices = #map1}]} {
    %mul3A = arith.constant 2 : i32
    %mul3A_0 = arith.muli %arg1, %mul3A : i32
    %add3A = arith.addi %mul3A_0, %arg0 : i32
    %mul3A_1 = arith.constant 632 : i32
    %mul3A_2 = arith.muli %arg1, %mul3A_1 : i32
    "tpu.region"() ({
      %run_scoped3A = tpu.sem_alloc : memref<!tpu.dma_semaphore, #tpu.memory_space<semaphore_mem>>
      %dma_start3A = arith.constant 0 : i32
      %dma_start3A_9 = tpu.memref_slice %arg11[%mul3A_2, %dma_start3A] : memref<10112x128xf32, #tpu.memory_space<vmem_shared>> -> memref<632x128xf32, #tpu.memory_space<vmem_shared>>
      %dma_start3A_10 = arith.constant 0 : i32
      %dma_start3A_11 = tpu.memref_slice %arg5[%mul3A_2, %dma_start3A_10] : memref<10112x128xf32, #tpu.memory_space<hbm>> -> memref<632x128xf32, #tpu.memory_space<hbm>>
      tpu.enqueue_dma source(%dma_start3A_11 : memref<632x128xf32, #tpu.memory_space<hbm>>) target(%dma_start3A_9 : memref<632x128xf32, #tpu.memory_space<vmem_shared>>) target_semaphore(%run_scoped3A : memref<!tpu.dma_semaphore, #tpu.memory_space<semaphore_mem>>)
      %dma_wait3A = arith.constant 0 : i32
      %dma_wait3A_12 = tpu.memref_slice %arg11[%mul3A_2, %dma_wait3A] : memref<10112x128xf32, #tpu.memory_space<vmem_shared>> -> memref<632x128xf32, #tpu.memory_space<vmem_shared>>
      %dma_wait3A_13 = arith.constant 0 : i32
      %dma_wait3A_14 = tpu.memref_slice %arg5[%mul3A_2, %dma_wait3A_13] : memref<10112x128xf32, #tpu.memory_space<hbm>> -> memref<632x128xf32, #tpu.memory_space<hbm>>
      tpu.wait_dma2 semaphore(%run_scoped3A : memref<!tpu.dma_semaphore, #tpu.memory_space<semaphore_mem>>) src(%dma_wait3A_14 : memref<632x128xf32, #tpu.memory_space<hbm>>) dst(%dma_wait3A_12 : memref<632x128xf32, #tpu.memory_space<vmem_shared>>)
      tpu.yield
    }) : () -> ()
    %barrier3A = arith.constant 0 : index
    tpu.barrier barrier_id(%barrier3A)
    %scan3A = arith.constant 0 : i32
    %scan3A_3 = arith.constant 0 : i32
    %scan3A_4 = arith.constant 5 : i32
    %scan3A_5 = arith.addi %scan3A_3, %scan3A_4 : i32
    %scan3A_6 = arith.constant 1 : i32
    scf.for %scan3A_9 = %scan3A_3 to %scan3A_5 step %scan3A_6  : i32 {
      %mul3A_10 = arith.constant 16 : i32
      %mul3A_11 = arith.muli %scan3A_9, %mul3A_10 : i32
      %dma_start3A = arith.constant 0 : i32
      %dma_start3A_12 = tpu.memref_slice %arg3[%add3A, %mul3A_11, %dma_start3A] : memref<32x80x128xi32, #tpu.memory_space<hbm>> -> memref<1x16x128xi32, #tpu.memory_space<hbm>>
      %dma_start3A_13 = tpu.memref_squeeze %dma_start3A_12 : memref<1x16x128xi32, #tpu.memory_space<hbm>> -> memref<16x128xi32, #tpu.memory_space<hbm>>
      %dma_start3A_14 = arith.constant 0 : i32
      %dma_start3A_15 = tpu.memref_slice %arg3[%add3A, %mul3A_11, %dma_start3A_14] : memref<32x80x128xi32, #tpu.memory_space<hbm>> -> memref<1x16x128xi32, #tpu.memory_space<hbm>>
      %dma_start3A_16 = tpu.memref_squeeze %dma_start3A_15 : memref<1x16x128xi32, #tpu.memory_space<hbm>> -> memref<16x128xi32, #tpu.memory_space<hbm>>
      tpu.enqueue_dma source(%dma_start3A_16 : memref<16x128xi32, #tpu.memory_space<hbm>>) target(%arg7 : memref<16x128xi32, #tpu.memory_space<vmem>>) target_semaphore(%arg12 : memref<!tpu.dma_semaphore, #tpu.memory_space<semaphore_mem>>)
      %mul3A_17 = arith.constant 16 : i32
      %mul3A_18 = arith.muli %scan3A_9, %mul3A_17 : i32
      %dma_start3A_19 = arith.constant 0 : i32
      %dma_start3A_20 = tpu.memref_slice %arg4[%add3A, %mul3A_18, %dma_start3A_19] : memref<32x80x128xi32, #tpu.memory_space<hbm>> -> memref<1x16x128xi32, #tpu.memory_space<hbm>>
      %dma_start3A_21 = tpu.memref_squeeze %dma_start3A_20 : memref<1x16x128xi32, #tpu.memory_space<hbm>> -> memref<16x128xi32, #tpu.memory_space<hbm>>
      %dma_start3A_22 = arith.constant 0 : i32
      %dma_start3A_23 = tpu.memref_slice %arg4[%add3A, %mul3A_18, %dma_start3A_22] : memref<32x80x128xi32, #tpu.memory_space<hbm>> -> memref<1x16x128xi32, #tpu.memory_space<hbm>>
      %dma_start3A_24 = tpu.memref_squeeze %dma_start3A_23 : memref<1x16x128xi32, #tpu.memory_space<hbm>> -> memref<16x128xi32, #tpu.memory_space<hbm>>
      tpu.enqueue_dma source(%dma_start3A_24 : memref<16x128xi32, #tpu.memory_space<hbm>>) target(%arg8 : memref<16x128xi32, #tpu.memory_space<vmem>>) target_semaphore(%arg13 : memref<!tpu.dma_semaphore, #tpu.memory_space<semaphore_mem>>)
      %dma_wait3A = arith.constant 0 : i32
      %dma_wait3A_25 = tpu.memref_slice %arg3[%add3A, %mul3A_11, %dma_wait3A] : memref<32x80x128xi32, #tpu.memory_space<hbm>> -> memref<1x16x128xi32, #tpu.memory_space<hbm>>
      %dma_wait3A_26 = tpu.memref_squeeze %dma_wait3A_25 : memref<1x16x128xi32, #tpu.memory_space<hbm>> -> memref<16x128xi32, #tpu.memory_space<hbm>>
      %dma_wait3A_27 = arith.constant 0 : i32
      %dma_wait3A_28 = tpu.memref_slice %arg3[%add3A, %mul3A_11, %dma_wait3A_27] : memref<32x80x128xi32, #tpu.memory_space<hbm>> -> memref<1x16x128xi32, #tpu.memory_space<hbm>>
      %dma_wait3A_29 = tpu.memref_squeeze %dma_wait3A_28 : memref<1x16x128xi32, #tpu.memory_space<hbm>> -> memref<16x128xi32, #tpu.memory_space<hbm>>
      tpu.wait_dma2 semaphore(%arg12 : memref<!tpu.dma_semaphore, #tpu.memory_space<semaphore_mem>>) src(%dma_wait3A_29 : memref<16x128xi32, #tpu.memory_space<hbm>>) dst(%arg7 : memref<16x128xi32, #tpu.memory_space<vmem>>)
      %dma_wait3A_30 = arith.constant 0 : i32
      %dma_wait3A_31 = tpu.memref_slice %arg4[%add3A, %mul3A_18, %dma_wait3A_30] : memref<32x80x128xi32, #tpu.memory_space<hbm>> -> memref<1x16x128xi32, #tpu.memory_space<hbm>>
      %dma_wait3A_32 = tpu.memref_squeeze %dma_wait3A_31 : memref<1x16x128xi32, #tpu.memory_space<hbm>> -> memref<16x128xi32, #tpu.memory_space<hbm>>
      %dma_wait3A_33 = arith.constant 0 : i32
      %dma_wait3A_34 = tpu.memref_slice %arg4[%add3A, %mul3A_18, %dma_wait3A_33] : memref<32x80x128xi32, #tpu.memory_space<hbm>> -> memref<1x16x128xi32, #tpu.memory_space<hbm>>
      %dma_wait3A_35 = tpu.memref_squeeze %dma_wait3A_34 : memref<1x16x128xi32, #tpu.memory_space<hbm>> -> memref<16x128xi32, #tpu.memory_space<hbm>>
      tpu.wait_dma2 semaphore(%arg13 : memref<!tpu.dma_semaphore, #tpu.memory_space<semaphore_mem>>) src(%dma_wait3A_35 : memref<16x128xi32, #tpu.memory_space<hbm>>) dst(%arg8 : memref<16x128xi32, #tpu.memory_space<vmem>>)
      %dma_start3A_36 = arith.constant 0 : i32
      %dma_start3A_37 = arith.constant 0 : i32
      %dma_start3A_38 = tpu.memref_slice %arg7[%dma_start3A_36, %dma_start3A_37] : memref<16x128xi32, #tpu.memory_space<vmem>> -> memref<1x128xi32, #tpu.memory_space<vmem>>
      %dma_start3A_39 = tpu.memref_squeeze %dma_start3A_38 : memref<1x128xi32, #tpu.memory_space<vmem>> -> memref<128xi32, #tpu.memory_space<vmem>>
      %dma_start3A_40 = arith.constant 0 : i32
      %dma_start3A_41 = arith.constant 0 : i32
      %dma_start3A_42 = tpu.memref_slice %arg2[%dma_start3A_40, %dma_start3A_41] : memref<10000x128xf32, #tpu.memory_space<hbm>> -> memref<10000x128xf32, #tpu.memory_space<hbm>>
      tpu.enqueue_indirect_dma source(%dma_start3A_42 : memref<10000x128xf32, #tpu.memory_space<hbm>>) target(%arg9 : memref<128x128xf32, #tpu.memory_space<vmem>>) offsets(%dma_start3A_39 : memref<128xi32, #tpu.memory_space<vmem>>) semaphore(%arg12 : memref<!tpu.dma_semaphore, #tpu.memory_space<semaphore_mem>>)
      %scan3A_43 = arith.constant 0 : i32
      %scan3A_44 = arith.constant 0 : i32
      %scan3A_45 = arith.constant 8 : i32
      %scan3A_46 = arith.addi %scan3A_44, %scan3A_45 : i32
      %scan3A_47 = arith.constant 1 : i32
      scf.for %scan3A_56 = %scan3A_44 to %scan3A_46 step %scan3A_47  : i32 {
        %mul3A_57 = arith.constant 2 : i32
        %mul3A_58 = arith.muli %mul3A_57, %scan3A_56 : i32
        %ge3A = arith.constant 1 : i32
        %ge3A_59 = arith.cmpi sge, %mul3A_58, %ge3A : i32
        %convert_element_type3A = arith.extui %ge3A_59 : i1 to i32
        %cond3A = arith.constant 0 : i32
        %cond3A_60 = arith.cmpi ne, %convert_element_type3A, %cond3A : i32
        scf.if %cond3A_60 {
          %sub3A = arith.constant 1 : i32
          %sub3A_107 = arith.subi %mul3A_58, %sub3A : i32
          %dma_wait3A_108 = arith.constant 0 : i32
          %dma_wait3A_109 = tpu.memref_slice %arg8[%sub3A_107, %dma_wait3A_108] : memref<16x128xi32, #tpu.memory_space<vmem>> -> memref<1x128xi32, #tpu.memory_space<vmem>>
          %dma_wait3A_110 = tpu.memref_squeeze %dma_wait3A_109 : memref<1x128xi32, #tpu.memory_space<vmem>> -> memref<128xi32, #tpu.memory_space<vmem>>
          %dma_wait3A_111 = arith.constant 0 : i32
          %dma_wait3A_112 = arith.constant 0 : i32
          %dma_wait3A_113 = tpu.memref_slice %arg11[%dma_wait3A_111, %dma_wait3A_112] : memref<10112x128xf32, #tpu.memory_space<vmem_shared>> -> memref<10112x128xf32, #tpu.memory_space<vmem_shared>>
          tpu.wait_indirect_dma semaphore(%arg15 : memref<!tpu.dma_semaphore, #tpu.memory_space<semaphore_mem>>) src(%arg10 : memref<128x128xf32, #tpu.memory_space<vmem>>) dst(%dma_wait3A_113 : memref<10112x128xf32, #tpu.memory_space<vmem_shared>>)
        } else {
        }
        %add3A_61 = arith.constant 1 : i32
        %add3A_62 = arith.addi %mul3A_58, %add3A_61 : i32
        %lt3A = arith.constant 16 : i32
        %lt3A_63 = arith.cmpi slt, %add3A_62, %lt3A : i32
        %convert_element_type3A_64 = arith.extui %lt3A_63 : i1 to i32
        %cond3A_65 = arith.constant 0 : i32
        %cond3A_66 = arith.cmpi ne, %convert_element_type3A_64, %cond3A_65 : i32
        scf.if %cond3A_66 {
          %add3A_107 = arith.constant 1 : i32
          %add3A_108 = arith.addi %mul3A_58, %add3A_107 : i32
          %dma_start3A_109 = arith.constant 0 : i32
          %dma_start3A_110 = tpu.memref_slice %arg7[%add3A_108, %dma_start3A_109] : memref<16x128xi32, #tpu.memory_space<vmem>> -> memref<1x128xi32, #tpu.memory_space<vmem>>
          %dma_start3A_111 = tpu.memref_squeeze %dma_start3A_110 : memref<1x128xi32, #tpu.memory_space<vmem>> -> memref<128xi32, #tpu.memory_space<vmem>>
          %dma_start3A_112 = arith.constant 0 : i32
          %dma_start3A_113 = arith.constant 0 : i32
          %dma_start3A_114 = tpu.memref_slice %arg2[%dma_start3A_112, %dma_start3A_113] : memref<10000x128xf32, #tpu.memory_space<hbm>> -> memref<10000x128xf32, #tpu.memory_space<hbm>>
          tpu.enqueue_indirect_dma source(%dma_start3A_114 : memref<10000x128xf32, #tpu.memory_space<hbm>>) target(%arg10 : memref<128x128xf32, #tpu.memory_space<vmem>>) offsets(%dma_start3A_111 : memref<128xi32, #tpu.memory_space<vmem>>) semaphore(%arg13 : memref<!tpu.dma_semaphore, #tpu.memory_space<semaphore_mem>>)
        } else {
        }
        %dma_wait3A_67 = arith.constant 0 : i32
        %dma_wait3A_68 = tpu.memref_slice %arg7[%mul3A_58, %dma_wait3A_67] : memref<16x128xi32, #tpu.memory_space<vmem>> -> memref<1x128xi32, #tpu.memory_space<vmem>>
        %dma_wait3A_69 = tpu.memref_squeeze %dma_wait3A_68 : memref<1x128xi32, #tpu.memory_space<vmem>> -> memref<128xi32, #tpu.memory_space<vmem>>
        %dma_wait3A_70 = arith.constant 0 : i32
        %dma_wait3A_71 = arith.constant 0 : i32
        %dma_wait3A_72 = tpu.memref_slice %arg2[%dma_wait3A_70, %dma_wait3A_71] : memref<10000x128xf32, #tpu.memory_space<hbm>> -> memref<10000x128xf32, #tpu.memory_space<hbm>>
        tpu.wait_indirect_dma semaphore(%arg12 : memref<!tpu.dma_semaphore, #tpu.memory_space<semaphore_mem>>) src(%dma_wait3A_72 : memref<10000x128xf32, #tpu.memory_space<hbm>>) dst(%arg9 : memref<128x128xf32, #tpu.memory_space<vmem>>)
        %dma_start3A_73 = arith.constant 0 : i32
        %dma_start3A_74 = tpu.memref_slice %arg8[%mul3A_58, %dma_start3A_73] : memref<16x128xi32, #tpu.memory_space<vmem>> -> memref<1x128xi32, #tpu.memory_space<vmem>>
        %dma_start3A_75 = tpu.memref_squeeze %dma_start3A_74 : memref<1x128xi32, #tpu.memory_space<vmem>> -> memref<128xi32, #tpu.memory_space<vmem>>
        %dma_start3A_76 = arith.constant 0 : i32
        %dma_start3A_77 = arith.constant 0 : i32
        %dma_start3A_78 = tpu.memref_slice %arg11[%dma_start3A_76, %dma_start3A_77] : memref<10112x128xf32, #tpu.memory_space<vmem_shared>> -> memref<10112x128xf32, #tpu.memory_space<vmem_shared>>
        tpu.enqueue_indirect_dma source(%arg9 : memref<128x128xf32, #tpu.memory_space<vmem>>) target(%dma_start3A_78 : memref<10112x128xf32, #tpu.memory_space<vmem_shared>>) offsets(%dma_start3A_75 : memref<128xi32, #tpu.memory_space<vmem>>) semaphore(%arg14 : memref<!tpu.dma_semaphore, #tpu.memory_space<semaphore_mem>>) {add = true}
        %mul3A_79 = arith.constant 2 : i32
        %mul3A_80 = arith.muli %mul3A_79, %scan3A_56 : i32
        %add3A_81 = arith.constant 1 : i32
        %add3A_82 = arith.addi %mul3A_80, %add3A_81 : i32
        %ge3A_83 = arith.constant 1 : i32
        %ge3A_84 = arith.cmpi sge, %add3A_82, %ge3A_83 : i32
        %convert_element_type3A_85 = arith.extui %ge3A_84 : i1 to i32
        %cond3A_86 = arith.constant 0 : i32
        %cond3A_87 = arith.cmpi ne, %convert_element_type3A_85, %cond3A_86 : i32
        scf.if %cond3A_87 {
          %sub3A = arith.constant 1 : i32
          %sub3A_107 = arith.subi %add3A_82, %sub3A : i32
          %dma_wait3A_108 = arith.constant 0 : i32
          %dma_wait3A_109 = tpu.memref_slice %arg8[%sub3A_107, %dma_wait3A_108] : memref<16x128xi32, #tpu.memory_space<vmem>> -> memref<1x128xi32, #tpu.memory_space<vmem>>
          %dma_wait3A_110 = tpu.memref_squeeze %dma_wait3A_109 : memref<1x128xi32, #tpu.memory_space<vmem>> -> memref<128xi32, #tpu.memory_space<vmem>>
          %dma_wait3A_111 = arith.constant 0 : i32
          %dma_wait3A_112 = arith.constant 0 : i32
          %dma_wait3A_113 = tpu.memref_slice %arg11[%dma_wait3A_111, %dma_wait3A_112] : memref<10112x128xf32, #tpu.memory_space<vmem_shared>> -> memref<10112x128xf32, #tpu.memory_space<vmem_shared>>
          tpu.wait_indirect_dma semaphore(%arg14 : memref<!tpu.dma_semaphore, #tpu.memory_space<semaphore_mem>>) src(%arg9 : memref<128x128xf32, #tpu.memory_space<vmem>>) dst(%dma_wait3A_113 : memref<10112x128xf32, #tpu.memory_space<vmem_shared>>)
        } else {
        }
        %add3A_88 = arith.constant 1 : i32
        %add3A_89 = arith.addi %add3A_82, %add3A_88 : i32
        %lt3A_90 = arith.constant 16 : i32
        %lt3A_91 = arith.cmpi slt, %add3A_89, %lt3A_90 : i32
        %convert_element_type3A_92 = arith.extui %lt3A_91 : i1 to i32
        %cond3A_93 = arith.constant 0 : i32
        %cond3A_94 = arith.cmpi ne, %convert_element_type3A_92, %cond3A_93 : i32
        scf.if %cond3A_94 {
          %add3A_107 = arith.constant 1 : i32
          %add3A_108 = arith.addi %add3A_82, %add3A_107 : i32
          %dma_start3A_109 = arith.constant 0 : i32
          %dma_start3A_110 = tpu.memref_slice %arg7[%add3A_108, %dma_start3A_109] : memref<16x128xi32, #tpu.memory_space<vmem>> -> memref<1x128xi32, #tpu.memory_space<vmem>>
          %dma_start3A_111 = tpu.memref_squeeze %dma_start3A_110 : memref<1x128xi32, #tpu.memory_space<vmem>> -> memref<128xi32, #tpu.memory_space<vmem>>
          %dma_start3A_112 = arith.constant 0 : i32
          %dma_start3A_113 = arith.constant 0 : i32
          %dma_start3A_114 = tpu.memref_slice %arg2[%dma_start3A_112, %dma_start3A_113] : memref<10000x128xf32, #tpu.memory_space<hbm>> -> memref<10000x128xf32, #tpu.memory_space<hbm>>
          tpu.enqueue_indirect_dma source(%dma_start3A_114 : memref<10000x128xf32, #tpu.memory_space<hbm>>) target(%arg9 : memref<128x128xf32, #tpu.memory_space<vmem>>) offsets(%dma_start3A_111 : memref<128xi32, #tpu.memory_space<vmem>>) semaphore(%arg12 : memref<!tpu.dma_semaphore, #tpu.memory_space<semaphore_mem>>)
        } else {
        }
        %dma_wait3A_95 = arith.constant 0 : i32
        %dma_wait3A_96 = tpu.memref_slice %arg7[%add3A_82, %dma_wait3A_95] : memref<16x128xi32, #tpu.memory_space<vmem>> -> memref<1x128xi32, #tpu.memory_space<vmem>>
        %dma_wait3A_97 = tpu.memref_squeeze %dma_wait3A_96 : memref<1x128xi32, #tpu.memory_space<vmem>> -> memref<128xi32, #tpu.memory_space<vmem>>
        %dma_wait3A_98 = arith.constant 0 : i32
        %dma_wait3A_99 = arith.constant 0 : i32
        %dma_wait3A_100 = tpu.memref_slice %arg2[%dma_wait3A_98, %dma_wait3A_99] : memref<10000x128xf32, #tpu.memory_space<hbm>> -> memref<10000x128xf32, #tpu.memory_space<hbm>>
        tpu.wait_indirect_dma semaphore(%arg13 : memref<!tpu.dma_semaphore, #tpu.memory_space<semaphore_mem>>) src(%dma_wait3A_100 : memref<10000x128xf32, #tpu.memory_space<hbm>>) dst(%arg10 : memref<128x128xf32, #tpu.memory_space<vmem>>)
        %dma_start3A_101 = arith.constant 0 : i32
        %dma_start3A_102 = tpu.memref_slice %arg8[%add3A_82, %dma_start3A_101] : memref<16x128xi32, #tpu.memory_space<vmem>> -> memref<1x128xi32, #tpu.memory_space<vmem>>
        %dma_start3A_103 = tpu.memref_squeeze %dma_start3A_102 : memref<1x128xi32, #tpu.memory_space<vmem>> -> memref<128xi32, #tpu.memory_space<vmem>>
        %dma_start3A_104 = arith.constant 0 : i32
        %dma_start3A_105 = arith.constant 0 : i32
        %dma_start3A_106 = tpu.memref_slice %arg11[%dma_start3A_104, %dma_start3A_105] : memref<10112x128xf32, #tpu.memory_space<vmem_shared>> -> memref<10112x128xf32, #tpu.memory_space<vmem_shared>>
        tpu.enqueue_indirect_dma source(%arg10 : memref<128x128xf32, #tpu.memory_space<vmem>>) target(%dma_start3A_106 : memref<10112x128xf32, #tpu.memory_space<vmem_shared>>) offsets(%dma_start3A_103 : memref<128xi32, #tpu.memory_space<vmem>>) semaphore(%arg15 : memref<!tpu.dma_semaphore, #tpu.memory_space<semaphore_mem>>) {add = true}
      }
      %scan3A_48 = arith.constant 8 : i32
      %dma_wait3A_49 = arith.constant 15 : i32
      %dma_wait3A_50 = arith.constant 0 : i32
      %dma_wait3A_51 = tpu.memref_slice %arg8[%dma_wait3A_49, %dma_wait3A_50] : memref<16x128xi32, #tpu.memory_space<vmem>> -> memref<1x128xi32, #tpu.memory_space<vmem>>
      %dma_wait3A_52 = tpu.memref_squeeze %dma_wait3A_51 : memref<1x128xi32, #tpu.memory_space<vmem>> -> memref<128xi32, #tpu.memory_space<vmem>>
      %dma_wait3A_53 = arith.constant 0 : i32
      %dma_wait3A_54 = arith.constant 0 : i32
      %dma_wait3A_55 = tpu.memref_slice %arg11[%dma_wait3A_53, %dma_wait3A_54] : memref<10112x128xf32, #tpu.memory_space<vmem_shared>> -> memref<10112x128xf32, #tpu.memory_space<vmem_shared>>
      tpu.wait_indirect_dma semaphore(%arg15 : memref<!tpu.dma_semaphore, #tpu.memory_space<semaphore_mem>>) src(%arg10 : memref<128x128xf32, #tpu.memory_space<vmem>>) dst(%dma_wait3A_55 : memref<10112x128xf32, #tpu.memory_space<vmem_shared>>)
    }
    %scan3A_7 = arith.constant 5 : i32
    %barrier3A_8 = arith.constant 0 : index
    tpu.barrier barrier_id(%barrier3A_8)
    "tpu.region"() ({
      %run_scoped3A = tpu.sem_alloc : memref<!tpu.dma_semaphore, #tpu.memory_space<semaphore_mem>>
      %dma_start3A = arith.constant 0 : i32
      %dma_start3A_9 = tpu.memref_slice %arg6[%arg0, %mul3A_2, %dma_start3A] : memref<2x10112x128xf32, #tpu.memory_space<hbm>> -> memref<1x632x128xf32, #tpu.memory_space<hbm>>
      %dma_start3A_10 = tpu.memref_squeeze %dma_start3A_9 : memref<1x632x128xf32, #tpu.memory_space<hbm>> -> memref<632x128xf32, #tpu.memory_space<hbm>>
      %dma_start3A_11 = arith.constant 0 : i32
      %dma_start3A_12 = tpu.memref_slice %arg11[%mul3A_2, %dma_start3A_11] : memref<10112x128xf32, #tpu.memory_space<vmem_shared>> -> memref<632x128xf32, #tpu.memory_space<vmem_shared>>
      tpu.enqueue_dma source(%dma_start3A_12 : memref<632x128xf32, #tpu.memory_space<vmem_shared>>) target(%dma_start3A_10 : memref<632x128xf32, #tpu.memory_space<hbm>>) target_semaphore(%run_scoped3A : memref<!tpu.dma_semaphore, #tpu.memory_space<semaphore_mem>>)
      %dma_wait3A = arith.constant 0 : i32
      %dma_wait3A_13 = tpu.memref_slice %arg6[%arg0, %mul3A_2, %dma_wait3A] : memref<2x10112x128xf32, #tpu.memory_space<hbm>> -> memref<1x632x128xf32, #tpu.memory_space<hbm>>
      %dma_wait3A_14 = tpu.memref_squeeze %dma_wait3A_13 : memref<1x632x128xf32, #tpu.memory_space<hbm>> -> memref<632x128xf32, #tpu.memory_space<hbm>>
      %dma_wait3A_15 = arith.constant 0 : i32
      %dma_wait3A_16 = tpu.memref_slice %arg11[%mul3A_2, %dma_wait3A_15] : memref<10112x128xf32, #tpu.memory_space<vmem_shared>> -> memref<632x128xf32, #tpu.memory_space<vmem_shared>>
      tpu.wait_dma2 semaphore(%run_scoped3A : memref<!tpu.dma_semaphore, #tpu.memory_space<semaphore_mem>>) src(%dma_wait3A_16 : memref<632x128xf32, #tpu.memory_space<vmem_shared>>) dst(%dma_wait3A_14 : memref<632x128xf32, #tpu.memory_space<hbm>>)
      tpu.yield
    }) : () -> ()
    return
  }
}

#map = affine_map<(d0, d1) -> (0, 0, 0)>
#map1 = affine_map<(d0, d1) -> (0, 0)>
module attributes {stable_mosaic.version = 14 : i64} {
  func.func @_deg_body(%arg0: i32, %arg1: i32, %arg2: memref<32x80x128xi32, #tpu.memory_space<hbm>>, %arg3: memref<2x10240xf32, #tpu.memory_space<hbm>>, %arg4: memref<80x128xi32, #tpu.memory_space<vmem>>, %arg5: memref<10240xf32, #tpu.memory_space<vmem>>, %arg6: memref<640xf32, #tpu.memory_space<vmem>>, %arg7: memref<640xf32, #tpu.memory_space<vmem>>, %arg8: memref<16x10240xf32, #tpu.memory_space<vmem_shared>>, %arg9: memref<!tpu.dma_semaphore, #tpu.memory_space<semaphore_mem>>) attributes {dimension_semantics = [#tpu.dimension_semantics<core_parallel>, #tpu.dimension_semantics<subcore_parallel>], iteration_bounds = array<i64: 2, 16>, scalar_prefetch = 0 : i64, scratch_operands = 6 : i64, tpu.core_type = #tpu.core_type<sc_vector_subcore>, window_params = [{transform_indices = #map}, {transform_indices = #map1}]} {
    %mul3A = arith.constant 2 : i32
    %mul3A_0 = arith.muli %arg1, %mul3A : i32
    %add3A = arith.addi %mul3A_0, %arg0 : i32
    %dma_start3A = arith.constant 0 : i32
    %dma_start3A_1 = arith.constant 0 : i32
    %dma_start3A_2 = tpu.memref_slice %arg2[%add3A, %dma_start3A, %dma_start3A_1] : memref<32x80x128xi32, #tpu.memory_space<hbm>> -> memref<1x80x128xi32, #tpu.memory_space<hbm>>
    %dma_start3A_3 = tpu.memref_squeeze %dma_start3A_2 : memref<1x80x128xi32, #tpu.memory_space<hbm>> -> memref<80x128xi32, #tpu.memory_space<hbm>>
    %dma_start3A_4 = arith.constant 0 : i32
    %dma_start3A_5 = arith.constant 0 : i32
    %dma_start3A_6 = tpu.memref_slice %arg2[%add3A, %dma_start3A_4, %dma_start3A_5] : memref<32x80x128xi32, #tpu.memory_space<hbm>> -> memref<1x80x128xi32, #tpu.memory_space<hbm>>
    %dma_start3A_7 = tpu.memref_squeeze %dma_start3A_6 : memref<1x80x128xi32, #tpu.memory_space<hbm>> -> memref<80x128xi32, #tpu.memory_space<hbm>>
    tpu.enqueue_dma source(%dma_start3A_7 : memref<80x128xi32, #tpu.memory_space<hbm>>) target(%arg4 : memref<80x128xi32, #tpu.memory_space<vmem>>) target_semaphore(%arg9 : memref<!tpu.dma_semaphore, #tpu.memory_space<semaphore_mem>>)
    %broadcast_in_dim3A = arith.constant 0.000000e+00 : f32
    %broadcast_in_dim3A_8 = vector.broadcast %broadcast_in_dim3A : f32 to vector<16xf32>
    %scan3A = arith.constant 0 : i32
    %scan3A_9 = arith.constant 0 : i32
    %scan3A_10 = arith.constant 640 : i32
    %scan3A_11 = arith.addi %scan3A_9, %scan3A_10 : i32
    %scan3A_12 = arith.constant 1 : i32
    scf.for %scan3A_43 = %scan3A_9 to %scan3A_11 step %scan3A_12  : i32 {
      %mul3A_44 = arith.constant 16 : i32
      %mul3A_45 = arith.muli %scan3A_43, %mul3A_44 : i32
      %swap3A = arith.index_cast %mul3A_45 : i32 to index
      %swap3A_46 = tpu.vector_load %arg5[%swap3A] {strides = array<i32>} : memref<10240xf32, #tpu.memory_space<vmem>>, vector<16xf32>,
      tpu.vector_store %arg5[%swap3A], %broadcast_in_dim3A_8 {strides = array<i32>} : memref<10240xf32, #tpu.memory_space<vmem>>, vector<16xf32>,
    }
    %scan3A_13 = arith.constant 640 : i32
    %dma_wait3A = arith.constant 0 : i32
    %dma_wait3A_14 = arith.constant 0 : i32
    %dma_wait3A_15 = tpu.memref_slice %arg2[%add3A, %dma_wait3A, %dma_wait3A_14] : memref<32x80x128xi32, #tpu.memory_space<hbm>> -> memref<1x80x128xi32, #tpu.memory_space<hbm>>
    %dma_wait3A_16 = tpu.memref_squeeze %dma_wait3A_15 : memref<1x80x128xi32, #tpu.memory_space<hbm>> -> memref<80x128xi32, #tpu.memory_space<hbm>>
    %dma_wait3A_17 = arith.constant 0 : i32
    %dma_wait3A_18 = arith.constant 0 : i32
    %dma_wait3A_19 = tpu.memref_slice %arg2[%add3A, %dma_wait3A_17, %dma_wait3A_18] : memref<32x80x128xi32, #tpu.memory_space<hbm>> -> memref<1x80x128xi32, #tpu.memory_space<hbm>>
    %dma_wait3A_20 = tpu.memref_squeeze %dma_wait3A_19 : memref<1x80x128xi32, #tpu.memory_space<hbm>> -> memref<80x128xi32, #tpu.memory_space<hbm>>
    tpu.wait_dma2 semaphore(%arg9 : memref<!tpu.dma_semaphore, #tpu.memory_space<semaphore_mem>>) src(%dma_wait3A_20 : memref<80x128xi32, #tpu.memory_space<hbm>>) dst(%arg4 : memref<80x128xi32, #tpu.memory_space<vmem>>)
    %broadcast_in_dim3A_21 = arith.constant 1.000000e+00 : f32
    %broadcast_in_dim3A_22 = vector.broadcast %broadcast_in_dim3A_21 : f32 to vector<16xf32>
    %scan3A_23 = arith.constant 0 : i32
    %scan3A_24 = arith.constant 0 : i32
    %scan3A_25 = arith.constant 80 : i32
    %scan3A_26 = arith.addi %scan3A_24, %scan3A_25 : i32
    %scan3A_27 = arith.constant 1 : i32
    scf.for %scan3A_43 = %scan3A_24 to %scan3A_26 step %scan3A_27  : i32 {
      %get3A = arith.index_cast %scan3A_43 : i32 to index
      %get3A_44 = arith.constant 0 : index
      %get3A_45 = tpu.vector_load %arg4[%get3A, %get3A_44] {strides = array<i32>} : memref<80x128xi32, #tpu.memory_space<vmem>>, vector<16xi32>,
      tpu.vector_store_idx %arg5[%get3A_45], %broadcast_in_dim3A_22 {add = true} : memref<10240xf32, #tpu.memory_space<vmem>>[vector<16xi32>], vector<16xf32>,
      %get3A_46 = arith.index_cast %scan3A_43 : i32 to index
      %get3A_47 = arith.constant 16 : index
      %get3A_48 = tpu.vector_load %arg4[%get3A_46, %get3A_47] {strides = array<i32>} : memref<80x128xi32, #tpu.memory_space<vmem>>, vector<16xi32>,
      tpu.vector_store_idx %arg5[%get3A_48], %broadcast_in_dim3A_22 {add = true} : memref<10240xf32, #tpu.memory_space<vmem>>[vector<16xi32>], vector<16xf32>,
      %get3A_49 = arith.index_cast %scan3A_43 : i32 to index
      %get3A_50 = arith.constant 32 : index
      %get3A_51 = tpu.vector_load %arg4[%get3A_49, %get3A_50] {strides = array<i32>} : memref<80x128xi32, #tpu.memory_space<vmem>>, vector<16xi32>,
      tpu.vector_store_idx %arg5[%get3A_51], %broadcast_in_dim3A_22 {add = true} : memref<10240xf32, #tpu.memory_space<vmem>>[vector<16xi32>], vector<16xf32>,
      %get3A_52 = arith.index_cast %scan3A_43 : i32 to index
      %get3A_53 = arith.constant 48 : index
      %get3A_54 = tpu.vector_load %arg4[%get3A_52, %get3A_53] {strides = array<i32>} : memref<80x128xi32, #tpu.memory_space<vmem>>, vector<16xi32>,
      tpu.vector_store_idx %arg5[%get3A_54], %broadcast_in_dim3A_22 {add = true} : memref<10240xf32, #tpu.memory_space<vmem>>[vector<16xi32>], vector<16xf32>,
      %get3A_55 = arith.index_cast %scan3A_43 : i32 to index
      %get3A_56 = arith.constant 64 : index
      %get3A_57 = tpu.vector_load %arg4[%get3A_55, %get3A_56] {strides = array<i32>} : memref<80x128xi32, #tpu.memory_space<vmem>>, vector<16xi32>,
      tpu.vector_store_idx %arg5[%get3A_57], %broadcast_in_dim3A_22 {add = true} : memref<10240xf32, #tpu.memory_space<vmem>>[vector<16xi32>], vector<16xf32>,
      %get3A_58 = arith.index_cast %scan3A_43 : i32 to index
      %get3A_59 = arith.constant 80 : index
      %get3A_60 = tpu.vector_load %arg4[%get3A_58, %get3A_59] {strides = array<i32>} : memref<80x128xi32, #tpu.memory_space<vmem>>, vector<16xi32>,
      tpu.vector_store_idx %arg5[%get3A_60], %broadcast_in_dim3A_22 {add = true} : memref<10240xf32, #tpu.memory_space<vmem>>[vector<16xi32>], vector<16xf32>,
      %get3A_61 = arith.index_cast %scan3A_43 : i32 to index
      %get3A_62 = arith.constant 96 : index
      %get3A_63 = tpu.vector_load %arg4[%get3A_61, %get3A_62] {strides = array<i32>} : memref<80x128xi32, #tpu.memory_space<vmem>>, vector<16xi32>,
      tpu.vector_store_idx %arg5[%get3A_63], %broadcast_in_dim3A_22 {add = true} : memref<10240xf32, #tpu.memory_space<vmem>>[vector<16xi32>], vector<16xf32>,
      %get3A_64 = arith.index_cast %scan3A_43 : i32 to index
      %get3A_65 = arith.constant 112 : index
      %get3A_66 = tpu.vector_load %arg4[%get3A_64, %get3A_65] {strides = array<i32>} : memref<80x128xi32, #tpu.memory_space<vmem>>, vector<16xi32>,
      tpu.vector_store_idx %arg5[%get3A_66], %broadcast_in_dim3A_22 {add = true} : memref<10240xf32, #tpu.memory_space<vmem>>[vector<16xi32>], vector<16xf32>,
    }
    %scan3A_28 = arith.constant 80 : i32
    "tpu.region"() ({
      %run_scoped3A = tpu.sem_alloc : memref<!tpu.dma_semaphore, #tpu.memory_space<semaphore_mem>>
      %dma_start3A_43 = arith.constant 0 : i32
      %dma_start3A_44 = tpu.memref_slice %arg8[%arg1, %dma_start3A_43] : memref<16x10240xf32, #tpu.memory_space<vmem_shared>> -> memref<1x10240xf32, #tpu.memory_space<vmem_shared>>
      %dma_start3A_45 = tpu.memref_squeeze %dma_start3A_44 : memref<1x10240xf32, #tpu.memory_space<vmem_shared>> -> memref<10240xf32, #tpu.memory_space<vmem_shared>>
      %dma_start3A_46 = arith.constant 0 : i32
      %dma_start3A_47 = tpu.memref_slice %arg8[%arg1, %dma_start3A_46] : memref<16x10240xf32, #tpu.memory_space<vmem_shared>> -> memref<1x10240xf32, #tpu.memory_space<vmem_shared>>
      %dma_start3A_48 = tpu.memref_squeeze %dma_start3A_47 : memref<1x10240xf32, #tpu.memory_space<vmem_shared>> -> memref<10240xf32, #tpu.memory_space<vmem_shared>>
      tpu.enqueue_dma source(%arg5 : memref<10240xf32, #tpu.memory_space<vmem>>) target(%dma_start3A_48 : memref<10240xf32, #tpu.memory_space<vmem_shared>>) target_semaphore(%run_scoped3A : memref<!tpu.dma_semaphore, #tpu.memory_space<semaphore_mem>>)
      %dma_wait3A_49 = arith.constant 0 : i32
      %dma_wait3A_50 = tpu.memref_slice %arg8[%arg1, %dma_wait3A_49] : memref<16x10240xf32, #tpu.memory_space<vmem_shared>> -> memref<1x10240xf32, #tpu.memory_space<vmem_shared>>
      %dma_wait3A_51 = tpu.memref_squeeze %dma_wait3A_50 : memref<1x10240xf32, #tpu.memory_space<vmem_shared>> -> memref<10240xf32, #tpu.memory_space<vmem_shared>>
      %dma_wait3A_52 = arith.constant 0 : i32
      %dma_wait3A_53 = tpu.memref_slice %arg8[%arg1, %dma_wait3A_52] : memref<16x10240xf32, #tpu.memory_space<vmem_shared>> -> memref<1x10240xf32, #tpu.memory_space<vmem_shared>>
      %dma_wait3A_54 = tpu.memref_squeeze %dma_wait3A_53 : memref<1x10240xf32, #tpu.memory_space<vmem_shared>> -> memref<10240xf32, #tpu.memory_space<vmem_shared>>
      tpu.wait_dma2 semaphore(%run_scoped3A : memref<!tpu.dma_semaphore, #tpu.memory_space<semaphore_mem>>) src(%arg5 : memref<10240xf32, #tpu.memory_space<vmem>>) dst(%dma_wait3A_54 : memref<10240xf32, #tpu.memory_space<vmem_shared>>)
      tpu.yield
    }) : () -> ()
    %barrier3A = arith.constant 0 : index
    tpu.barrier barrier_id(%barrier3A)
    %scan3A_29 = arith.constant 0 : i32
    %scan3A_30 = arith.constant 0 : i32
    %scan3A_31 = arith.constant 40 : i32
    %scan3A_32 = arith.addi %scan3A_30, %scan3A_31 : i32
    %scan3A_33 = arith.constant 1 : i32
    scf.for %scan3A_43 = %scan3A_30 to %scan3A_32 step %scan3A_33  : i32 {
      %mul3A_44 = arith.constant 16 : i32
      %mul3A_45 = arith.muli %scan3A_43, %mul3A_44 : i32
      %swap3A = arith.index_cast %mul3A_45 : i32 to index
      %swap3A_46 = tpu.vector_load %arg6[%swap3A] {strides = array<i32>} : memref<640xf32, #tpu.memory_space<vmem>>, vector<16xf32>,
      tpu.vector_store %arg6[%swap3A], %broadcast_in_dim3A_8 {strides = array<i32>} : memref<640xf32, #tpu.memory_space<vmem>>, vector<16xf32>,
    }
    %scan3A_34 = arith.constant 40 : i32
    %scan3A_35 = arith.constant 0 : i32
    %scan3A_36 = arith.constant 0 : i32
    %scan3A_37 = arith.constant 16 : i32
    %scan3A_38 = arith.addi %scan3A_36, %scan3A_37 : i32
    %scan3A_39 = arith.constant 1 : i32
    scf.for %scan3A_43 = %scan3A_36 to %scan3A_38 step %scan3A_39  : i32 {
      %mul3A_44 = arith.constant 640 : i32
      %mul3A_45 = arith.muli %arg1, %mul3A_44 : i32
      "tpu.region"() ({
        %run_scoped3A = tpu.sem_alloc : memref<!tpu.dma_semaphore, #tpu.memory_space<semaphore_mem>>
        %dma_start3A_324 = tpu.memref_slice %arg8[%scan3A_43, %mul3A_45] : memref<16x10240xf32, #tpu.memory_space<vmem_shared>> -> memref<1x640xf32, #tpu.memory_space<vmem_shared>>
        %dma_start3A_325 = tpu.memref_squeeze %dma_start3A_324 : memref<1x640xf32, #tpu.memory_space<vmem_shared>> -> memref<640xf32, #tpu.memory_space<vmem_shared>>
        %dma_start3A_326 = tpu.memref_slice %arg8[%scan3A_43, %mul3A_45] : memref<16x10240xf32, #tpu.memory_space<vmem_shared>> -> memref<1x640xf32, #tpu.memory_space<vmem_shared>>
        %dma_start3A_327 = tpu.memref_squeeze %dma_start3A_326 : memref<1x640xf32, #tpu.memory_space<vmem_shared>> -> memref<640xf32, #tpu.memory_space<vmem_shared>>
        tpu.enqueue_dma source(%dma_start3A_327 : memref<640xf32, #tpu.memory_space<vmem_shared>>) target(%arg7 : memref<640xf32, #tpu.memory_space<vmem>>) target_semaphore(%run_scoped3A : memref<!tpu.dma_semaphore, #tpu.memory_space<semaphore_mem>>)
        %dma_wait3A_328 = tpu.memref_slice %arg8[%scan3A_43, %mul3A_45] : memref<16x10240xf32, #tpu.memory_space<vmem_shared>> -> memref<1x640xf32, #tpu.memory_space<vmem_shared>>
        %dma_wait3A_329 = tpu.memref_squeeze %dma_wait3A_328 : memref<1x640xf32, #tpu.memory_space<vmem_shared>> -> memref<640xf32, #tpu.memory_space<vmem_shared>>
        %dma_wait3A_330 = tpu.memref_slice %arg8[%scan3A_43, %mul3A_45] : memref<16x10240xf32, #tpu.memory_space<vmem_shared>> -> memref<1x640xf32, #tpu.memory_space<vmem_shared>>
        %dma_wait3A_331 = tpu.memref_squeeze %dma_wait3A_330 : memref<1x640xf32, #tpu.memory_space<vmem_shared>> -> memref<640xf32, #tpu.memory_space<vmem_shared>>
        tpu.wait_dma2 semaphore(%run_scoped3A : memref<!tpu.dma_semaphore, #tpu.memory_space<semaphore_mem>>) src(%dma_wait3A_331 : memref<640xf32, #tpu.memory_space<vmem_shared>>) dst(%arg7 : memref<640xf32, #tpu.memory_space<vmem>>)
        tpu.yield
      }) : () -> ()
      %get3A = arith.constant 0 : index
      %get3A_46 = tpu.vector_load %arg6[%get3A] {strides = array<i32>} : memref<640xf32, #tpu.memory_space<vmem>>, vector<16xf32>,
      %get3A_47 = arith.constant 0 : index
      %get3A_48 = tpu.vector_load %arg7[%get3A_47] {strides = array<i32>} : memref<640xf32, #tpu.memory_space<vmem>>, vector<16xf32>,
      %add3A_49 = arith.addf %get3A_46, %get3A_48 : vector<16xf32>
      %swap3A = arith.constant 0 : index
      %swap3A_50 = tpu.vector_load %arg6[%swap3A] {strides = array<i32>} : memref<640xf32, #tpu.memory_space<vmem>>, vector<16xf32>,
      tpu.vector_store %arg6[%swap3A], %add3A_49 {strides = array<i32>} : memref<640xf32, #tpu.memory_space<vmem>>, vector<16xf32>,
      %get3A_51 = arith.constant 16 : index
      %get3A_52 = tpu.vector_load %arg6[%get3A_51] {strides = array<i32>} : memref<640xf32, #tpu.memory_space<vmem>>, vector<16xf32>,
      %get3A_53 = arith.constant 16 : index
      %get3A_54 = tpu.vector_load %arg7[%get3A_53] {strides = array<i32>} : memref<640xf32, #tpu.memory_space<vmem>>, vector<16xf32>,
      %add3A_55 = arith.addf %get3A_52, %get3A_54 : vector<16xf32>
      %swap3A_56 = arith.constant 16 : index
      %swap3A_57 = tpu.vector_load %arg6[%swap3A_56] {strides = array<i32>} : memref<640xf32, #tpu.memory_space<vmem>>, vector<16xf32>,
      tpu.vector_store %arg6[%swap3A_56], %add3A_55 {strides = array<i32>} : memref<640xf32, #tpu.memory_space<vmem>>, vector<16xf32>,
      %get3A_58 = arith.constant 32 : index
      %get3A_59 = tpu.vector_load %arg6[%get3A_58] {strides = array<i32>} : memref<640xf32, #tpu.memory_space<vmem>>, vector<16xf32>,
      %get3A_60 = arith.constant 32 : index
      %get3A_61 = tpu.vector_load %arg7[%get3A_60] {strides = array<i32>} : memref<640xf32, #tpu.memory_space<vmem>>, vector<16xf32>,
      %add3A_62 = arith.addf %get3A_59, %get3A_61 : vector<16xf32>
      %swap3A_63 = arith.constant 32 : index
      %swap3A_64 = tpu.vector_load %arg6[%swap3A_63] {strides = array<i32>} : memref<640xf32, #tpu.memory_space<vmem>>, vector<16xf32>,
      tpu.vector_store %arg6[%swap3A_63], %add3A_62 {strides = array<i32>} : memref<640xf32, #tpu.memory_space<vmem>>, vector<16xf32>,
      %get3A_65 = arith.constant 48 : index
      %get3A_66 = tpu.vector_load %arg6[%get3A_65] {strides = array<i32>} : memref<640xf32, #tpu.memory_space<vmem>>, vector<16xf32>,
      %get3A_67 = arith.constant 48 : index
      %get3A_68 = tpu.vector_load %arg7[%get3A_67] {strides = array<i32>} : memref<640xf32, #tpu.memory_space<vmem>>, vector<16xf32>,
      %add3A_69 = arith.addf %get3A_66, %get3A_68 : vector<16xf32>
      %swap3A_70 = arith.constant 48 : index
      %swap3A_71 = tpu.vector_load %arg6[%swap3A_70] {strides = array<i32>} : memref<640xf32, #tpu.memory_space<vmem>>, vector<16xf32>,
      tpu.vector_store %arg6[%swap3A_70], %add3A_69 {strides = array<i32>} : memref<640xf32, #tpu.memory_space<vmem>>, vector<16xf32>,
      %get3A_72 = arith.constant 64 : index
      %get3A_73 = tpu.vector_load %arg6[%get3A_72] {strides = array<i32>} : memref<640xf32, #tpu.memory_space<vmem>>, vector<16xf32>,
      %get3A_74 = arith.constant 64 : index
      %get3A_75 = tpu.vector_load %arg7[%get3A_74] {strides = array<i32>} : memref<640xf32, #tpu.memory_space<vmem>>, vector<16xf32>,
      %add3A_76 = arith.addf %get3A_73, %get3A_75 : vector<16xf32>
      %swap3A_77 = arith.constant 64 : index
      %swap3A_78 = tpu.vector_load %arg6[%swap3A_77] {strides = array<i32>} : memref<640xf32, #tpu.memory_space<vmem>>, vector<16xf32>,
      tpu.vector_store %arg6[%swap3A_77], %add3A_76 {strides = array<i32>} : memref<640xf32, #tpu.memory_space<vmem>>, vector<16xf32>,
      %get3A_79 = arith.constant 80 : index
      %get3A_80 = tpu.vector_load %arg6[%get3A_79] {strides = array<i32>} : memref<640xf32, #tpu.memory_space<vmem>>, vector<16xf32>,
      %get3A_81 = arith.constant 80 : index
      %get3A_82 = tpu.vector_load %arg7[%get3A_81] {strides = array<i32>} : memref<640xf32, #tpu.memory_space<vmem>>, vector<16xf32>,
      %add3A_83 = arith.addf %get3A_80, %get3A_82 : vector<16xf32>
      %swap3A_84 = arith.constant 80 : index
      %swap3A_85 = tpu.vector_load %arg6[%swap3A_84] {strides = array<i32>} : memref<640xf32, #tpu.memory_space<vmem>>, vector<16xf32>,
      tpu.vector_store %arg6[%swap3A_84], %add3A_83 {strides = array<i32>} : memref<640xf32, #tpu.memory_space<vmem>>, vector<16xf32>,
      %get3A_86 = arith.constant 96 : index
      %get3A_87 = tpu.vector_load %arg6[%get3A_86] {strides = array<i32>} : memref<640xf32, #tpu.memory_space<vmem>>, vector<16xf32>,
      %get3A_88 = arith.constant 96 : index
      %get3A_89 = tpu.vector_load %arg7[%get3A_88] {strides = array<i32>} : memref<640xf32, #tpu.memory_space<vmem>>, vector<16xf32>,
      %add3A_90 = arith.addf %get3A_87, %get3A_89 : vector<16xf32>
      %swap3A_91 = arith.constant 96 : index
      %swap3A_92 = tpu.vector_load %arg6[%swap3A_91] {strides = array<i32>} : memref<640xf32, #tpu.memory_space<vmem>>, vector<16xf32>,
      tpu.vector_store %arg6[%swap3A_91], %add3A_90 {strides = array<i32>} : memref<640xf32, #tpu.memory_space<vmem>>, vector<16xf32>,
      %get3A_93 = arith.constant 112 : index
      %get3A_94 = tpu.vector_load %arg6[%get3A_93] {strides = array<i32>} : memref<640xf32, #tpu.memory_space<vmem>>, vector<16xf32>,
      %get3A_95 = arith.constant 112 : index
      %get3A_96 = tpu.vector_load %arg7[%get3A_95] {strides = array<i32>} : memref<640xf32, #tpu.memory_space<vmem>>, vector<16xf32>,
      %add3A_97 = arith.addf %get3A_94, %get3A_96 : vector<16xf32>
      %swap3A_98 = arith.constant 112 : index
      %swap3A_99 = tpu.vector_load %arg6[%swap3A_98] {strides = array<i32>} : memref<640xf32, #tpu.memory_space<vmem>>, vector<16xf32>,
      tpu.vector_store %arg6[%swap3A_98], %add3A_97 {strides = array<i32>} : memref<640xf32, #tpu.memory_space<vmem>>, vector<16xf32>,
      %get3A_100 = arith.constant 128 : index
      %get3A_101 = tpu.vector_load %arg6[%get3A_100] {strides = array<i32>} : memref<640xf32, #tpu.memory_space<vmem>>, vector<16xf32>,
      %get3A_102 = arith.constant 128 : index
      %get3A_103 = tpu.vector_load %arg7[%get3A_102] {strides = array<i32>} : memref<640xf32, #tpu.memory_space<vmem>>, vector<16xf32>,
      %add3A_104 = arith.addf %get3A_101, %get3A_103 : vector<16xf32>
      %swap3A_105 = arith.constant 128 : index
      %swap3A_106 = tpu.vector_load %arg6[%swap3A_105] {strides = array<i32>} : memref<640xf32, #tpu.memory_space<vmem>>, vector<16xf32>,
      tpu.vector_store %arg6[%swap3A_105], %add3A_104 {strides = array<i32>} : memref<640xf32, #tpu.memory_space<vmem>>, vector<16xf32>,
      %get3A_107 = arith.constant 144 : index
      %get3A_108 = tpu.vector_load %arg6[%get3A_107] {strides = array<i32>} : memref<640xf32, #tpu.memory_space<vmem>>, vector<16xf32>,
      %get3A_109 = arith.constant 144 : index
      %get3A_110 = tpu.vector_load %arg7[%get3A_109] {strides = array<i32>} : memref<640xf32, #tpu.memory_space<vmem>>, vector<16xf32>,
      %add3A_111 = arith.addf %get3A_108, %get3A_110 : vector<16xf32>
      %swap3A_112 = arith.constant 144 : index
      %swap3A_113 = tpu.vector_load %arg6[%swap3A_112] {strides = array<i32>} : memref<640xf32, #tpu.memory_space<vmem>>, vector<16xf32>,
      tpu.vector_store %arg6[%swap3A_112], %add3A_111 {strides = array<i32>} : memref<640xf32, #tpu.memory_space<vmem>>, vector<16xf32>,
      %get3A_114 = arith.constant 160 : index
      %get3A_115 = tpu.vector_load %arg6[%get3A_114] {strides = array<i32>} : memref<640xf32, #tpu.memory_space<vmem>>, vector<16xf32>,
      %get3A_116 = arith.constant 160 : index
      %get3A_117 = tpu.vector_load %arg7[%get3A_116] {strides = array<i32>} : memref<640xf32, #tpu.memory_space<vmem>>, vector<16xf32>,
      %add3A_118 = arith.addf %get3A_115, %get3A_117 : vector<16xf32>
      %swap3A_119 = arith.constant 160 : index
      %swap3A_120 = tpu.vector_load %arg6[%swap3A_119] {strides = array<i32>} : memref<640xf32, #tpu.memory_space<vmem>>, vector<16xf32>,
      tpu.vector_store %arg6[%swap3A_119], %add3A_118 {strides = array<i32>} : memref<640xf32, #tpu.memory_space<vmem>>, vector<16xf32>,
      %get3A_121 = arith.constant 176 : index
      %get3A_122 = tpu.vector_load %arg6[%get3A_121] {strides = array<i32>} : memref<640xf32, #tpu.memory_space<vmem>>, vector<16xf32>,
      %get3A_123 = arith.constant 176 : index
      %get3A_124 = tpu.vector_load %arg7[%get3A_123] {strides = array<i32>} : memref<640xf32, #tpu.memory_space<vmem>>, vector<16xf32>,
      %add3A_125 = arith.addf %get3A_122, %get3A_124 : vector<16xf32>
      %swap3A_126 = arith.constant 176 : index
      %swap3A_127 = tpu.vector_load %arg6[%swap3A_126] {strides = array<i32>} : memref<640xf32, #tpu.memory_space<vmem>>, vector<16xf32>,
      tpu.vector_store %arg6[%swap3A_126], %add3A_125 {strides = array<i32>} : memref<640xf32, #tpu.memory_space<vmem>>, vector<16xf32>,
      %get3A_128 = arith.constant 192 : index
      %get3A_129 = tpu.vector_load %arg6[%get3A_128] {strides = array<i32>} : memref<640xf32, #tpu.memory_space<vmem>>, vector<16xf32>,
      %get3A_130 = arith.constant 192 : index
      %get3A_131 = tpu.vector_load %arg7[%get3A_130] {strides = array<i32>} : memref<640xf32, #tpu.memory_space<vmem>>, vector<16xf32>,
      %add3A_132 = arith.addf %get3A_129, %get3A_131 : vector<16xf32>
      %swap3A_133 = arith.constant 192 : index
      %swap3A_134 = tpu.vector_load %arg6[%swap3A_133] {strides = array<i32>} : memref<640xf32, #tpu.memory_space<vmem>>, vector<16xf32>,
      tpu.vector_store %arg6[%swap3A_133], %add3A_132 {strides = array<i32>} : memref<640xf32, #tpu.memory_space<vmem>>, vector<16xf32>,
      %get3A_135 = arith.constant 208 : index
      %get3A_136 = tpu.vector_load %arg6[%get3A_135] {strides = array<i32>} : memref<640xf32, #tpu.memory_space<vmem>>, vector<16xf32>,
      %get3A_137 = arith.constant 208 : index
      %get3A_138 = tpu.vector_load %arg7[%get3A_137] {strides = array<i32>} : memref<640xf32, #tpu.memory_space<vmem>>, vector<16xf32>,
      %add3A_139 = arith.addf %get3A_136, %get3A_138 : vector<16xf32>
      %swap3A_140 = arith.constant 208 : index
      %swap3A_141 = tpu.vector_load %arg6[%swap3A_140] {strides = array<i32>} : memref<640xf32, #tpu.memory_space<vmem>>, vector<16xf32>,
      tpu.vector_store %arg6[%swap3A_140], %add3A_139 {strides = array<i32>} : memref<640xf32, #tpu.memory_space<vmem>>, vector<16xf32>,
      %get3A_142 = arith.constant 224 : index
      %get3A_143 = tpu.vector_load %arg6[%get3A_142] {strides = array<i32>} : memref<640xf32, #tpu.memory_space<vmem>>, vector<16xf32>,
      %get3A_144 = arith.constant 224 : index
      %get3A_145 = tpu.vector_load %arg7[%get3A_144] {strides = array<i32>} : memref<640xf32, #tpu.memory_space<vmem>>, vector<16xf32>,
      %add3A_146 = arith.addf %get3A_143, %get3A_145 : vector<16xf32>
      %swap3A_147 = arith.constant 224 : index
      %swap3A_148 = tpu.vector_load %arg6[%swap3A_147] {strides = array<i32>} : memref<640xf32, #tpu.memory_space<vmem>>, vector<16xf32>,
      tpu.vector_store %arg6[%swap3A_147], %add3A_146 {strides = array<i32>} : memref<640xf32, #tpu.memory_space<vmem>>, vector<16xf32>,
      %get3A_149 = arith.constant 240 : index
      %get3A_150 = tpu.vector_load %arg6[%get3A_149] {strides = array<i32>} : memref<640xf32, #tpu.memory_space<vmem>>, vector<16xf32>,
      %get3A_151 = arith.constant 240 : index
      %get3A_152 = tpu.vector_load %arg7[%get3A_151] {strides = array<i32>} : memref<640xf32, #tpu.memory_space<vmem>>, vector<16xf32>,
      %add3A_153 = arith.addf %get3A_150, %get3A_152 : vector<16xf32>
      %swap3A_154 = arith.constant 240 : index
      %swap3A_155 = tpu.vector_load %arg6[%swap3A_154] {strides = array<i32>} : memref<640xf32, #tpu.memory_space<vmem>>, vector<16xf32>,
      tpu.vector_store %arg6[%swap3A_154], %add3A_153 {strides = array<i32>} : memref<640xf32, #tpu.memory_space<vmem>>, vector<16xf32>,
      %get3A_156 = arith.constant 256 : index
      %get3A_157 = tpu.vector_load %arg6[%get3A_156] {strides = array<i32>} : memref<640xf32, #tpu.memory_space<vmem>>, vector<16xf32>,
      %get3A_158 = arith.constant 256 : index
      %get3A_159 = tpu.vector_load %arg7[%get3A_158] {strides = array<i32>} : memref<640xf32, #tpu.memory_space<vmem>>, vector<16xf32>,
      %add3A_160 = arith.addf %get3A_157, %get3A_159 : vector<16xf32>
      %swap3A_161 = arith.constant 256 : index
      %swap3A_162 = tpu.vector_load %arg6[%swap3A_161] {strides = array<i32>} : memref<640xf32, #tpu.memory_space<vmem>>, vector<16xf32>,
      tpu.vector_store %arg6[%swap3A_161], %add3A_160 {strides = array<i32>} : memref<640xf32, #tpu.memory_space<vmem>>, vector<16xf32>,
      %get3A_163 = arith.constant 272 : index
      %get3A_164 = tpu.vector_load %arg6[%get3A_163] {strides = array<i32>} : memref<640xf32, #tpu.memory_space<vmem>>, vector<16xf32>,
      %get3A_165 = arith.constant 272 : index
      %get3A_166 = tpu.vector_load %arg7[%get3A_165] {strides = array<i32>} : memref<640xf32, #tpu.memory_space<vmem>>, vector<16xf32>,
      %add3A_167 = arith.addf %get3A_164, %get3A_166 : vector<16xf32>
      %swap3A_168 = arith.constant 272 : index
      %swap3A_169 = tpu.vector_load %arg6[%swap3A_168] {strides = array<i32>} : memref<640xf32, #tpu.memory_space<vmem>>, vector<16xf32>,
      tpu.vector_store %arg6[%swap3A_168], %add3A_167 {strides = array<i32>} : memref<640xf32, #tpu.memory_space<vmem>>, vector<16xf32>,
      %get3A_170 = arith.constant 288 : index
      %get3A_171 = tpu.vector_load %arg6[%get3A_170] {strides = array<i32>} : memref<640xf32, #tpu.memory_space<vmem>>, vector<16xf32>,
      %get3A_172 = arith.constant 288 : index
      %get3A_173 = tpu.vector_load %arg7[%get3A_172] {strides = array<i32>} : memref<640xf32, #tpu.memory_space<vmem>>, vector<16xf32>,
      %add3A_174 = arith.addf %get3A_171, %get3A_173 : vector<16xf32>
      %swap3A_175 = arith.constant 288 : index
      %swap3A_176 = tpu.vector_load %arg6[%swap3A_175] {strides = array<i32>} : memref<640xf32, #tpu.memory_space<vmem>>, vector<16xf32>,
      tpu.vector_store %arg6[%swap3A_175], %add3A_174 {strides = array<i32>} : memref<640xf32, #tpu.memory_space<vmem>>, vector<16xf32>,
      %get3A_177 = arith.constant 304 : index
      %get3A_178 = tpu.vector_load %arg6[%get3A_177] {strides = array<i32>} : memref<640xf32, #tpu.memory_space<vmem>>, vector<16xf32>,
      %get3A_179 = arith.constant 304 : index
      %get3A_180 = tpu.vector_load %arg7[%get3A_179] {strides = array<i32>} : memref<640xf32, #tpu.memory_space<vmem>>, vector<16xf32>,
      %add3A_181 = arith.addf %get3A_178, %get3A_180 : vector<16xf32>
      %swap3A_182 = arith.constant 304 : index
      %swap3A_183 = tpu.vector_load %arg6[%swap3A_182] {strides = array<i32>} : memref<640xf32, #tpu.memory_space<vmem>>, vector<16xf32>,
      tpu.vector_store %arg6[%swap3A_182], %add3A_181 {strides = array<i32>} : memref<640xf32, #tpu.memory_space<vmem>>, vector<16xf32>,
      %get3A_184 = arith.constant 320 : index
      %get3A_185 = tpu.vector_load %arg6[%get3A_184] {strides = array<i32>} : memref<640xf32, #tpu.memory_space<vmem>>, vector<16xf32>,
      %get3A_186 = arith.constant 320 : index
      %get3A_187 = tpu.vector_load %arg7[%get3A_186] {strides = array<i32>} : memref<640xf32, #tpu.memory_space<vmem>>, vector<16xf32>,
      %add3A_188 = arith.addf %get3A_185, %get3A_187 : vector<16xf32>
      %swap3A_189 = arith.constant 320 : index
      %swap3A_190 = tpu.vector_load %arg6[%swap3A_189] {strides = array<i32>} : memref<640xf32, #tpu.memory_space<vmem>>, vector<16xf32>,
      tpu.vector_store %arg6[%swap3A_189], %add3A_188 {strides = array<i32>} : memref<640xf32, #tpu.memory_space<vmem>>, vector<16xf32>,
      %get3A_191 = arith.constant 336 : index
      %get3A_192 = tpu.vector_load %arg6[%get3A_191] {strides = array<i32>} : memref<640xf32, #tpu.memory_space<vmem>>, vector<16xf32>,
      %get3A_193 = arith.constant 336 : index
      %get3A_194 = tpu.vector_load %arg7[%get3A_193] {strides = array<i32>} : memref<640xf32, #tpu.memory_space<vmem>>, vector<16xf32>,
      %add3A_195 = arith.addf %get3A_192, %get3A_194 : vector<16xf32>
      %swap3A_196 = arith.constant 336 : index
      %swap3A_197 = tpu.vector_load %arg6[%swap3A_196] {strides = array<i32>} : memref<640xf32, #tpu.memory_space<vmem>>, vector<16xf32>,
      tpu.vector_store %arg6[%swap3A_196], %add3A_195 {strides = array<i32>} : memref<640xf32, #tpu.memory_space<vmem>>, vector<16xf32>,
      %get3A_198 = arith.constant 352 : index
      %get3A_199 = tpu.vector_load %arg6[%get3A_198] {strides = array<i32>} : memref<640xf32, #tpu.memory_space<vmem>>, vector<16xf32>,
      %get3A_200 = arith.constant 352 : index
      %get3A_201 = tpu.vector_load %arg7[%get3A_200] {strides = array<i32>} : memref<640xf32, #tpu.memory_space<vmem>>, vector<16xf32>,
      %add3A_202 = arith.addf %get3A_199, %get3A_201 : vector<16xf32>
      %swap3A_203 = arith.constant 352 : index
      %swap3A_204 = tpu.vector_load %arg6[%swap3A_203] {strides = array<i32>} : memref<640xf32, #tpu.memory_space<vmem>>, vector<16xf32>,
      tpu.vector_store %arg6[%swap3A_203], %add3A_202 {strides = array<i32>} : memref<640xf32, #tpu.memory_space<vmem>>, vector<16xf32>,
      %get3A_205 = arith.constant 368 : index
      %get3A_206 = tpu.vector_load %arg6[%get3A_205] {strides = array<i32>} : memref<640xf32, #tpu.memory_space<vmem>>, vector<16xf32>,
      %get3A_207 = arith.constant 368 : index
      %get3A_208 = tpu.vector_load %arg7[%get3A_207] {strides = array<i32>} : memref<640xf32, #tpu.memory_space<vmem>>, vector<16xf32>,
      %add3A_209 = arith.addf %get3A_206, %get3A_208 : vector<16xf32>
      %swap3A_210 = arith.constant 368 : index
      %swap3A_211 = tpu.vector_load %arg6[%swap3A_210] {strides = array<i32>} : memref<640xf32, #tpu.memory_space<vmem>>, vector<16xf32>,
      tpu.vector_store %arg6[%swap3A_210], %add3A_209 {strides = array<i32>} : memref<640xf32, #tpu.memory_space<vmem>>, vector<16xf32>,
      %get3A_212 = arith.constant 384 : index
      %get3A_213 = tpu.vector_load %arg6[%get3A_212] {strides = array<i32>} : memref<640xf32, #tpu.memory_space<vmem>>, vector<16xf32>,
      %get3A_214 = arith.constant 384 : index
      %get3A_215 = tpu.vector_load %arg7[%get3A_214] {strides = array<i32>} : memref<640xf32, #tpu.memory_space<vmem>>, vector<16xf32>,
      %add3A_216 = arith.addf %get3A_213, %get3A_215 : vector<16xf32>
      %swap3A_217 = arith.constant 384 : index
      %swap3A_218 = tpu.vector_load %arg6[%swap3A_217] {strides = array<i32>} : memref<640xf32, #tpu.memory_space<vmem>>, vector<16xf32>,
      tpu.vector_store %arg6[%swap3A_217], %add3A_216 {strides = array<i32>} : memref<640xf32, #tpu.memory_space<vmem>>, vector<16xf32>,
      %get3A_219 = arith.constant 400 : index
      %get3A_220 = tpu.vector_load %arg6[%get3A_219] {strides = array<i32>} : memref<640xf32, #tpu.memory_space<vmem>>, vector<16xf32>,
      %get3A_221 = arith.constant 400 : index
      %get3A_222 = tpu.vector_load %arg7[%get3A_221] {strides = array<i32>} : memref<640xf32, #tpu.memory_space<vmem>>, vector<16xf32>,
      %add3A_223 = arith.addf %get3A_220, %get3A_222 : vector<16xf32>
      %swap3A_224 = arith.constant 400 : index
      %swap3A_225 = tpu.vector_load %arg6[%swap3A_224] {strides = array<i32>} : memref<640xf32, #tpu.memory_space<vmem>>, vector<16xf32>,
      tpu.vector_store %arg6[%swap3A_224], %add3A_223 {strides = array<i32>} : memref<640xf32, #tpu.memory_space<vmem>>, vector<16xf32>,
      %get3A_226 = arith.constant 416 : index
      %get3A_227 = tpu.vector_load %arg6[%get3A_226] {strides = array<i32>} : memref<640xf32, #tpu.memory_space<vmem>>, vector<16xf32>,
      %get3A_228 = arith.constant 416 : index
      %get3A_229 = tpu.vector_load %arg7[%get3A_228] {strides = array<i32>} : memref<640xf32, #tpu.memory_space<vmem>>, vector<16xf32>,
      %add3A_230 = arith.addf %get3A_227, %get3A_229 : vector<16xf32>
      %swap3A_231 = arith.constant 416 : index
      %swap3A_232 = tpu.vector_load %arg6[%swap3A_231] {strides = array<i32>} : memref<640xf32, #tpu.memory_space<vmem>>, vector<16xf32>,
      tpu.vector_store %arg6[%swap3A_231], %add3A_230 {strides = array<i32>} : memref<640xf32, #tpu.memory_space<vmem>>, vector<16xf32>,
      %get3A_233 = arith.constant 432 : index
      %get3A_234 = tpu.vector_load %arg6[%get3A_233] {strides = array<i32>} : memref<640xf32, #tpu.memory_space<vmem>>, vector<16xf32>,
      %get3A_235 = arith.constant 432 : index
      %get3A_236 = tpu.vector_load %arg7[%get3A_235] {strides = array<i32>} : memref<640xf32, #tpu.memory_space<vmem>>, vector<16xf32>,
      %add3A_237 = arith.addf %get3A_234, %get3A_236 : vector<16xf32>
      %swap3A_238 = arith.constant 432 : index
      %swap3A_239 = tpu.vector_load %arg6[%swap3A_238] {strides = array<i32>} : memref<640xf32, #tpu.memory_space<vmem>>, vector<16xf32>,
      tpu.vector_store %arg6[%swap3A_238], %add3A_237 {strides = array<i32>} : memref<640xf32, #tpu.memory_space<vmem>>, vector<16xf32>,
      %get3A_240 = arith.constant 448 : index
      %get3A_241 = tpu.vector_load %arg6[%get3A_240] {strides = array<i32>} : memref<640xf32, #tpu.memory_space<vmem>>, vector<16xf32>,
      %get3A_242 = arith.constant 448 : index
      %get3A_243 = tpu.vector_load %arg7[%get3A_242] {strides = array<i32>} : memref<640xf32, #tpu.memory_space<vmem>>, vector<16xf32>,
      %add3A_244 = arith.addf %get3A_241, %get3A_243 : vector<16xf32>
      %swap3A_245 = arith.constant 448 : index
      %swap3A_246 = tpu.vector_load %arg6[%swap3A_245] {strides = array<i32>} : memref<640xf32, #tpu.memory_space<vmem>>, vector<16xf32>,
      tpu.vector_store %arg6[%swap3A_245], %add3A_244 {strides = array<i32>} : memref<640xf32, #tpu.memory_space<vmem>>, vector<16xf32>,
      %get3A_247 = arith.constant 464 : index
      %get3A_248 = tpu.vector_load %arg6[%get3A_247] {strides = array<i32>} : memref<640xf32, #tpu.memory_space<vmem>>, vector<16xf32>,
      %get3A_249 = arith.constant 464 : index
      %get3A_250 = tpu.vector_load %arg7[%get3A_249] {strides = array<i32>} : memref<640xf32, #tpu.memory_space<vmem>>, vector<16xf32>,
      %add3A_251 = arith.addf %get3A_248, %get3A_250 : vector<16xf32>
      %swap3A_252 = arith.constant 464 : index
      %swap3A_253 = tpu.vector_load %arg6[%swap3A_252] {strides = array<i32>} : memref<640xf32, #tpu.memory_space<vmem>>, vector<16xf32>,
      tpu.vector_store %arg6[%swap3A_252], %add3A_251 {strides = array<i32>} : memref<640xf32, #tpu.memory_space<vmem>>, vector<16xf32>,
      %get3A_254 = arith.constant 480 : index
      %get3A_255 = tpu.vector_load %arg6[%get3A_254] {strides = array<i32>} : memref<640xf32, #tpu.memory_space<vmem>>, vector<16xf32>,
      %get3A_256 = arith.constant 480 : index
      %get3A_257 = tpu.vector_load %arg7[%get3A_256] {strides = array<i32>} : memref<640xf32, #tpu.memory_space<vmem>>, vector<16xf32>,
      %add3A_258 = arith.addf %get3A_255, %get3A_257 : vector<16xf32>
      %swap3A_259 = arith.constant 480 : index
      %swap3A_260 = tpu.vector_load %arg6[%swap3A_259] {strides = array<i32>} : memref<640xf32, #tpu.memory_space<vmem>>, vector<16xf32>,
      tpu.vector_store %arg6[%swap3A_259], %add3A_258 {strides = array<i32>} : memref<640xf32, #tpu.memory_space<vmem>>, vector<16xf32>,
      %get3A_261 = arith.constant 496 : index
      %get3A_262 = tpu.vector_load %arg6[%get3A_261] {strides = array<i32>} : memref<640xf32, #tpu.memory_space<vmem>>, vector<16xf32>,
      %get3A_263 = arith.constant 496 : index
      %get3A_264 = tpu.vector_load %arg7[%get3A_263] {strides = array<i32>} : memref<640xf32, #tpu.memory_space<vmem>>, vector<16xf32>,
      %add3A_265 = arith.addf %get3A_262, %get3A_264 : vector<16xf32>
      %swap3A_266 = arith.constant 496 : index
      %swap3A_267 = tpu.vector_load %arg6[%swap3A_266] {strides = array<i32>} : memref<640xf32, #tpu.memory_space<vmem>>, vector<16xf32>,
      tpu.vector_store %arg6[%swap3A_266], %add3A_265 {strides = array<i32>} : memref<640xf32, #tpu.memory_space<vmem>>, vector<16xf32>,
      %get3A_268 = arith.constant 512 : index
      %get3A_269 = tpu.vector_load %arg6[%get3A_268] {strides = array<i32>} : memref<640xf32, #tpu.memory_space<vmem>>, vector<16xf32>,
      %get3A_270 = arith.constant 512 : index
      %get3A_271 = tpu.vector_load %arg7[%get3A_270] {strides = array<i32>} : memref<640xf32, #tpu.memory_space<vmem>>, vector<16xf32>,
      %add3A_272 = arith.addf %get3A_269, %get3A_271 : vector<16xf32>
      %swap3A_273 = arith.constant 512 : index
      %swap3A_274 = tpu.vector_load %arg6[%swap3A_273] {strides = array<i32>} : memref<640xf32, #tpu.memory_space<vmem>>, vector<16xf32>,
      tpu.vector_store %arg6[%swap3A_273], %add3A_272 {strides = array<i32>} : memref<640xf32, #tpu.memory_space<vmem>>, vector<16xf32>,
      %get3A_275 = arith.constant 528 : index
      %get3A_276 = tpu.vector_load %arg6[%get3A_275] {strides = array<i32>} : memref<640xf32, #tpu.memory_space<vmem>>, vector<16xf32>,
      %get3A_277 = arith.constant 528 : index
      %get3A_278 = tpu.vector_load %arg7[%get3A_277] {strides = array<i32>} : memref<640xf32, #tpu.memory_space<vmem>>, vector<16xf32>,
      %add3A_279 = arith.addf %get3A_276, %get3A_278 : vector<16xf32>
      %swap3A_280 = arith.constant 528 : index
      %swap3A_281 = tpu.vector_load %arg6[%swap3A_280] {strides = array<i32>} : memref<640xf32, #tpu.memory_space<vmem>>, vector<16xf32>,
      tpu.vector_store %arg6[%swap3A_280], %add3A_279 {strides = array<i32>} : memref<640xf32, #tpu.memory_space<vmem>>, vector<16xf32>,
      %get3A_282 = arith.constant 544 : index
      %get3A_283 = tpu.vector_load %arg6[%get3A_282] {strides = array<i32>} : memref<640xf32, #tpu.memory_space<vmem>>, vector<16xf32>,
      %get3A_284 = arith.constant 544 : index
      %get3A_285 = tpu.vector_load %arg7[%get3A_284] {strides = array<i32>} : memref<640xf32, #tpu.memory_space<vmem>>, vector<16xf32>,
      %add3A_286 = arith.addf %get3A_283, %get3A_285 : vector<16xf32>
      %swap3A_287 = arith.constant 544 : index
      %swap3A_288 = tpu.vector_load %arg6[%swap3A_287] {strides = array<i32>} : memref<640xf32, #tpu.memory_space<vmem>>, vector<16xf32>,
      tpu.vector_store %arg6[%swap3A_287], %add3A_286 {strides = array<i32>} : memref<640xf32, #tpu.memory_space<vmem>>, vector<16xf32>,
      %get3A_289 = arith.constant 560 : index
      %get3A_290 = tpu.vector_load %arg6[%get3A_289] {strides = array<i32>} : memref<640xf32, #tpu.memory_space<vmem>>, vector<16xf32>,
      %get3A_291 = arith.constant 560 : index
      %get3A_292 = tpu.vector_load %arg7[%get3A_291] {strides = array<i32>} : memref<640xf32, #tpu.memory_space<vmem>>, vector<16xf32>,
      %add3A_293 = arith.addf %get3A_290, %get3A_292 : vector<16xf32>
      %swap3A_294 = arith.constant 560 : index
      %swap3A_295 = tpu.vector_load %arg6[%swap3A_294] {strides = array<i32>} : memref<640xf32, #tpu.memory_space<vmem>>, vector<16xf32>,
      tpu.vector_store %arg6[%swap3A_294], %add3A_293 {strides = array<i32>} : memref<640xf32, #tpu.memory_space<vmem>>, vector<16xf32>,
      %get3A_296 = arith.constant 576 : index
      %get3A_297 = tpu.vector_load %arg6[%get3A_296] {strides = array<i32>} : memref<640xf32, #tpu.memory_space<vmem>>, vector<16xf32>,
      %get3A_298 = arith.constant 576 : index
      %get3A_299 = tpu.vector_load %arg7[%get3A_298] {strides = array<i32>} : memref<640xf32, #tpu.memory_space<vmem>>, vector<16xf32>,
      %add3A_300 = arith.addf %get3A_297, %get3A_299 : vector<16xf32>
      %swap3A_301 = arith.constant 576 : index
      %swap3A_302 = tpu.vector_load %arg6[%swap3A_301] {strides = array<i32>} : memref<640xf32, #tpu.memory_space<vmem>>, vector<16xf32>,
      tpu.vector_store %arg6[%swap3A_301], %add3A_300 {strides = array<i32>} : memref<640xf32, #tpu.memory_space<vmem>>, vector<16xf32>,
      %get3A_303 = arith.constant 592 : index
      %get3A_304 = tpu.vector_load %arg6[%get3A_303] {strides = array<i32>} : memref<640xf32, #tpu.memory_space<vmem>>, vector<16xf32>,
      %get3A_305 = arith.constant 592 : index
      %get3A_306 = tpu.vector_load %arg7[%get3A_305] {strides = array<i32>} : memref<640xf32, #tpu.memory_space<vmem>>, vector<16xf32>,
      %add3A_307 = arith.addf %get3A_304, %get3A_306 : vector<16xf32>
      %swap3A_308 = arith.constant 592 : index
      %swap3A_309 = tpu.vector_load %arg6[%swap3A_308] {strides = array<i32>} : memref<640xf32, #tpu.memory_space<vmem>>, vector<16xf32>,
      tpu.vector_store %arg6[%swap3A_308], %add3A_307 {strides = array<i32>} : memref<640xf32, #tpu.memory_space<vmem>>, vector<16xf32>,
      %get3A_310 = arith.constant 608 : index
      %get3A_311 = tpu.vector_load %arg6[%get3A_310] {strides = array<i32>} : memref<640xf32, #tpu.memory_space<vmem>>, vector<16xf32>,
      %get3A_312 = arith.constant 608 : index
      %get3A_313 = tpu.vector_load %arg7[%get3A_312] {strides = array<i32>} : memref<640xf32, #tpu.memory_space<vmem>>, vector<16xf32>,
      %add3A_314 = arith.addf %get3A_311, %get3A_313 : vector<16xf32>
      %swap3A_315 = arith.constant 608 : index
      %swap3A_316 = tpu.vector_load %arg6[%swap3A_315] {strides = array<i32>} : memref<640xf32, #tpu.memory_space<vmem>>, vector<16xf32>,
      tpu.vector_store %arg6[%swap3A_315], %add3A_314 {strides = array<i32>} : memref<640xf32, #tpu.memory_space<vmem>>, vector<16xf32>,
      %get3A_317 = arith.constant 624 : index
      %get3A_318 = tpu.vector_load %arg6[%get3A_317] {strides = array<i32>} : memref<640xf32, #tpu.memory_space<vmem>>, vector<16xf32>,
      %get3A_319 = arith.constant 624 : index
      %get3A_320 = tpu.vector_load %arg7[%get3A_319] {strides = array<i32>} : memref<640xf32, #tpu.memory_space<vmem>>, vector<16xf32>,
      %add3A_321 = arith.addf %get3A_318, %get3A_320 : vector<16xf32>
      %swap3A_322 = arith.constant 624 : index
      %swap3A_323 = tpu.vector_load %arg6[%swap3A_322] {strides = array<i32>} : memref<640xf32, #tpu.memory_space<vmem>>, vector<16xf32>,
      tpu.vector_store %arg6[%swap3A_322], %add3A_321 {strides = array<i32>} : memref<640xf32, #tpu.memory_space<vmem>>, vector<16xf32>,
    }
    %scan3A_40 = arith.constant 16 : i32
    %mul3A_41 = arith.constant 640 : i32
    %mul3A_42 = arith.muli %arg1, %mul3A_41 : i32
    "tpu.region"() ({
      %run_scoped3A = tpu.sem_alloc : memref<!tpu.dma_semaphore, #tpu.memory_space<semaphore_mem>>
      %dma_start3A_43 = tpu.memref_slice %arg3[%arg0, %mul3A_42] : memref<2x10240xf32, #tpu.memory_space<hbm>> -> memref<1x640xf32, #tpu.memory_space<hbm>>
      %dma_start3A_44 = tpu.memref_squeeze %dma_start3A_43 : memref<1x640xf32, #tpu.memory_space<hbm>> -> memref<640xf32, #tpu.memory_space<hbm>>
      %dma_start3A_45 = tpu.memref_slice %arg3[%arg0, %mul3A_42] : memref<2x10240xf32, #tpu.memory_space<hbm>> -> memref<1x640xf32, #tpu.memory_space<hbm>>
      %dma_start3A_46 = tpu.memref_squeeze %dma_start3A_45 : memref<1x640xf32, #tpu.memory_space<hbm>> -> memref<640xf32, #tpu.memory_space<hbm>>
      tpu.enqueue_dma source(%arg6 : memref<640xf32, #tpu.memory_space<vmem>>) target(%dma_start3A_46 : memref<640xf32, #tpu.memory_space<hbm>>) target_semaphore(%run_scoped3A : memref<!tpu.dma_semaphore, #tpu.memory_space<semaphore_mem>>)
      %dma_wait3A_47 = tpu.memref_slice %arg3[%arg0, %mul3A_42] : memref<2x10240xf32, #tpu.memory_space<hbm>> -> memref<1x640xf32, #tpu.memory_space<hbm>>
      %dma_wait3A_48 = tpu.memref_squeeze %dma_wait3A_47 : memref<1x640xf32, #tpu.memory_space<hbm>> -> memref<640xf32, #tpu.memory_space<hbm>>
      %dma_wait3A_49 = tpu.memref_slice %arg3[%arg0, %mul3A_42] : memref<2x10240xf32, #tpu.memory_space<hbm>> -> memref<1x640xf32, #tpu.memory_space<hbm>>
      %dma_wait3A_50 = tpu.memref_squeeze %dma_wait3A_49 : memref<1x640xf32, #tpu.memory_space<hbm>> -> memref<640xf32, #tpu.memory_space<hbm>>
      tpu.wait_dma2 semaphore(%run_scoped3A : memref<!tpu.dma_semaphore, #tpu.memory_space<semaphore_mem>>) src(%arg6 : memref<640xf32, #tpu.memory_space<vmem>>) dst(%dma_wait3A_50 : memref<640xf32, #tpu.memory_space<hbm>>)
      tpu.yield
    }) : () -> ()
    return
  }
}

#map = affine_map<(d0, d1) -> (0, 0)>
#map1 = affine_map<(d0, d1) -> (0, 0, 0)>
module attributes {stable_mosaic.version = 14 : i64} {
  func.func @_agg_body(%arg0: i32, %arg1: i32, %arg2: memref<10000x128xf32, #tpu.memory_space<hbm>>, %arg3: memref<32x80x128xi32, #tpu.memory_space<hbm>>, %arg4: memref<32x80x128xi32, #tpu.memory_space<hbm>>, %arg5: memref<10112x128xf32, #tpu.memory_space<hbm>>, %arg6: memref<2x10112x128xf32, #tpu.memory_space<hbm>>, %arg7: memref<16x128xi32, #tpu.memory_space<vmem>>, %arg8: memref<16x128xi32, #tpu.memory_space<vmem>>, %arg9: memref<128x128xf32, #tpu.memory_space<vmem>>, %arg10: memref<128x128xf32, #tpu.memory_space<vmem>>, %arg11: memref<10112x128xf32, #tpu.memory_space<vmem_shared>>, %arg12: memref<!tpu.dma_semaphore, #tpu.memory_space<semaphore_mem>>, %arg13: memref<!tpu.dma_semaphore, #tpu.memory_space<semaphore_mem>>, %arg14: memref<!tpu.dma_semaphore, #tpu.memory_space<semaphore_mem>>, %arg15: memref<!tpu.dma_semaphore, #tpu.memory_space<semaphore_mem>>) attributes {dimension_semantics = [#tpu.dimension_semantics<core_parallel>, #tpu.dimension_semantics<subcore_parallel>], iteration_bounds = array<i64: 2, 16>, scalar_prefetch = 0 : i64, scratch_operands = 9 : i64, tpu.core_type = #tpu.core_type<sc_vector_subcore>, window_params = [{transform_indices = #map}, {transform_indices = #map1}, {transform_indices = #map1}, {transform_indices = #map}, {transform_indices = #map1}]} {
    %mul3A = arith.constant 2 : i32
    %mul3A_0 = arith.muli %arg1, %mul3A : i32
    %add3A = arith.addi %mul3A_0, %arg0 : i32
    %mul3A_1 = arith.constant 632 : i32
    %mul3A_2 = arith.muli %arg1, %mul3A_1 : i32
    "tpu.region"() ({
      %run_scoped3A = tpu.sem_alloc : memref<!tpu.dma_semaphore, #tpu.memory_space<semaphore_mem>>
      %dma_start3A = arith.constant 0 : i32
      %dma_start3A_9 = tpu.memref_slice %arg11[%mul3A_2, %dma_start3A] : memref<10112x128xf32, #tpu.memory_space<vmem_shared>> -> memref<632x128xf32, #tpu.memory_space<vmem_shared>>
      %dma_start3A_10 = arith.constant 0 : i32
      %dma_start3A_11 = tpu.memref_slice %arg5[%mul3A_2, %dma_start3A_10] : memref<10112x128xf32, #tpu.memory_space<hbm>> -> memref<632x128xf32, #tpu.memory_space<hbm>>
      tpu.enqueue_dma source(%dma_start3A_11 : memref<632x128xf32, #tpu.memory_space<hbm>>) target(%dma_start3A_9 : memref<632x128xf32, #tpu.memory_space<vmem_shared>>) target_semaphore(%run_scoped3A : memref<!tpu.dma_semaphore, #tpu.memory_space<semaphore_mem>>)
      %dma_wait3A = arith.constant 0 : i32
      %dma_wait3A_12 = tpu.memref_slice %arg11[%mul3A_2, %dma_wait3A] : memref<10112x128xf32, #tpu.memory_space<vmem_shared>> -> memref<632x128xf32, #tpu.memory_space<vmem_shared>>
      %dma_wait3A_13 = arith.constant 0 : i32
      %dma_wait3A_14 = tpu.memref_slice %arg5[%mul3A_2, %dma_wait3A_13] : memref<10112x128xf32, #tpu.memory_space<hbm>> -> memref<632x128xf32, #tpu.memory_space<hbm>>
      tpu.wait_dma2 semaphore(%run_scoped3A : memref<!tpu.dma_semaphore, #tpu.memory_space<semaphore_mem>>) src(%dma_wait3A_14 : memref<632x128xf32, #tpu.memory_space<hbm>>) dst(%dma_wait3A_12 : memref<632x128xf32, #tpu.memory_space<vmem_shared>>)
      tpu.yield
    }) : () -> ()
    %barrier3A = arith.constant 0 : index
    tpu.barrier barrier_id(%barrier3A)
    %scan3A = arith.constant 0 : i32
    %scan3A_3 = arith.constant 0 : i32
    %scan3A_4 = arith.constant 5 : i32
    %scan3A_5 = arith.addi %scan3A_3, %scan3A_4 : i32
    %scan3A_6 = arith.constant 1 : i32
    scf.for %scan3A_9 = %scan3A_3 to %scan3A_5 step %scan3A_6  : i32 {
      %mul3A_10 = arith.constant 16 : i32
      %mul3A_11 = arith.muli %scan3A_9, %mul3A_10 : i32
      %dma_start3A = arith.constant 0 : i32
      %dma_start3A_12 = tpu.memref_slice %arg3[%add3A, %mul3A_11, %dma_start3A] : memref<32x80x128xi32, #tpu.memory_space<hbm>> -> memref<1x16x128xi32, #tpu.memory_space<hbm>>
      %dma_start3A_13 = tpu.memref_squeeze %dma_start3A_12 : memref<1x16x128xi32, #tpu.memory_space<hbm>> -> memref<16x128xi32, #tpu.memory_space<hbm>>
      %dma_start3A_14 = arith.constant 0 : i32
      %dma_start3A_15 = tpu.memref_slice %arg3[%add3A, %mul3A_11, %dma_start3A_14] : memref<32x80x128xi32, #tpu.memory_space<hbm>> -> memref<1x16x128xi32, #tpu.memory_space<hbm>>
      %dma_start3A_16 = tpu.memref_squeeze %dma_start3A_15 : memref<1x16x128xi32, #tpu.memory_space<hbm>> -> memref<16x128xi32, #tpu.memory_space<hbm>>
      tpu.enqueue_dma source(%dma_start3A_16 : memref<16x128xi32, #tpu.memory_space<hbm>>) target(%arg7 : memref<16x128xi32, #tpu.memory_space<vmem>>) target_semaphore(%arg12 : memref<!tpu.dma_semaphore, #tpu.memory_space<semaphore_mem>>)
      %mul3A_17 = arith.constant 16 : i32
      %mul3A_18 = arith.muli %scan3A_9, %mul3A_17 : i32
      %dma_start3A_19 = arith.constant 0 : i32
      %dma_start3A_20 = tpu.memref_slice %arg4[%add3A, %mul3A_18, %dma_start3A_19] : memref<32x80x128xi32, #tpu.memory_space<hbm>> -> memref<1x16x128xi32, #tpu.memory_space<hbm>>
      %dma_start3A_21 = tpu.memref_squeeze %dma_start3A_20 : memref<1x16x128xi32, #tpu.memory_space<hbm>> -> memref<16x128xi32, #tpu.memory_space<hbm>>
      %dma_start3A_22 = arith.constant 0 : i32
      %dma_start3A_23 = tpu.memref_slice %arg4[%add3A, %mul3A_18, %dma_start3A_22] : memref<32x80x128xi32, #tpu.memory_space<hbm>> -> memref<1x16x128xi32, #tpu.memory_space<hbm>>
      %dma_start3A_24 = tpu.memref_squeeze %dma_start3A_23 : memref<1x16x128xi32, #tpu.memory_space<hbm>> -> memref<16x128xi32, #tpu.memory_space<hbm>>
      tpu.enqueue_dma source(%dma_start3A_24 : memref<16x128xi32, #tpu.memory_space<hbm>>) target(%arg8 : memref<16x128xi32, #tpu.memory_space<vmem>>) target_semaphore(%arg13 : memref<!tpu.dma_semaphore, #tpu.memory_space<semaphore_mem>>)
      %dma_wait3A = arith.constant 0 : i32
      %dma_wait3A_25 = tpu.memref_slice %arg3[%add3A, %mul3A_11, %dma_wait3A] : memref<32x80x128xi32, #tpu.memory_space<hbm>> -> memref<1x16x128xi32, #tpu.memory_space<hbm>>
      %dma_wait3A_26 = tpu.memref_squeeze %dma_wait3A_25 : memref<1x16x128xi32, #tpu.memory_space<hbm>> -> memref<16x128xi32, #tpu.memory_space<hbm>>
      %dma_wait3A_27 = arith.constant 0 : i32
      %dma_wait3A_28 = tpu.memref_slice %arg3[%add3A, %mul3A_11, %dma_wait3A_27] : memref<32x80x128xi32, #tpu.memory_space<hbm>> -> memref<1x16x128xi32, #tpu.memory_space<hbm>>
      %dma_wait3A_29 = tpu.memref_squeeze %dma_wait3A_28 : memref<1x16x128xi32, #tpu.memory_space<hbm>> -> memref<16x128xi32, #tpu.memory_space<hbm>>
      tpu.wait_dma2 semaphore(%arg12 : memref<!tpu.dma_semaphore, #tpu.memory_space<semaphore_mem>>) src(%dma_wait3A_29 : memref<16x128xi32, #tpu.memory_space<hbm>>) dst(%arg7 : memref<16x128xi32, #tpu.memory_space<vmem>>)
      %dma_wait3A_30 = arith.constant 0 : i32
      %dma_wait3A_31 = tpu.memref_slice %arg4[%add3A, %mul3A_18, %dma_wait3A_30] : memref<32x80x128xi32, #tpu.memory_space<hbm>> -> memref<1x16x128xi32, #tpu.memory_space<hbm>>
      %dma_wait3A_32 = tpu.memref_squeeze %dma_wait3A_31 : memref<1x16x128xi32, #tpu.memory_space<hbm>> -> memref<16x128xi32, #tpu.memory_space<hbm>>
      %dma_wait3A_33 = arith.constant 0 : i32
      %dma_wait3A_34 = tpu.memref_slice %arg4[%add3A, %mul3A_18, %dma_wait3A_33] : memref<32x80x128xi32, #tpu.memory_space<hbm>> -> memref<1x16x128xi32, #tpu.memory_space<hbm>>
      %dma_wait3A_35 = tpu.memref_squeeze %dma_wait3A_34 : memref<1x16x128xi32, #tpu.memory_space<hbm>> -> memref<16x128xi32, #tpu.memory_space<hbm>>
      tpu.wait_dma2 semaphore(%arg13 : memref<!tpu.dma_semaphore, #tpu.memory_space<semaphore_mem>>) src(%dma_wait3A_35 : memref<16x128xi32, #tpu.memory_space<hbm>>) dst(%arg8 : memref<16x128xi32, #tpu.memory_space<vmem>>)
      %dma_start3A_36 = arith.constant 0 : i32
      %dma_start3A_37 = arith.constant 0 : i32
      %dma_start3A_38 = tpu.memref_slice %arg7[%dma_start3A_36, %dma_start3A_37] : memref<16x128xi32, #tpu.memory_space<vmem>> -> memref<1x128xi32, #tpu.memory_space<vmem>>
      %dma_start3A_39 = tpu.memref_squeeze %dma_start3A_38 : memref<1x128xi32, #tpu.memory_space<vmem>> -> memref<128xi32, #tpu.memory_space<vmem>>
      %dma_start3A_40 = arith.constant 0 : i32
      %dma_start3A_41 = arith.constant 0 : i32
      %dma_start3A_42 = tpu.memref_slice %arg2[%dma_start3A_40, %dma_start3A_41] : memref<10000x128xf32, #tpu.memory_space<hbm>> -> memref<10000x128xf32, #tpu.memory_space<hbm>>
      tpu.enqueue_indirect_dma source(%dma_start3A_42 : memref<10000x128xf32, #tpu.memory_space<hbm>>) target(%arg9 : memref<128x128xf32, #tpu.memory_space<vmem>>) offsets(%dma_start3A_39 : memref<128xi32, #tpu.memory_space<vmem>>) semaphore(%arg12 : memref<!tpu.dma_semaphore, #tpu.memory_space<semaphore_mem>>)
      %scan3A_43 = arith.constant 0 : i32
      %scan3A_44 = arith.constant 0 : i32
      %scan3A_45 = arith.constant 8 : i32
      %scan3A_46 = arith.addi %scan3A_44, %scan3A_45 : i32
      %scan3A_47 = arith.constant 1 : i32
      scf.for %scan3A_56 = %scan3A_44 to %scan3A_46 step %scan3A_47  : i32 {
        %mul3A_57 = arith.constant 2 : i32
        %mul3A_58 = arith.muli %mul3A_57, %scan3A_56 : i32
        %ge3A = arith.constant 1 : i32
        %ge3A_59 = arith.cmpi sge, %mul3A_58, %ge3A : i32
        %convert_element_type3A = arith.extui %ge3A_59 : i1 to i32
        %cond3A = arith.constant 0 : i32
        %cond3A_60 = arith.cmpi ne, %convert_element_type3A, %cond3A : i32
        scf.if %cond3A_60 {
          %sub3A = arith.constant 1 : i32
          %sub3A_107 = arith.subi %mul3A_58, %sub3A : i32
          %dma_wait3A_108 = arith.constant 0 : i32
          %dma_wait3A_109 = tpu.memref_slice %arg8[%sub3A_107, %dma_wait3A_108] : memref<16x128xi32, #tpu.memory_space<vmem>> -> memref<1x128xi32, #tpu.memory_space<vmem>>
          %dma_wait3A_110 = tpu.memref_squeeze %dma_wait3A_109 : memref<1x128xi32, #tpu.memory_space<vmem>> -> memref<128xi32, #tpu.memory_space<vmem>>
          %dma_wait3A_111 = arith.constant 0 : i32
          %dma_wait3A_112 = arith.constant 0 : i32
          %dma_wait3A_113 = tpu.memref_slice %arg11[%dma_wait3A_111, %dma_wait3A_112] : memref<10112x128xf32, #tpu.memory_space<vmem_shared>> -> memref<10112x128xf32, #tpu.memory_space<vmem_shared>>
          tpu.wait_indirect_dma semaphore(%arg15 : memref<!tpu.dma_semaphore, #tpu.memory_space<semaphore_mem>>) src(%arg10 : memref<128x128xf32, #tpu.memory_space<vmem>>) dst(%dma_wait3A_113 : memref<10112x128xf32, #tpu.memory_space<vmem_shared>>)
        } else {
        }
        %add3A_61 = arith.constant 1 : i32
        %add3A_62 = arith.addi %mul3A_58, %add3A_61 : i32
        %lt3A = arith.constant 16 : i32
        %lt3A_63 = arith.cmpi slt, %add3A_62, %lt3A : i32
        %convert_element_type3A_64 = arith.extui %lt3A_63 : i1 to i32
        %cond3A_65 = arith.constant 0 : i32
        %cond3A_66 = arith.cmpi ne, %convert_element_type3A_64, %cond3A_65 : i32
        scf.if %cond3A_66 {
          %add3A_107 = arith.constant 1 : i32
          %add3A_108 = arith.addi %mul3A_58, %add3A_107 : i32
          %dma_start3A_109 = arith.constant 0 : i32
          %dma_start3A_110 = tpu.memref_slice %arg7[%add3A_108, %dma_start3A_109] : memref<16x128xi32, #tpu.memory_space<vmem>> -> memref<1x128xi32, #tpu.memory_space<vmem>>
          %dma_start3A_111 = tpu.memref_squeeze %dma_start3A_110 : memref<1x128xi32, #tpu.memory_space<vmem>> -> memref<128xi32, #tpu.memory_space<vmem>>
          %dma_start3A_112 = arith.constant 0 : i32
          %dma_start3A_113 = arith.constant 0 : i32
          %dma_start3A_114 = tpu.memref_slice %arg2[%dma_start3A_112, %dma_start3A_113] : memref<10000x128xf32, #tpu.memory_space<hbm>> -> memref<10000x128xf32, #tpu.memory_space<hbm>>
          tpu.enqueue_indirect_dma source(%dma_start3A_114 : memref<10000x128xf32, #tpu.memory_space<hbm>>) target(%arg10 : memref<128x128xf32, #tpu.memory_space<vmem>>) offsets(%dma_start3A_111 : memref<128xi32, #tpu.memory_space<vmem>>) semaphore(%arg13 : memref<!tpu.dma_semaphore, #tpu.memory_space<semaphore_mem>>)
        } else {
        }
        %dma_wait3A_67 = arith.constant 0 : i32
        %dma_wait3A_68 = tpu.memref_slice %arg7[%mul3A_58, %dma_wait3A_67] : memref<16x128xi32, #tpu.memory_space<vmem>> -> memref<1x128xi32, #tpu.memory_space<vmem>>
        %dma_wait3A_69 = tpu.memref_squeeze %dma_wait3A_68 : memref<1x128xi32, #tpu.memory_space<vmem>> -> memref<128xi32, #tpu.memory_space<vmem>>
        %dma_wait3A_70 = arith.constant 0 : i32
        %dma_wait3A_71 = arith.constant 0 : i32
        %dma_wait3A_72 = tpu.memref_slice %arg2[%dma_wait3A_70, %dma_wait3A_71] : memref<10000x128xf32, #tpu.memory_space<hbm>> -> memref<10000x128xf32, #tpu.memory_space<hbm>>
        tpu.wait_indirect_dma semaphore(%arg12 : memref<!tpu.dma_semaphore, #tpu.memory_space<semaphore_mem>>) src(%dma_wait3A_72 : memref<10000x128xf32, #tpu.memory_space<hbm>>) dst(%arg9 : memref<128x128xf32, #tpu.memory_space<vmem>>)
        %dma_start3A_73 = arith.constant 0 : i32
        %dma_start3A_74 = tpu.memref_slice %arg8[%mul3A_58, %dma_start3A_73] : memref<16x128xi32, #tpu.memory_space<vmem>> -> memref<1x128xi32, #tpu.memory_space<vmem>>
        %dma_start3A_75 = tpu.memref_squeeze %dma_start3A_74 : memref<1x128xi32, #tpu.memory_space<vmem>> -> memref<128xi32, #tpu.memory_space<vmem>>
        %dma_start3A_76 = arith.constant 0 : i32
        %dma_start3A_77 = arith.constant 0 : i32
        %dma_start3A_78 = tpu.memref_slice %arg11[%dma_start3A_76, %dma_start3A_77] : memref<10112x128xf32, #tpu.memory_space<vmem_shared>> -> memref<10112x128xf32, #tpu.memory_space<vmem_shared>>
        tpu.enqueue_indirect_dma source(%arg9 : memref<128x128xf32, #tpu.memory_space<vmem>>) target(%dma_start3A_78 : memref<10112x128xf32, #tpu.memory_space<vmem_shared>>) offsets(%dma_start3A_75 : memref<128xi32, #tpu.memory_space<vmem>>) semaphore(%arg14 : memref<!tpu.dma_semaphore, #tpu.memory_space<semaphore_mem>>) {add = true}
        %mul3A_79 = arith.constant 2 : i32
        %mul3A_80 = arith.muli %mul3A_79, %scan3A_56 : i32
        %add3A_81 = arith.constant 1 : i32
        %add3A_82 = arith.addi %mul3A_80, %add3A_81 : i32
        %ge3A_83 = arith.constant 1 : i32
        %ge3A_84 = arith.cmpi sge, %add3A_82, %ge3A_83 : i32
        %convert_element_type3A_85 = arith.extui %ge3A_84 : i1 to i32
        %cond3A_86 = arith.constant 0 : i32
        %cond3A_87 = arith.cmpi ne, %convert_element_type3A_85, %cond3A_86 : i32
        scf.if %cond3A_87 {
          %sub3A = arith.constant 1 : i32
          %sub3A_107 = arith.subi %add3A_82, %sub3A : i32
          %dma_wait3A_108 = arith.constant 0 : i32
          %dma_wait3A_109 = tpu.memref_slice %arg8[%sub3A_107, %dma_wait3A_108] : memref<16x128xi32, #tpu.memory_space<vmem>> -> memref<1x128xi32, #tpu.memory_space<vmem>>
          %dma_wait3A_110 = tpu.memref_squeeze %dma_wait3A_109 : memref<1x128xi32, #tpu.memory_space<vmem>> -> memref<128xi32, #tpu.memory_space<vmem>>
          %dma_wait3A_111 = arith.constant 0 : i32
          %dma_wait3A_112 = arith.constant 0 : i32
          %dma_wait3A_113 = tpu.memref_slice %arg11[%dma_wait3A_111, %dma_wait3A_112] : memref<10112x128xf32, #tpu.memory_space<vmem_shared>> -> memref<10112x128xf32, #tpu.memory_space<vmem_shared>>
          tpu.wait_indirect_dma semaphore(%arg14 : memref<!tpu.dma_semaphore, #tpu.memory_space<semaphore_mem>>) src(%arg9 : memref<128x128xf32, #tpu.memory_space<vmem>>) dst(%dma_wait3A_113 : memref<10112x128xf32, #tpu.memory_space<vmem_shared>>)
        } else {
        }
        %add3A_88 = arith.constant 1 : i32
        %add3A_89 = arith.addi %add3A_82, %add3A_88 : i32
        %lt3A_90 = arith.constant 16 : i32
        %lt3A_91 = arith.cmpi slt, %add3A_89, %lt3A_90 : i32
        %convert_element_type3A_92 = arith.extui %lt3A_91 : i1 to i32
        %cond3A_93 = arith.constant 0 : i32
        %cond3A_94 = arith.cmpi ne, %convert_element_type3A_92, %cond3A_93 : i32
        scf.if %cond3A_94 {
          %add3A_107 = arith.constant 1 : i32
          %add3A_108 = arith.addi %add3A_82, %add3A_107 : i32
          %dma_start3A_109 = arith.constant 0 : i32
          %dma_start3A_110 = tpu.memref_slice %arg7[%add3A_108, %dma_start3A_109] : memref<16x128xi32, #tpu.memory_space<vmem>> -> memref<1x128xi32, #tpu.memory_space<vmem>>
          %dma_start3A_111 = tpu.memref_squeeze %dma_start3A_110 : memref<1x128xi32, #tpu.memory_space<vmem>> -> memref<128xi32, #tpu.memory_space<vmem>>
          %dma_start3A_112 = arith.constant 0 : i32
          %dma_start3A_113 = arith.constant 0 : i32
          %dma_start3A_114 = tpu.memref_slice %arg2[%dma_start3A_112, %dma_start3A_113] : memref<10000x128xf32, #tpu.memory_space<hbm>> -> memref<10000x128xf32, #tpu.memory_space<hbm>>
          tpu.enqueue_indirect_dma source(%dma_start3A_114 : memref<10000x128xf32, #tpu.memory_space<hbm>>) target(%arg9 : memref<128x128xf32, #tpu.memory_space<vmem>>) offsets(%dma_start3A_111 : memref<128xi32, #tpu.memory_space<vmem>>) semaphore(%arg12 : memref<!tpu.dma_semaphore, #tpu.memory_space<semaphore_mem>>)
        } else {
        }
        %dma_wait3A_95 = arith.constant 0 : i32
        %dma_wait3A_96 = tpu.memref_slice %arg7[%add3A_82, %dma_wait3A_95] : memref<16x128xi32, #tpu.memory_space<vmem>> -> memref<1x128xi32, #tpu.memory_space<vmem>>
        %dma_wait3A_97 = tpu.memref_squeeze %dma_wait3A_96 : memref<1x128xi32, #tpu.memory_space<vmem>> -> memref<128xi32, #tpu.memory_space<vmem>>
        %dma_wait3A_98 = arith.constant 0 : i32
        %dma_wait3A_99 = arith.constant 0 : i32
        %dma_wait3A_100 = tpu.memref_slice %arg2[%dma_wait3A_98, %dma_wait3A_99] : memref<10000x128xf32, #tpu.memory_space<hbm>> -> memref<10000x128xf32, #tpu.memory_space<hbm>>
        tpu.wait_indirect_dma semaphore(%arg13 : memref<!tpu.dma_semaphore, #tpu.memory_space<semaphore_mem>>) src(%dma_wait3A_100 : memref<10000x128xf32, #tpu.memory_space<hbm>>) dst(%arg10 : memref<128x128xf32, #tpu.memory_space<vmem>>)
        %dma_start3A_101 = arith.constant 0 : i32
        %dma_start3A_102 = tpu.memref_slice %arg8[%add3A_82, %dma_start3A_101] : memref<16x128xi32, #tpu.memory_space<vmem>> -> memref<1x128xi32, #tpu.memory_space<vmem>>
        %dma_start3A_103 = tpu.memref_squeeze %dma_start3A_102 : memref<1x128xi32, #tpu.memory_space<vmem>> -> memref<128xi32, #tpu.memory_space<vmem>>
        %dma_start3A_104 = arith.constant 0 : i32
        %dma_start3A_105 = arith.constant 0 : i32
        %dma_start3A_106 = tpu.memref_slice %arg11[%dma_start3A_104, %dma_start3A_105] : memref<10112x128xf32, #tpu.memory_space<vmem_shared>> -> memref<10112x128xf32, #tpu.memory_space<vmem_shared>>
        tpu.enqueue_indirect_dma source(%arg10 : memref<128x128xf32, #tpu.memory_space<vmem>>) target(%dma_start3A_106 : memref<10112x128xf32, #tpu.memory_space<vmem_shared>>) offsets(%dma_start3A_103 : memref<128xi32, #tpu.memory_space<vmem>>) semaphore(%arg15 : memref<!tpu.dma_semaphore, #tpu.memory_space<semaphore_mem>>) {add = true}
      }
      %scan3A_48 = arith.constant 8 : i32
      %dma_wait3A_49 = arith.constant 15 : i32
      %dma_wait3A_50 = arith.constant 0 : i32
      %dma_wait3A_51 = tpu.memref_slice %arg8[%dma_wait3A_49, %dma_wait3A_50] : memref<16x128xi32, #tpu.memory_space<vmem>> -> memref<1x128xi32, #tpu.memory_space<vmem>>
      %dma_wait3A_52 = tpu.memref_squeeze %dma_wait3A_51 : memref<1x128xi32, #tpu.memory_space<vmem>> -> memref<128xi32, #tpu.memory_space<vmem>>
      %dma_wait3A_53 = arith.constant 0 : i32
      %dma_wait3A_54 = arith.constant 0 : i32
      %dma_wait3A_55 = tpu.memref_slice %arg11[%dma_wait3A_53, %dma_wait3A_54] : memref<10112x128xf32, #tpu.memory_space<vmem_shared>> -> memref<10112x128xf32, #tpu.memory_space<vmem_shared>>
      tpu.wait_indirect_dma semaphore(%arg15 : memref<!tpu.dma_semaphore, #tpu.memory_space<semaphore_mem>>) src(%arg10 : memref<128x128xf32, #tpu.memory_space<vmem>>) dst(%dma_wait3A_55 : memref<10112x128xf32, #tpu.memory_space<vmem_shared>>)
    }
    %scan3A_7 = arith.constant 5 : i32
    %barrier3A_8 = arith.constant 0 : index
    tpu.barrier barrier_id(%barrier3A_8)
    "tpu.region"() ({
      %run_scoped3A = tpu.sem_alloc : memref<!tpu.dma_semaphore, #tpu.memory_space<semaphore_mem>>
      %dma_start3A = arith.constant 0 : i32
      %dma_start3A_9 = tpu.memref_slice %arg6[%arg0, %mul3A_2, %dma_start3A] : memref<2x10112x128xf32, #tpu.memory_space<hbm>> -> memref<1x632x128xf32, #tpu.memory_space<hbm>>
      %dma_start3A_10 = tpu.memref_squeeze %dma_start3A_9 : memref<1x632x128xf32, #tpu.memory_space<hbm>> -> memref<632x128xf32, #tpu.memory_space<hbm>>
      %dma_start3A_11 = arith.constant 0 : i32
      %dma_start3A_12 = tpu.memref_slice %arg11[%mul3A_2, %dma_start3A_11] : memref<10112x128xf32, #tpu.memory_space<vmem_shared>> -> memref<632x128xf32, #tpu.memory_space<vmem_shared>>
      tpu.enqueue_dma source(%dma_start3A_12 : memref<632x128xf32, #tpu.memory_space<vmem_shared>>) target(%dma_start3A_10 : memref<632x128xf32, #tpu.memory_space<hbm>>) target_semaphore(%run_scoped3A : memref<!tpu.dma_semaphore, #tpu.memory_space<semaphore_mem>>)
      %dma_wait3A = arith.constant 0 : i32
      %dma_wait3A_13 = tpu.memref_slice %arg6[%arg0, %mul3A_2, %dma_wait3A] : memref<2x10112x128xf32, #tpu.memory_space<hbm>> -> memref<1x632x128xf32, #tpu.memory_space<hbm>>
      %dma_wait3A_14 = tpu.memref_squeeze %dma_wait3A_13 : memref<1x632x128xf32, #tpu.memory_space<hbm>> -> memref<632x128xf32, #tpu.memory_space<hbm>>
      %dma_wait3A_15 = arith.constant 0 : i32
      %dma_wait3A_16 = tpu.memref_slice %arg11[%mul3A_2, %dma_wait3A_15] : memref<10112x128xf32, #tpu.memory_space<vmem_shared>> -> memref<632x128xf32, #tpu.memory_space<vmem_shared>>
      tpu.wait_dma2 semaphore(%run_scoped3A : memref<!tpu.dma_semaphore, #tpu.memory_space<semaphore_mem>>) src(%dma_wait3A_16 : memref<632x128xf32, #tpu.memory_space<vmem_shared>>) dst(%dma_wait3A_14 : memref<632x128xf32, #tpu.memory_space<hbm>>)
      tpu.yield
    }) : () -> ()
    return
  }
}

module attributes {stable_mosaic.version = 14 : i64} {
  func.func @_scale1_kernel(%arg0: i32, %arg1: memref<2048x128xf32, #tpu.memory_space<vmem>>, %arg2: memref<128x128xf32, #tpu.memory_space<vmem>>, %arg3: memref<2048x1xf32, #tpu.memory_space<vmem>>, %arg4: memref<2048x128xf32, #tpu.memory_space<vmem>>, %arg5: memref<2048x1xf32, #tpu.memory_space<vmem>>) attributes {dimension_semantics = [#tpu.dimension_semantics<arbitrary>], iteration_bounds = array<i64: 5>, scalar_prefetch = 0 : i64, scratch_operands = 0 : i64, tpu.core_type = #tpu.core_type<tc>, window_params = [{transform_indices = @transform_0, window_bounds = array<i64: 2048, 128>}, {pipeline_mode = #tpu.pipeline_mode<synchronous>, transform_indices = @transform_1, window_bounds = array<i64: 128, 128>}, {transform_indices = @transform_2, window_bounds = array<i64: 2048, 1>}, {transform_indices = @transform_3, window_bounds = array<i64: 2048, 128>}, {transform_indices = @transform_4, window_bounds = array<i64: 2048, 1>}]} {
    %get3A = arith.constant 0 : index
    %get3A_0 = arith.constant 0 : index
    %get3A_1 = vector.load %arg3[%get3A, %get3A_0] : memref<2048x1xf32, #tpu.memory_space<vmem>>, vector<2048x1xf32>
    %gt3A = arith.constant 0.000000e+00 : f32
    %gt3A_2 = vector.broadcast %gt3A : f32 to vector<2048x1xf32>
    %gt3A_3 = arith.cmpf ogt, %get3A_1, %gt3A_2 : vector<2048x1xf32>
    %rsqrt3A = math.rsqrt %get3A_1 : vector<2048x1xf32>
    %jit3A = arith.constant 0.000000e+00 : f32
    %broadcast_in_dim3A = vector.broadcast %jit3A : f32 to vector<2048x1xf32>
    %select_n3A = arith.select %gt3A_3, %rsqrt3A, %broadcast_in_dim3A : vector<2048x1xi1>, vector<2048x1xf32>
    %get3A_4 = arith.constant 0 : index
    %get3A_5 = arith.constant 0 : index
    %get3A_6 = vector.load %arg1[%get3A_4, %get3A_5] : memref<2048x128xf32, #tpu.memory_space<vmem>>, vector<2048x128xf32>
    %get3A_7 = arith.constant 0 : index
    %get3A_8 = arith.constant 0 : index
    %get3A_9 = vector.load %arg2[%get3A_7, %get3A_8] : memref<128x128xf32, #tpu.memory_space<vmem>>, vector<128x128xf32>
    %dot_general3A = arith.constant dense<0.000000e+00> : vector<2048x128xf32>
    %dot_general3A_10 = tpu.matmul %get3A_6, %get3A_9, %dot_general3A {dimension_numbers = #tpu.dot_dimension_numbers<[1], [0], [0], [1], [0, 0, 1, 1], [], []>, transpose_lhs_hint = false} : vector<2048x128xf32>, vector<128x128xf32>, vector<2048x128xf32> -> vector<2048x128xf32>
    %mul3A = vector.broadcast %select_n3A : vector<2048x1xf32> to vector<2048x128xf32>
    %mul3A_11 = arith.mulf %dot_general3A_10, %mul3A : vector<2048x128xf32>
    %swap3A = arith.constant 0 : index
    %swap3A_12 = arith.constant 0 : index
    %swap3A_13 = vector.load %arg4[%swap3A, %swap3A_12] : memref<2048x128xf32, #tpu.memory_space<vmem>>, vector<2048x128xf32>
    tpu.vector_store %arg4[%swap3A, %swap3A_12], %mul3A_11 {strides = array<i32>} : memref<2048x128xf32, #tpu.memory_space<vmem>>, vector<2048x128xf32>,
    %swap3A_14 = arith.constant 0 : index
    %swap3A_15 = arith.constant 0 : index
    %swap3A_16 = vector.load %arg5[%swap3A_14, %swap3A_15] : memref<2048x1xf32, #tpu.memory_space<vmem>>, vector<2048x1xf32>
    tpu.vector_store %arg5[%swap3A_14, %swap3A_15], %select_n3A {strides = array<i32>} : memref<2048x1xf32, #tpu.memory_space<vmem>>, vector<2048x1xf32>,
    return
  }
  func.func @transform_0(%arg0: i32) -> (i32, i32) {
    %c0_i32 = arith.constant 0 : i32
    %c0_i32_0 = arith.constant 0 : i32
    return %arg0, %c0_i32 : i32, i32
  }
  func.func @transform_1(%arg0: i32) -> (i32, i32) {
    %c0_i32 = arith.constant 0 : i32
    %c0_i32_0 = arith.constant 0 : i32
    %c0_i32_1 = arith.constant 0 : i32
    return %c0_i32, %c0_i32_0 : i32, i32
  }
  func.func @transform_2(%arg0: i32) -> (i32, i32) {
    %c0_i32 = arith.constant 0 : i32
    %c0_i32_0 = arith.constant 0 : i32
    return %arg0, %c0_i32 : i32, i32
  }
  func.func @transform_3(%arg0: i32) -> (i32, i32) {
    %c0_i32 = arith.constant 0 : i32
    %c0_i32_0 = arith.constant 0 : i32
    return %arg0, %c0_i32 : i32, i32
  }
  func.func @transform_4(%arg0: i32) -> (i32, i32) {
    %c0_i32 = arith.constant 0 : i32
    %c0_i32_0 = arith.constant 0 : i32
    return %arg0, %c0_i32 : i32, i32
  }
}

module attributes {stable_mosaic.version = 14 : i64} {
  func.func @_mid_kernel(%arg0: i32, %arg1: memref<2x2048x128xf32, #tpu.memory_space<vmem>>, %arg2: memref<2048x1xf32, #tpu.memory_space<vmem>>, %arg3: memref<1x128xf32, #tpu.memory_space<vmem>>, %arg4: memref<128x128xf32, #tpu.memory_space<vmem>>, %arg5: memref<2048x128xf32, #tpu.memory_space<vmem>>) attributes {dimension_semantics = [#tpu.dimension_semantics<arbitrary>], iteration_bounds = array<i64: 5>, scalar_prefetch = 0 : i64, scratch_operands = 0 : i64, tpu.core_type = #tpu.core_type<tc>, window_params = [{transform_indices = @transform_0, window_bounds = array<i64: 2, 2048, 128>}, {transform_indices = @transform_1, window_bounds = array<i64: 2048, 1>}, {pipeline_mode = #tpu.pipeline_mode<synchronous>, transform_indices = @transform_2, window_bounds = array<i64: 1, 128>}, {pipeline_mode = #tpu.pipeline_mode<synchronous>, transform_indices = @transform_3, window_bounds = array<i64: 128, 128>}, {transform_indices = @transform_4, window_bounds = array<i64: 2048, 128>}]} {
    %get3A = arith.constant 0 : index
    %get3A_0 = arith.constant 0 : index
    %get3A_1 = arith.constant 0 : index
    %get3A_2 = vector.load %arg1[%get3A, %get3A_0, %get3A_1] : memref<2x2048x128xf32, #tpu.memory_space<vmem>>, vector<1x2048x128xf32>
    %get3A_3 = vector.shape_cast %get3A_2 : vector<1x2048x128xf32> to vector<2048x128xf32>
    %get3A_4 = arith.constant 1 : index
    %get3A_5 = arith.constant 0 : index
    %get3A_6 = arith.constant 0 : index
    %get3A_7 = vector.load %arg1[%get3A_4, %get3A_5, %get3A_6] : memref<2x2048x128xf32, #tpu.memory_space<vmem>>, vector<1x2048x128xf32>
    %get3A_8 = vector.shape_cast %get3A_7 : vector<1x2048x128xf32> to vector<2048x128xf32>
    %add3A = arith.addf %get3A_3, %get3A_8 : vector<2048x128xf32>
    %get3A_9 = arith.constant 0 : index
    %get3A_10 = arith.constant 0 : index
    %get3A_11 = vector.load %arg2[%get3A_9, %get3A_10] : memref<2048x1xf32, #tpu.memory_space<vmem>>, vector<2048x1xf32>
    %mul3A = vector.broadcast %get3A_11 : vector<2048x1xf32> to vector<2048x128xf32>
    %mul3A_12 = arith.mulf %add3A, %mul3A : vector<2048x128xf32>
    %get3A_13 = arith.constant 0 : index
    %get3A_14 = arith.constant 0 : index
    %get3A_15 = vector.load %arg3[%get3A_13, %get3A_14] : memref<1x128xf32, #tpu.memory_space<vmem>>, vector<1x128xf32>
    %add3A_16 = vector.broadcast %get3A_15 : vector<1x128xf32> to vector<2048x128xf32>
    %add3A_17 = arith.addf %mul3A_12, %add3A_16 : vector<2048x128xf32>
    %max3A = arith.constant 0.000000e+00 : f32
    %max3A_18 = vector.broadcast %max3A : f32 to vector<2048x128xf32>
    %max3A_19 = arith.maximumf %add3A_17, %max3A_18 : vector<2048x128xf32>
    %get3A_20 = arith.constant 0 : index
    %get3A_21 = arith.constant 0 : index
    %get3A_22 = vector.load %arg4[%get3A_20, %get3A_21] : memref<128x128xf32, #tpu.memory_space<vmem>>, vector<128x128xf32>
    %dot_general3A = arith.constant dense<0.000000e+00> : vector<2048x128xf32>
    %dot_general3A_23 = tpu.matmul %max3A_19, %get3A_22, %dot_general3A {dimension_numbers = #tpu.dot_dimension_numbers<[1], [0], [0], [1], [0, 0, 1, 1], [], []>, transpose_lhs_hint = false} : vector<2048x128xf32>, vector<128x128xf32>, vector<2048x128xf32> -> vector<2048x128xf32>
    %mul3A_24 = vector.broadcast %get3A_11 : vector<2048x1xf32> to vector<2048x128xf32>
    %mul3A_25 = arith.mulf %dot_general3A_23, %mul3A_24 : vector<2048x128xf32>
    %swap3A = arith.constant 0 : index
    %swap3A_26 = arith.constant 0 : index
    %swap3A_27 = vector.load %arg5[%swap3A, %swap3A_26] : memref<2048x128xf32, #tpu.memory_space<vmem>>, vector<2048x128xf32>
    tpu.vector_store %arg5[%swap3A, %swap3A_26], %mul3A_25 {strides = array<i32>} : memref<2048x128xf32, #tpu.memory_space<vmem>>, vector<2048x128xf32>,
    return
  }
  func.func @transform_0(%arg0: i32) -> (i32, i32, i32) {
    %c0_i32 = arith.constant 0 : i32
    %c0_i32_0 = arith.constant 0 : i32
    %c0_i32_1 = arith.constant 0 : i32
    return %c0_i32, %arg0, %c0_i32_0 : i32, i32, i32
  }
  func.func @transform_1(%arg0: i32) -> (i32, i32) {
    %c0_i32 = arith.constant 0 : i32
    %c0_i32_0 = arith.constant 0 : i32
    return %arg0, %c0_i32 : i32, i32
  }
  func.func @transform_2(%arg0: i32) -> (i32, i32) {
    %c0_i32 = arith.constant 0 : i32
    %c0_i32_0 = arith.constant 0 : i32
    %c0_i32_1 = arith.constant 0 : i32
    return %c0_i32, %c0_i32_0 : i32, i32
  }
  func.func @transform_3(%arg0: i32) -> (i32, i32) {
    %c0_i32 = arith.constant 0 : i32
    %c0_i32_0 = arith.constant 0 : i32
    %c0_i32_1 = arith.constant 0 : i32
    return %c0_i32, %c0_i32_0 : i32, i32
  }
  func.func @transform_4(%arg0: i32) -> (i32, i32) {
    %c0_i32 = arith.constant 0 : i32
    %c0_i32_0 = arith.constant 0 : i32
    return %arg0, %c0_i32 : i32, i32
  }
}

module attributes {stable_mosaic.version = 14 : i64} {
  func.func @_final_kernel(%arg0: i32, %arg1: memref<2x2048x128xf32, #tpu.memory_space<vmem>>, %arg2: memref<2048x1xf32, #tpu.memory_space<vmem>>, %arg3: memref<1x128xf32, #tpu.memory_space<vmem>>, %arg4: memref<2048x128xf32, #tpu.memory_space<vmem>>) attributes {dimension_semantics = [#tpu.dimension_semantics<arbitrary>], iteration_bounds = array<i64: 5>, scalar_prefetch = 0 : i64, scratch_operands = 0 : i64, tpu.core_type = #tpu.core_type<tc>, window_params = [{transform_indices = @transform_0, window_bounds = array<i64: 2, 2048, 128>}, {transform_indices = @transform_1, window_bounds = array<i64: 2048, 1>}, {pipeline_mode = #tpu.pipeline_mode<synchronous>, transform_indices = @transform_2, window_bounds = array<i64: 1, 128>}, {transform_indices = @transform_3, window_bounds = array<i64: 2048, 128>}]} {
    %get3A = arith.constant 0 : index
    %get3A_0 = arith.constant 0 : index
    %get3A_1 = arith.constant 0 : index
    %get3A_2 = vector.load %arg1[%get3A, %get3A_0, %get3A_1] : memref<2x2048x128xf32, #tpu.memory_space<vmem>>, vector<1x2048x128xf32>
    %get3A_3 = vector.shape_cast %get3A_2 : vector<1x2048x128xf32> to vector<2048x128xf32>
    %get3A_4 = arith.constant 1 : index
    %get3A_5 = arith.constant 0 : index
    %get3A_6 = arith.constant 0 : index
    %get3A_7 = vector.load %arg1[%get3A_4, %get3A_5, %get3A_6] : memref<2x2048x128xf32, #tpu.memory_space<vmem>>, vector<1x2048x128xf32>
    %get3A_8 = vector.shape_cast %get3A_7 : vector<1x2048x128xf32> to vector<2048x128xf32>
    %add3A = arith.addf %get3A_3, %get3A_8 : vector<2048x128xf32>
    %get3A_9 = arith.constant 0 : index
    %get3A_10 = arith.constant 0 : index
    %get3A_11 = vector.load %arg2[%get3A_9, %get3A_10] : memref<2048x1xf32, #tpu.memory_space<vmem>>, vector<2048x1xf32>
    %mul3A = vector.broadcast %get3A_11 : vector<2048x1xf32> to vector<2048x128xf32>
    %mul3A_12 = arith.mulf %add3A, %mul3A : vector<2048x128xf32>
    %get3A_13 = arith.constant 0 : index
    %get3A_14 = arith.constant 0 : index
    %get3A_15 = vector.load %arg3[%get3A_13, %get3A_14] : memref<1x128xf32, #tpu.memory_space<vmem>>, vector<1x128xf32>
    %add3A_16 = vector.broadcast %get3A_15 : vector<1x128xf32> to vector<2048x128xf32>
    %add3A_17 = arith.addf %mul3A_12, %add3A_16 : vector<2048x128xf32>
    %swap3A = arith.constant 0 : index
    %swap3A_18 = arith.constant 0 : index
    %swap3A_19 = vector.load %arg4[%swap3A, %swap3A_18] : memref<2048x128xf32, #tpu.memory_space<vmem>>, vector<2048x128xf32>
    tpu.vector_store %arg4[%swap3A, %swap3A_18], %add3A_17 {strides = array<i32>} : memref<2048x128xf32, #tpu.memory_space<vmem>>, vector<2048x128xf32>,
    return
  }
  func.func @transform_0(%arg0: i32) -> (i32, i32, i32) {
    %c0_i32 = arith.constant 0 : i32
    %c0_i32_0 = arith.constant 0 : i32
    %c0_i32_1 = arith.constant 0 : i32
    return %c0_i32, %arg0, %c0_i32_0 : i32, i32, i32
  }
  func.func @transform_1(%arg0: i32) -> (i32, i32) {
    %c0_i32 = arith.constant 0 : i32
    %c0_i32_0 = arith.constant 0 : i32
    return %arg0, %c0_i32 : i32, i32
  }
  func.func @transform_2(%arg0: i32) -> (i32, i32) {
    %c0_i32 = arith.constant 0 : i32
    %c0_i32_0 = arith.constant 0 : i32
    %c0_i32_1 = arith.constant 0 : i32
    return %c0_i32, %c0_i32_0 : i32, i32
  }
  func.func @transform_3(%arg0: i32) -> (i32, i32) {
    %c0_i32 = arith.constant 0 : i32
    %c0_i32_0 = arith.constant 0 : i32
    return %arg0, %c0_i32 : i32, i32
  }
}

</mosaic_0001>

<sc_bundles>
// kernel: kernel.11.cloned.1.call-start
scs
__scs_entry_jumppad:
0x0: {  	(pc) =	sbr.rel $0x88, $3  }
0x1: {  	(tag) =	ssettag $0x0;
	lr =	simm.s32 $0x1  }
0x2: {  	[smem:$0x3F9B] =	sst lr;
	_ =	strace $0xD0000000  }
0x3: {  	_ = 	snop  }
0x4: {  	_ = 	snop  }
0x5: {  	_ = 	snop  }
0x6: {  	_ = 	snop  }
0x7: {  	_ = 	snop  }
__scs_overlays_trampoline_lowered:
0x8: {  	[smem:$0x3FAA] =	sst s0  }
0x9: {  	[smem:$0x3FAB] =	sst s1  }
0xa: {  	[smem:$0x3FAC] =	sst s2  }
0xb: {  	[smem:$0x3FAD] =	sst s3  }
0xc: {  	[smem:$0x3FAE] =	sst s4  }
0xd: {  	[smem:$0x3FAF] =	sst s5  }
0xe: {  	[smem:$0x3FB0] =	sst s6  }
0xf: {  	[smem:$0x3FB1] =	sst s7  }
0x10: {  	[smem:$0x3FB2] =	sst s8  }
0x11: {  	[smem:$0x3FB3] =	sst s9;
	s0 =	simm.s32 @!p0 $0x0  }
0x12: {  	s1 =	sld [smem:$0x3F99];
	s0 =	simm.s32 @p0 $0x1  }
0x13: {  	[smem:$0x3FB4] =	sst s0;
	s0 =	simm.s32 @!p1 $0x0  }
0x14: {  	s2 =	sld [smem:$0x3F98];
	s0 =	simm.s32 @p1 $0x1  }
0x15: {  	[smem:$0x3FB5] =	sst s0;
	s0 =	simm.s32 @!p2 $0x0  }
0x16: {  	s3 =	sld [smem:$0x3FDB];
	s0 =	simm.s32 @p2 $0x1  }
0x17: {  	s4 =	simm.s32 $0x1BF5;
	[smem:$0x3FB7] =	sst s0  }
0x18: {  	s0 =	sld [smem:$0x3F9A];
	_ =	swait.ge [sflag:s4], $0x0  }
0x19: {  	s7 =	sld [smem:$0x3F9B]  }
0x1a: {  	s8 =	sadd.s32 $0xFFFFE003, lr  }
0x1b: {  	s9 =	sadd.s32 $0xFFFFFEF7, lr;
	s5 =	simm.s32 $0xFFFFFFFF;
	p2 =	slt.u32 s8, $0xFFFFF086  }
0x1c: {  	p1 =	slt.u32 s9, $0xF7A;
	s5 =	simm.s32 @!p2 $0x0  }
0x1d: {  	s5 =	simm.s32 @p1 $0x1;
	p0 =	seq.s32 s7, s2  }
0x1e: {  	s7 =	smul.u32 @!p0 $0xF7A, s2;
	p2 =	seq.s32 @!p0 s5, $0x0  }
0x1f: {  	s9 =	smul.u32 $0xF7A, s1;
	s8 =	simm.s32 @!p0 $0x1BF5;
	p2 =	por !p2, p0  }
0x20: {  	[sflag:s8] =	ssyncset.s32 @!p0 $0xFFFFF086;
	s6 =	sadd.s32 @!p0 s3, s7;
	s7 =	simm.s32 @!p0 $0x108  }
0x21: {  	s3 =	sadd.s32 s3, s9;
	s6 =	sadd.s32 @!p0 $0x88, s6;
	s7 =	simm.s32 @p2 $0x1082  }
0x22: {  	[simem:s7], [sflag:s8] =	dma.local @!p0 [hbm:s6], $0xF7A  }
0x23: {  	s9 =	sor.u32 $0xD0000000, s2;
	s6 =	simm.s32 $0x108;
	_ =	swait.ge @!p0 [sflag:s8], $0x0  }
0x24: {  	s3 =	sadd.s32 $0x88, s3;
	s6 =	simm.s32 @!p1 $0x1082;
	[sflag:s4] =	ssyncset.s32 $0xFFFFF086  }
0x25: {  	[simem:s6], [sflag:s4] =	dma.local [hbm:s3], $0xF7A  }
0x26: {  	[smem:$0x3F9B] =	sst s1;
	(tag) =	ssettag s2;
	_ =	strace s9  }
0x27: {  	s1 =	sld [smem:$0x3FAB]  }
0x28: {  	s2 =	sld [smem:$0x3FAC]  }
0x29: {  	s4 =	sld [smem:$0x3FAE]  }
0x2a: {  	p0 =	seq.s32 s5, $0x0;
	s5 =	sld [smem:$0x3FAF]  }
0x2b: {  	s6 =	sld [smem:$0x3FB0]  }
0x2c: {  	s7 =	sld [smem:$0x3FB1]  }
0x2d: {  	s3 =	simm.s32 $0x108;
	s8 =	sld [smem:$0x3FB2]  }
0x2e: {  	s3 =	simm.s32 @!p0 $0x1082;
	s9 =	sld [smem:$0x3FB3]  }
0x2f: {  	lr =	sadd.s32 s0, s3;
	s0 =	sld [smem:$0x3FAA]  }
0x30: {  	s3 =	sld [smem:$0x3FAD]  }
0x31: {  	[smem:$0x3FB6] =	sst s10  }
0x32: {  	s10 =	sld [smem:$0x3FB4];
	_ =	sdelay $0x3  }
0x33: {  	p0 =	seq.s32 s10, $0x1;
	s10 =	sld [smem:$0x3FB6];
	_ =	sdelay $0x3  }
0x34: {  	[smem:$0x3FB6] =	sst s10  }
0x35: {  	s10 =	sld [smem:$0x3FB5];
	_ =	sdelay $0x3  }
0x36: {  	p1 =	seq.s32 s10, $0x1;
	s10 =	sld [smem:$0x3FB6];
	_ =	sdelay $0x3  }
0x37: {  	[smem:$0x3FB6] =	sst s10  }
0x38: {  	s10 =	sld [smem:$0x3FB7]  }
0x39: {  	_ = 	snop;
	(pc) =	sbr.ind lr, $3  }
0x3a: {  	_ = 	snop  }
0x3b: {  	_ = 	snop  }
0x3c: {  	p2 =	seq.s32 s10, $0x1;
	s10 =	sld [smem:$0x3FB6]  }
0x3d: {  	_ =	shalt  }
0x3e: {  	_ =	shalt  }
0x3f: {  	_ =	shalt  }
0x40: {  	_ =	shalt  }
0x41: {  	_ =	shalt  }
0x42: {  	_ =	shalt  }
0x43: {  	_ =	shalt  }
0x44: {  	_ =	shalt  }
0x45: {  	_ =	shalt  }
0x46: {  	_ =	shalt  }
0x47: {  	_ =	shalt  }
0x48: {  	_ =	shalt  }
0x49: {  	_ =	shalt  }
0x4a: {  	_ =	shalt  }
0x4b: {  	_ =	shalt  }
0x4c: {  	_ =	shalt  }
0x4d: {  	_ =	shalt  }
0x4e: {  	_ =	shalt  }
0x4f: {  	_ =	shalt  }
0x50: {  	_ =	shalt  }
0x51: {  	_ =	shalt  }
0x52: {  	_ =	shalt  }
0x53: {  	_ =	shalt  }
0x54: {  	_ =	shalt  }
0x55: {  	_ =	shalt  }
0x56: {  	_ =	shalt  }
0x57: {  	_ =	shalt  }
0x58: {  	_ =	shalt  }
0x59: {  	_ =	shalt  }
0x5a: {  	_ =	shalt  }
0x5b: {  	_ =	shalt  }
0x5c: {  	_ =	shalt  }
0x5d: {  	_ =	shalt  }
0x5e: {  	_ =	shalt  }
0x5f: {  	_ =	shalt  }
0x60: {  	_ =	shalt  }
0x61: {  	_ =	shalt  }
0x62: {  	_ =	shalt  }
0x63: {  	_ =	shalt  }
0x64: {  	_ =	shalt  }
0x65: {  	_ =	shalt  }
0x66: {  	_ =	shalt  }
0x67: {  	_ =	shalt  }
0x68: {  	_ =	shalt  }
0x69: {  	_ =	shalt  }
0x6a: {  	_ =	shalt  }
0x6b: {  	_ =	shalt  }
0x6c: {  	_ =	shalt  }
0x6d: {  	_ =	shalt  }
0x6e: {  	_ =	shalt  }
0x6f: {  	_ =	shalt  }
0x70: {  	_ =	shalt  }
0x71: {  	_ =	shalt  }
0x72: {  	_ =	shalt  }
0x73: {  	_ =	shalt  }
0x74: {  	_ =	shalt  }
0x75: {  	_ =	shalt  }
0x76: {  	_ =	shalt  }
0x77: {  	_ =	shalt  }
0x78: {  	_ =	shalt  }
0x79: {  	_ =	shalt  }
0x7a: {  	_ =	shalt  }
0x7b: {  	_ =	shalt  }
0x7c: {  	_ =	shalt  }
0x7d: {  	_ =	shalt  }
0x7e: {  	_ =	shalt  }
0x7f: {  	_ =	shalt  }
0x80: {  	_ =	shalt  }
0x81: {  	_ =	shalt  }
0x82: {  	_ =	shalt  }
0x83: {  	_ =	shalt  }
0x84: {  	_ =	shalt  }
0x85: {  	_ =	shalt  }
0x86: {  	_ =	shalt  }
0x87: {  	_ =	shalt  }
.Lfunc_end0:
.L_simem_size_0:
called_computation.1_lowered:
.L_overlay_start_0:
0x88: {  	s2 =	sld [smem:$0x3FD9]  }
0x89: {  	s3 =	sld [smem:$0x3FFE];
	_ =	sdelay $0x1  }
0x8a: {  	s1 =	srdreg.scid  }
0x8b: {  	s0 =	sand.u32 $0x1, s1  }
0x8c: {  	s17 =	sshll.u32 s0, $0xA;
	s2 =	sadd.s32 s3, s2  }
0x8d: {  	s2 =	sadd.s32 s2, s17  }
0x8e: {  	[smem:$0x3FC2] =	sst s2  }
0x8f: {  	_ = 	snop  }
0x90: {  	s2 =	sld [smem:$0x3FD0];
	(tm) =	ssettm $0x1  }
0x91: {  	s18 =	sld [smem:$0x3FFB];
	_ =	sdelay $0x3  }
0x92: {  	_ =	strace s18  }
0x93: {  	s3 =	sld [smem:$0x3FFC];
	_ =	sdelay $0x3  }
0x94: {  	_ =	strace s3  }
0x95: {  	s3 =	sld [smem:$0x3FFD];
	_ =	sdelay $0x3  }
0x96: {  	_ =	strace s3  }
0x97: {  	_ =	strace $0x8FFFFFFF  }
0x98: {  	s19 =	sld [smem:$0x3FDB];
	_ =	sdelay $0x1  }
0x99: {  	s4 =	simm.s32 $_scs_section_size  }
0x9a: {  	s5 =	simm.s32 $_size__tile_overlayer_lowered;
	s6 =	simm.s32 $_tile_overlayer_lowered  }
0x9b: {  	s22 =	simm.s32 $0x1BFF;
	s21 =	sshll.u32 s6, $0x1;
	s3 =	sadd.s32 s4, s19  }
0x9c: {  	s7 =	simm.s32 $0x0;
	s20 =	sshll.u32 s5, $0x1;
	s5 =	sadd.s32 s21, s3  }
0x9d: {  	[timem:s7], [sflag:s22] =	dma.local [hbm:s5], s20  }
0x9e: {  	_ =	swait.ge [sflag:s22], s20  }
0x9f: {  	s4 =	ssub.s32 $0x0, s20;
	[sflag:s22] =	ssyncset.done $0x0  }
0xa0: {  	[sflag:s22] =	ssyncadd.s32 s4;
	_ =	sdelay $0x1  }
0xa1: {  	s23 =	simm.s32 $0x1B8B  }
0xa2: {  	_ =	swait.ge [sflag:s23], $0x1  }
0xa3: {  	[sflag:s23] =	ssyncset.done $0x0  }
0xa4: {  	s25 =	simm.s32 $0x1B8E;
	s24 =	sld [smem:$0x3FFE];
	[sflag:s23] =	ssyncadd.s32 $0xFFFFFFFF  }
0xa5: {  	s26 =	simm.s32 $execute0_lowered;
	[smem:$0x3FD2] =	sst s25  }
0xa6: {  	s5 =	sshll.u32 s26, $0x1;
	_ =	strace $0x80000049;
	[dreg:$0x1] =	wrdreg $0xFFFFFFFF  }
0xa7: {  	s28 =	simm.s32 $_size_execute0_lowered;
	s3 =	sadd.s32 s3, s5;
	[dreg:$0x0] =	wrdreg $0x0  }
0xa8: {  	s5 =	sshll.u32 s28, $0x1;
	[dreg:$0x2] =	wrdreg s3  }
0xa9: {  	[dreg:$0x3] =	wrdreg s5  }
0xaa: {  	[dreg:$0x4] =	wrdreg $0xC0  }
0xab: {  	_ =	task [dreg:s7], $0x5FFFF  }
0xac: {  	[dreg:$0x1] =	wrdreg $0xFFFFFFFF  }
0xad: {  	[dreg:$0x0] =	wrdreg $0x60  }
0xae: {  	[dreg:$0x2] =	wrdreg s2  }
0xaf: {  	[dreg:$0x3] =	wrdreg s24  }
0xb0: {  	[dreg:$0x4] =	wrdreg $0x90000  }
0xb1: {  	[dreg:$0x5] =	wrdreg $0x9  }
0xb2: {  	_ =	task.clear_ibuf [dreg:s7], $0x6FFFF;
	_ =	strace $0x90000049  }
0xb3: {  	s29 =	simm.s32 $0x9;
	_ =	strace $0x8000004B  }
0xb4: {  	_ =	swait.ge [sflag:s29], $0x1  }
0xb5: {  	[sflag:s29] =	ssyncadd.s32 $0xFFFFFFFF  }
0xb6: {  	_ =	strace $0x9000004B  }
0xb7: {  	_ =	sfence  }
0xb8: {  	s30 =	sld [smem:$0x0];
	_ =	sdelay $0x2  }
0xb9: {  	s31 =	sshll.u32 s1, $0xD;
	s1 =	sshrl.u32 s1, $0x2  }
0xba: {  	s3 =	sand.u32 $0x4000, s31;
	s1 =	sadd.s32 s1, s30  }
0xbb: {  	s0 =	sor.u32 s3, s0;
	s1 =	sshll.u32 s1, $0x11  }
0xbc: {  	s0 =	sor.u32 s1, s0  }
0xbd: {  	s0 =	sadd.s32 $0x8F2B, s0  }
0xbe: {  	[sflag:s0] =	ssyncadd.remote.s32 $0x1  }
0xbf: {  	_ =	sfence.sel $0xFFFF  }
0xc0: {  	[dreg:$0x0] =	wrdreg $0xFFFFFFFF;
	(pc) =	sbr.abs _section_cstart, $3  }
0xc1: {  	[dreg:$0x1] =	wrdreg $0xFFFFFFFF  }
0xc2: {  	_ =	task.clear_ibuf [dreg:s7], $0x2FFFF;
	_ =	strace $0x9FFFFFFF  }
0xc3: {  	(tm) =	ssettm $0x7FFFFFFF  }
tec
execute0_lowered:
.L_overlay_start_1:
0x0: {  	(tag) =	ssettag $0x1  }
0x1: {  	s1 =	rddreg [dreg:$0x0]  }
0x2: {  	s0 =	srdreg.scid;
	s2 =	rddreg [dreg:$0x1]  }
0x3: {  	s10 =	stileid.u32;
	s3 =	rddreg [dreg:$0x2];
	s4 =	simm.s32 $0x0  }
0x4: {  	s14 =	simm.s32 $0x100;
	s15 =	simm.s32 $0x880;
	s16 =	simm.s32 $0x180  }
0x5: {  	s17 =	simm.s32 $0x900;
	s18 =	simm.s32 $0x200;
	s19 =	simm.s32 $0x980  }
0x6: {  	s20 =	simm.s32 $0x280;
	s21 =	simm.s32 $0xA00;
	[smem:$0x7FF] =	sst s4  }
0x7: {  	s22 =	simm.s32 $0x300;
	_ =	strace $0x8000004A;
	[dreg:$0x6] =	wrdreg s14  }
0x8: {  	s23 =	simm.s32 $0xA80;
	s24 =	simm.s32 $0x380;
	[dreg:$0x7] =	wrdreg s15  }
0x9: {  	s28 =	simm.s32 $0xD80;
	s29 =	simm.s32 $0x680;
	[dreg:$0x8] =	wrdreg s16  }
0xa: {  	s30 =	simm.s32 $0xE00;
	s5 =	smul.u32 $0x5000, s10;
	[dreg:$0x9] =	wrdreg s17  }
0xb: {  	s31 =	simm.s32 $0x700;
	s25 =	smul.u32 $0x13C00, s10;
	[dreg:$0xa] =	wrdreg s18  }
0xc: {  	s0 =	sand.u32 $0x1, s0;
	s26 =	smul.u32 $0x4F000, s10;
	[dreg:$0xb] =	wrdreg s19  }
0xd: {  	s13 =	sshll.u32 s10, $0x6;
	s6 =	smul.u32 $0x2800, s0;
	[dreg:$0xc] =	wrdreg s20  }
0xe: {  	s10 =	simm.s32 $0x5;
	s7 =	smul.u32 $0x13C000, s0;
	[dreg:$0xd] =	wrdreg s21  }
0xf: {  	s0 =	ssub.s32 $0x2, s0;
	s14 =	simm.s32 $0x80;
	[dreg:$0xe] =	wrdreg s22  }
0x10: {  	s15 =	simm.s32 $0x1000;
	s16 =	simm.s32 $0x5000;
	[dreg:$0xf] =	wrdreg s23  }
0x11: {  	s17 =	simm.s32 $0x3;
	[dreg:$0x10] =	wrdreg s24;
	s18 =	simm.s32 $0x4  }
0x12: {  	s20 =	simm.s32 $0x480;
	s21 =	simm.s32 $0xC00;
	s22 =	simm.s32 $0x500  }
0x13: {  	s23 =	simm.s32 $0xC80;
	s24 =	simm.s32 $0x580;
	s19 =	simm.s32 $0x0  }
0x14: {  	s8 =	sshrl.u32 s25, $0x3;
	s9 =	sshrl.u32 s0, $0x1;
	s5 =	sadd.s32 s6, s5  }
0x15: {  	s6 =	sadd.s32 s25, s7;
	s8 =	sadd.s32 s8, s2;
	s0 =	ssub.s32 s0, s9  }
0x16: {  	s9 =	sshrl.u32 s26, $0x2;
	s25 =	simm.s32 $0xB00;
	s26 =	simm.s32 $0x400  }
0x17: {  	s7 =	simm.s32 $0xF80;
	s5 =	sshrl.u32 s5, $0x3;
	s6 =	sshrl.u32 s6, $0x3  }
0x18: {  	s11 =	sadd.s32 $0x16000, s8;
	s8 =	sor.u32 $0x1C05, s13;
	[dreg:$0x11] =	wrdreg s25  }
0x19: {  	s0 =	smax.u32 s0, $0x1;
	s13 =	simm.s32 $0x2;
	[dreg:$0x12] =	wrdreg s26  }
0x1a: {  	s25 =	simm.s32 $0xD00;
	s26 =	simm.s32 $0x600;
	[dreg:$0x13] =	wrdreg s11  }
0x1b: {  	s5 =	sadd.s32 s5, s2;
	s2 =	sadd.s32 s6, s2;
	[dreg:$0x16] =	wrdreg s0  }
0x1c: {  	s6 =	sadd.s32 s9, s3;
	[dreg:$0x14] =	wrdreg s8;
	s12 =	sadd.s32 $0x2000, s5  }
0x1d: {  	s11 =	simm.s32 $0x800;
	s5 =	sadd.s32 $0xC000, s5;
	[dreg:$0x4] =	wrdreg s12  }
0x1e: {  	s0 =	simm.s32 $0x780;
	s2 =	sadd.s32 $0x3D800, s2;
	[dreg:$0x5] =	wrdreg s5  }
0x1f: {  	s9 =	sshrl.u32 s6, $0x3;
	[dreg:$0x15] =	wrdreg s2;
	s12 =	simm.s32 $0x1  }
0x20: {  	s2 =	simm.s32 $0xE80;
	s5 =	simm.s32 $0xF00;
	[dreg:$0x17] =	wrdreg s9  }
.LBB2_1:
0x21: {  	[dreg:$0x18] =	wrdreg s19  }
0x22: {  	s6 =	rddreg [dreg:$0x13]  }
0x23: {  	[spmem:s9], [sflag:s8] =	dma.local [hbm:s6], $0x2780  }
0x24: {  	_ =	swait.ge [sflag:s10], $0x2780  }
0x25: {  	[sflag:s10] =	ssyncset.done $0x0  }
0x26: {  	[sflag:s10] =	ssyncadd.s32 $0xFFFFD880  }
0x27: {  	[bflag:$0x0] =	sbarrier.arrive $0xFFFF  }
0x28: {  	s19 =	rddreg [dreg:$0x5]  }
0x29: {  	s8 =	rddreg [dreg:$0x4];
	s6 =	sadd.s32 $0x0, s19  }
0x2a: {  	[tilespmem:s4], [sflag:$0x1] =	stream.linear.gather [hbm4b:s6+s4], $0x800, $0x38;
	[tilespmem:$0x1CC00] =	vst v63  }
0x2b: {  	s9 =	sadd.s32 $0x0, s8  }
0x2c: {  	[tilespmem:s11], [sflag:$0x2] =	stream.linear.gather [hbm4b:s9+s4], $0x800, $0x38;
	[tilespmem:$0x1CC00] =	vst v63  }
0x2d: {  	_ =	swait.ge [sflag:s12], $0x800  }
0x2e: {  	[sflag:s12] =	ssyncset.done $0x0  }
0x2f: {  	[sflag:s12] =	ssyncadd.s32 $0xFFFFF800  }
0x30: {  	_ =	swait.ge [sflag:s13], $0x800  }
0x31: {  	[sflag:s13] =	ssyncset.done $0x0  }
0x32: {  	[sflag:s13] =	ssyncadd.s32 $0xFFFFF800  }
0x33: {  	[tilespmem:s15], [sflag:$0x1] =	stream.indirect.gather [hbm4b:s1+s14], $0x80, s4, s14, $0xb8;
	[tilespmem:$0x1CC00] =	vst v63  }
0x34: {  	_ = 	snop  }
0x35: {  	[tilespmem:s16], [sflag:$0x2] =	stream.indirect.gather [hbm4b:s1+s14], $0x80, s14, s14, $0xb8;
	[tilespmem:$0x1CC00] =	vst v63  }
0x36: {  	_ =	swait.ge [sflag:s12], $0x4000  }
0x37: {  	[sflag:s12] =	ssyncset.done $0x0  }
0x38: {  	[sflag:s12] =	ssyncadd.s32 $0xFFFFC000  }
0x39: {  	[spmem:s3] =	stream.indirect.scatter.add.f32 [tilespmem:s15], [sflag:$0x3], $0x80, s11, s14, $0xb8;
	[tilespmem:$0x1CC00] =	vst v63  }
0x3a: {  	_ =	swait.ge [sflag:s17], $0x4000  }
0x3b: {  	[sflag:s17] =	ssyncset.done $0x0  }
0x3c: {  	s10 =	rddreg [dreg:$0x6];
	[sflag:s17] =	ssyncadd.s32 $0xFFFFC000  }
0x3d: {  	[tilespmem:s15], [sflag:$0x1] =	stream.indirect.gather [hbm4b:s1+s14], $0x80, s10, s14, $0xb8;
	[tilespmem:$0x1CC00] =	vst v63  }
0x3e: {  	_ =	swait.ge [sflag:s13], $0x4000  }
0x3f: {  	[sflag:s13] =	ssyncset.done $0x0  }
0x40: {  	s19 =	rddreg [dreg:$0x7];
	[sflag:s13] =	ssyncadd.s32 $0xFFFFC000  }
0x41: {  	[spmem:s3] =	stream.indirect.scatter.add.f32 [tilespmem:s16], [sflag:$0x4], $0x80, s19, s14, $0xb8;
	[tilespmem:$0x1CC00] =	vst v63  }
0x42: {  	_ =	swait.ge [sflag:s18], $0x4000  }
0x43: {  	[sflag:s18] =	ssyncset.done $0x0  }
0x44: {  	s8 =	rddreg [dreg:$0x8];
	[sflag:s18] =	ssyncadd.s32 $0xFFFFC000  }
0x45: {  	[tilespmem:s16], [sflag:$0x2] =	stream.indirect.gather [hbm4b:s1+s14], $0x80, s8, s14, $0xb8;
	[tilespmem:$0x1CC00] =	vst v63  }
0x46: {  	_ =	swait.ge [sflag:s12], $0x4000  }
0x47: {  	[sflag:s12] =	ssyncset.done $0x0  }
0x48: {  	s9 =	rddreg [dreg:$0x9];
	[sflag:s12] =	ssyncadd.s32 $0xFFFFC000  }
0x49: {  	[spmem:s3] =	stream.indirect.scatter.add.f32 [tilespmem:s15], [sflag:$0x3], $0x80, s9, s14, $0xb8;
	[tilespmem:$0x1CC00] =	vst v63  }
0x4a: {  	_ =	swait.ge [sflag:s17], $0x4000  }
0x4b: {  	[sflag:s17] =	ssyncset.done $0x0  }
0x4c: {  	s10 =	rddreg [dreg:$0xa];
	[sflag:s17] =	ssyncadd.s32 $0xFFFFC000  }
0x4d: {  	[tilespmem:s15], [sflag:$0x1] =	stream.indirect.gather [hbm4b:s1+s14], $0x80, s10, s14, $0xb8;
	[tilespmem:$0x1CC00] =	vst v63  }
0x4e: {  	_ =	swait.ge [sflag:s13], $0x4000  }
0x4f: {  	[sflag:s13] =	ssyncset.done $0x0  }
0x50: {  	s19 =	rddreg [dreg:$0xb];
	[sflag:s13] =	ssyncadd.s32 $0xFFFFC000  }
0x51: {  	[spmem:s3] =	stream.indirect.scatter.add.f32 [tilespmem:s16], [sflag:$0x4], $0x80, s19, s14, $0xb8;
	[tilespmem:$0x1CC00] =	vst v63  }
0x52: {  	_ =	swait.ge [sflag:s18], $0x4000  }
0x53: {  	[sflag:s18] =	ssyncset.done $0x0  }
0x54: {  	s8 =	rddreg [dreg:$0xc];
	[sflag:s18] =	ssyncadd.s32 $0xFFFFC000  }
0x55: {  	[tilespmem:s16], [sflag:$0x2] =	stream.indirect.gather [hbm4b:s1+s14], $0x80, s8, s14, $0xb8;
	[tilespmem:$0x1CC00] =	vst v63  }
0x56: {  	_ =	swait.ge [sflag:s12], $0x4000  }
0x57: {  	[sflag:s12] =	ssyncset.done $0x0  }
0x58: {  	s9 =	rddreg [dreg:$0xd];
	[sflag:s12] =	ssyncadd.s32 $0xFFFFC000  }
0x59: {  	[spmem:s3] =	stream.indirect.scatter.add.f32 [tilespmem:s15], [sflag:$0x3], $0x80, s9, s14, $0xb8;
	[tilespmem:$0x1CC00] =	vst v63  }
0x5a: {  	_ =	swait.ge [sflag:s17], $0x4000  }
0x5b: {  	[sflag:s17] =	ssyncset.done $0x0  }
0x5c: {  	s10 =	rddreg [dreg:$0xe];
	[sflag:s17] =	ssyncadd.s32 $0xFFFFC000  }
0x5d: {  	[tilespmem:s15], [sflag:$0x1] =	stream.indirect.gather [hbm4b:s1+s14], $0x80, s10, s14, $0xb8;
	[tilespmem:$0x1CC00] =	vst v63  }
0x5e: {  	_ =	swait.ge [sflag:s13], $0x4000  }
0x5f: {  	[sflag:s13] =	ssyncset.done $0x0  }
0x60: {  	s19 =	rddreg [dreg:$0xf];
	[sflag:s13] =	ssyncadd.s32 $0xFFFFC000  }
0x61: {  	[spmem:s3] =	stream.indirect.scatter.add.f32 [tilespmem:s16], [sflag:$0x4], $0x80, s19, s14, $0xb8;
	[tilespmem:$0x1CC00] =	vst v63  }
0x62: {  	_ =	swait.ge [sflag:s18], $0x4000  }
0x63: {  	[sflag:s18] =	ssyncset.done $0x0  }
0x64: {  	s8 =	rddreg [dreg:$0x10];
	[sflag:s18] =	ssyncadd.s32 $0xFFFFC000  }
0x65: {  	[tilespmem:s16], [sflag:$0x2] =	stream.indirect.gather [hbm4b:s1+s14], $0x80, s8, s14, $0xb8;
	[tilespmem:$0x1CC00] =	vst v63  }
0x66: {  	_ =	swait.ge [sflag:s12], $0x4000  }
0x67: {  	[sflag:s12] =	ssyncset.done $0x0  }
0x68: {  	s9 =	rddreg [dreg:$0x11];
	[sflag:s12] =	ssyncadd.s32 $0xFFFFC000  }
0x69: {  	[spmem:s3] =	stream.indirect.scatter.add.f32 [tilespmem:s15], [sflag:$0x3], $0x80, s9, s14, $0xb8;
	[tilespmem:$0x1CC00] =	vst v63  }
0x6a: {  	_ =	swait.ge [sflag:s17], $0x4000  }
0x6b: {  	[sflag:s17] =	ssyncset.done $0x0  }
0x6c: {  	s10 =	rddreg [dreg:$0x12];
	[sflag:s17] =	ssyncadd.s32 $0xFFFFC000  }
0x6d: {  	[tilespmem:s15], [sflag:$0x1] =	stream.indirect.gather [hbm4b:s1+s14], $0x80, s10, s14, $0xb8;
	[tilespmem:$0x1CC00] =	vst v63  }
0x6e: {  	_ =	swait.ge [sflag:s13], $0x4000  }
0x6f: {  	[sflag:s13] =	ssyncset.done $0x0  }
0x70: {  	s19 =	simm.s32 $0xB80;
	[sflag:s13] =	ssyncadd.s32 $0xFFFFC000  }
0x71: {  	[spmem:s3] =	stream.indirect.scatter.add.f32 [tilespmem:s16], [sflag:$0x4], $0x80, s19, s14, $0xb8;
	[tilespmem:$0x1CC00] =	vst v63  }
0x72: {  	_ =	swait.ge [sflag:s18], $0x4000  }
0x73: {  	[sflag:s18] =	ssyncset.done $0x0  }
0x74: {  	[sflag:s18] =	ssyncadd.s32 $0xFFFFC000  }
0x75: {  	[tilespmem:s16], [sflag:$0x2] =	stream.indirect.gather [hbm4b:s1+s14], $0x80, s20, s14, $0xb8;
	[tilespmem:$0x1CC00] =	vst v63  }
0x76: {  	_ =	swait.ge [sflag:s12], $0x4000  }
0x77: {  	[sflag:s12] =	ssyncset.done $0x0  }
0x78: {  	[sflag:s12] =	ssyncadd.s32 $0xFFFFC000  }
0x79: {  	[spmem:s3] =	stream.indirect.scatter.add.f32 [tilespmem:s15], [sflag:$0x3], $0x80, s21, s14, $0xb8;
	[tilespmem:$0x1CC00] =	vst v63  }
0x7a: {  	_ =	swait.ge [sflag:s17], $0x4000  }
0x7b: {  	[sflag:s17] =	ssyncset.done $0x0  }
0x7c: {  	[sflag:s17] =	ssyncadd.s32 $0xFFFFC000  }
0x7d: {  	[tilespmem:s15], [sflag:$0x1] =	stream.indirect.gather [hbm4b:s1+s14], $0x80, s22, s14, $0xb8;
	[tilespmem:$0x1CC00] =	vst v63  }
0x7e: {  	_ =	swait.ge [sflag:s13], $0x4000  }
0x7f: {  	[sflag:s13] =	ssyncset.done $0x0  }
0x80: {  	[sflag:s13] =	ssyncadd.s32 $0xFFFFC000  }
0x81: {  	[spmem:s3] =	stream.indirect.scatter.add.f32 [tilespmem:s16], [sflag:$0x4], $0x80, s23, s14, $0xb8;
	[tilespmem:$0x1CC00] =	vst v63  }
0x82: {  	_ =	swait.ge [sflag:s18], $0x4000  }
0x83: {  	[sflag:s18] =	ssyncset.done $0x0  }
0x84: {  	[sflag:s18] =	ssyncadd.s32 $0xFFFFC000  }
0x85: {  	[tilespmem:s16], [sflag:$0x2] =	stream.indirect.gather [hbm4b:s1+s14], $0x80, s24, s14, $0xb8;
	[tilespmem:$0x1CC00] =	vst v63  }
0x86: {  	_ =	swait.ge [sflag:s12], $0x4000  }
0x87: {  	[sflag:s12] =	ssyncset.done $0x0  }
0x88: {  	[sflag:s12] =	ssyncadd.s32 $0xFFFFC000  }
0x89: {  	[spmem:s3] =	stream.indirect.scatter.add.f32 [tilespmem:s15], [sflag:$0x3], $0x80, s25, s14, $0xb8;
	[tilespmem:$0x1CC00] =	vst v63  }
0x8a: {  	_ =	swait.ge [sflag:s17], $0x4000  }
0x8b: {  	[sflag:s17] =	ssyncset.done $0x0  }
0x8c: {  	[sflag:s17] =	ssyncadd.s32 $0xFFFFC000  }
0x8d: {  	[tilespmem:s15], [sflag:$0x1] =	stream.indirect.gather [hbm4b:s1+s14], $0x80, s26, s14, $0xb8;
	[tilespmem:$0x1CC00] =	vst v63  }
0x8e: {  	_ =	swait.ge [sflag:s13], $0x4000  }
0x8f: {  	[sflag:s13] =	ssyncset.done $0x0  }
0x90: {  	[sflag:s13] =	ssyncadd.s32 $0xFFFFC000  }
0x91: {  	[spmem:s3] =	stream.indirect.scatter.add.f32 [tilespmem:s16], [sflag:$0x4], $0x80, s28, s14, $0xb8;
	[tilespmem:$0x1CC00] =	vst v63  }
0x92: {  	_ =	swait.ge [sflag:s18], $0x4000  }
0x93: {  	[sflag:s18] =	ssyncset.done $0x0  }
0x94: {  	[sflag:s18] =	ssyncadd.s32 $0xFFFFC000  }
0x95: {  	[tilespmem:s16], [sflag:$0x2] =	stream.indirect.gather [hbm4b:s1+s14], $0x80, s29, s14, $0xb8;
	[tilespmem:$0x1CC00] =	vst v63  }
0x96: {  	_ =	swait.ge [sflag:s12], $0x4000  }
0x97: {  	[sflag:s12] =	ssyncset.done $0x0  }
0x98: {  	[sflag:s12] =	ssyncadd.s32 $0xFFFFC000  }
0x99: {  	[spmem:s3] =	stream.indirect.scatter.add.f32 [tilespmem:s15], [sflag:$0x3], $0x80, s30, s14, $0xb8;
	[tilespmem:$0x1CC00] =	vst v63  }
0x9a: {  	_ =	swait.ge [sflag:s17], $0x4000  }
0x9b: {  	[sflag:s17] =	ssyncset.done $0x0  }
0x9c: {  	[sflag:s17] =	ssyncadd.s32 $0xFFFFC000  }
0x9d: {  	[tilespmem:s15], [sflag:$0x1] =	stream.indirect.gather [hbm4b:s1+s14], $0x80, s31, s14, $0xb8;
	[tilespmem:$0x1CC00] =	vst v63  }
0x9e: {  	_ =	swait.ge [sflag:s13], $0x4000  }
0x9f: {  	[sflag:s13] =	ssyncset.done $0x0  }
0xa0: {  	[sflag:s13] =	ssyncadd.s32 $0xFFFFC000  }
0xa1: {  	[spmem:s3] =	stream.indirect.scatter.add.f32 [tilespmem:s16], [sflag:$0x4], $0x80, s2, s14, $0xb8;
	[tilespmem:$0x1CC00] =	vst v63  }
0xa2: {  	_ =	swait.ge [sflag:s18], $0x4000  }
0xa3: {  	[sflag:s18] =	ssyncset.done $0x0  }
0xa4: {  	[sflag:s18] =	ssyncadd.s32 $0xFFFFC000  }
0xa5: {  	[tilespmem:s16], [sflag:$0x2] =	stream.indirect.gather [hbm4b:s1+s14], $0x80, s0, s14, $0xb8;
	[tilespmem:$0x1CC00] =	vst v63  }
0xa6: {  	_ =	swait.ge [sflag:s12], $0x4000  }
0xa7: {  	[sflag:s12] =	ssyncset.done $0x0  }
0xa8: {  	[sflag:s12] =	ssyncadd.s32 $0xFFFFC000  }
0xa9: {  	[spmem:s3] =	stream.indirect.scatter.add.f32 [tilespmem:s15], [sflag:$0x3], $0x80, s5, s14, $0xb8;
	[tilespmem:$0x1CC00] =	vst v63  }
0xaa: {  	_ =	swait.ge [sflag:s17], $0x4000  }
0xab: {  	[sflag:s17] =	ssyncset.done $0x0  }
0xac: {  	[sflag:s17] =	ssyncadd.s32 $0xFFFFC000  }
0xad: {  	_ =	swait.ge [sflag:s13], $0x4000  }
0xae: {  	[sflag:s13] =	ssyncset.done $0x0  }
0xaf: {  	[sflag:s13] =	ssyncadd.s32 $0xFFFFC000  }
0xb0: {  	[spmem:s3] =	stream.indirect.scatter.add.f32 [tilespmem:s16], [sflag:$0x4], $0x80, s7, s14, $0xb8;
	[tilespmem:$0x1CC00] =	vst v63  }
0xb1: {  	s6 =	simm.s32 $0x100;
	_ =	swait.ge [sflag:s18], $0x4000  }
0xb2: {  	s9 =	simm.s32 $0x200;
	s10 =	rddreg [dreg:$0x5];
	[sflag:s18] =	ssyncset.done $0x0  }
.LBB2_2:
0xb3: {  	[sflag:s18] =	ssyncadd.s32 $0xFFFFC000;
	s19 =	rddreg [dreg:$0x4];
	s10 =	sadd.s32 s6, s10  }
0xb4: {  	[tilespmem:s4], [sflag:$0x1] =	stream.linear.gather [hbm4b:s10+s4], $0x800, $0x38;
	[tilespmem:$0x1CC00] =	vst v63  }
0xb5: {  	s19 =	sadd.s32 s6, s19  }
0xb6: {  	[tilespmem:s11], [sflag:$0x2] =	stream.linear.gather [hbm4b:s19+s4], $0x800, $0x38;
	[tilespmem:$0x1CC00] =	vst v63  }
0xb7: {  	_ =	swait.ge [sflag:s12], $0x800  }
0xb8: {  	[sflag:s12] =	ssyncset.done $0x0  }
0xb9: {  	[sflag:s12] =	ssyncadd.s32 $0xFFFFF800  }
0xba: {  	_ =	swait.ge [sflag:s13], $0x800  }
0xbb: {  	[sflag:s13] =	ssyncset.done $0x0  }
0xbc: {  	[sflag:s13] =	ssyncadd.s32 $0xFFFFF800  }
0xbd: {  	[tilespmem:s15], [sflag:$0x1] =	stream.indirect.gather [hbm4b:s1+s14], $0x80, s4, s14, $0xb8;
	[tilespmem:$0x1CC00] =	vst v63  }
0xbe: {  	_ = 	snop  }
0xbf: {  	[tilespmem:s16], [sflag:$0x2] =	stream.indirect.gather [hbm4b:s1+s14], $0x80, s14, s14, $0xb8;
	[tilespmem:$0x1CC00] =	vst v63  }
0xc0: {  	_ =	swait.ge [sflag:s12], $0x4000  }
0xc1: {  	[sflag:s12] =	ssyncset.done $0x0  }
0xc2: {  	[sflag:s12] =	ssyncadd.s32 $0xFFFFC000  }
0xc3: {  	[spmem:s3] =	stream.indirect.scatter.add.f32 [tilespmem:s15], [sflag:$0x3], $0x80, s11, s14, $0xb8;
	[tilespmem:$0x1CC00] =	vst v63  }
0xc4: {  	_ =	swait.ge [sflag:s17], $0x4000  }
0xc5: {  	[sflag:s17] =	ssyncset.done $0x0  }
0xc6: {  	s10 =	rddreg [dreg:$0x6];
	[sflag:s17] =	ssyncadd.s32 $0xFFFFC000  }
0xc7: {  	[tilespmem:s15], [sflag:$0x1] =	stream.indirect.gather [hbm4b:s1+s14], $0x80, s10, s14, $0xb8;
	[tilespmem:$0x1CC00] =	vst v63  }
0xc8: {  	_ =	swait.ge [sflag:s13], $0x4000  }
0xc9: {  	[sflag:s13] =	ssyncset.done $0x0  }
0xca: {  	s19 =	rddreg [dreg:$0x7];
	[sflag:s13] =	ssyncadd.s32 $0xFFFFC000  }
0xcb: {  	[spmem:s3] =	stream.indirect.scatter.add.f32 [tilespmem:s16], [sflag:$0x4], $0x80, s19, s14, $0xb8;
	[tilespmem:$0x1CC00] =	vst v63  }
0xcc: {  	_ =	swait.ge [sflag:s18], $0x4000  }
0xcd: {  	[sflag:s18] =	ssyncset.done $0x0  }
0xce: {  	s10 =	rddreg [dreg:$0x8];
	[sflag:s18] =	ssyncadd.s32 $0xFFFFC000  }
0xcf: {  	[tilespmem:s16], [sflag:$0x2] =	stream.indirect.gather [hbm4b:s1+s14], $0x80, s10, s14, $0xb8;
	[tilespmem:$0x1CC00] =	vst v63  }
0xd0: {  	_ =	swait.ge [sflag:s12], $0x4000  }
0xd1: {  	[sflag:s12] =	ssyncset.done $0x0  }
0xd2: {  	s19 =	rddreg [dreg:$0x9];
	[sflag:s12] =	ssyncadd.s32 $0xFFFFC000  }
0xd3: {  	[spmem:s3] =	stream.indirect.scatter.add.f32 [tilespmem:s15], [sflag:$0x3], $0x80, s19, s14, $0xb8;
	[tilespmem:$0x1CC00] =	vst v63  }
0xd4: {  	_ =	swait.ge [sflag:s17], $0x4000  }
0xd5: {  	[sflag:s17] =	ssyncset.done $0x0  }
0xd6: {  	s10 =	rddreg [dreg:$0xa];
	[sflag:s17] =	ssyncadd.s32 $0xFFFFC000  }
0xd7: {  	[tilespmem:s15], [sflag:$0x1] =	stream.indirect.gather [hbm4b:s1+s14], $0x80, s10, s14, $0xb8;
	[tilespmem:$0x1CC00] =	vst v63  }
0xd8: {  	_ =	swait.ge [sflag:s13], $0x4000  }
0xd9: {  	[sflag:s13] =	ssyncset.done $0x0  }
0xda: {  	s19 =	rddreg [dreg:$0xb];
	[sflag:s13] =	ssyncadd.s32 $0xFFFFC000  }
0xdb: {  	[spmem:s3] =	stream.indirect.scatter.add.f32 [tilespmem:s16], [sflag:$0x4], $0x80, s19, s14, $0xb8;
	[tilespmem:$0x1CC00] =	vst v63  }
0xdc: {  	_ =	swait.ge [sflag:s18], $0x4000  }
0xdd: {  	[sflag:s18] =	ssyncset.done $0x0  }
0xde: {  	s10 =	rddreg [dreg:$0xc];
	[sflag:s18] =	ssyncadd.s32 $0xFFFFC000  }
0xdf: {  	[tilespmem:s16], [sflag:$0x2] =	stream.indirect.gather [hbm4b:s1+s14], $0x80, s10, s14, $0xb8;
	[tilespmem:$0x1CC00] =	vst v63  }
0xe0: {  	_ =	swait.ge [sflag:s12], $0x4000  }
0xe1: {  	[sflag:s12] =	ssyncset.done $0x0  }
0xe2: {  	s19 =	rddreg [dreg:$0xd];
	[sflag:s12] =	ssyncadd.s32 $0xFFFFC000  }
0xe3: {  	[spmem:s3] =	stream.indirect.scatter.add.f32 [tilespmem:s15], [sflag:$0x3], $0x80, s19, s14, $0xb8;
	[tilespmem:$0x1CC00] =	vst v63  }
0xe4: {  	_ =	swait.ge [sflag:s17], $0x4000  }
0xe5: {  	[sflag:s17] =	ssyncset.done $0x0  }
0xe6: {  	s10 =	rddreg [dreg:$0xe];
	[sflag:s17] =	ssyncadd.s32 $0xFFFFC000  }
0xe7: {  	[tilespmem:s15], [sflag:$0x1] =	stream.indirect.gather [hbm4b:s1+s14], $0x80, s10, s14, $0xb8;
	[tilespmem:$0x1CC00] =	vst v63  }
0xe8: {  	_ =	swait.ge [sflag:s13], $0x4000  }
0xe9: {  	[sflag:s13] =	ssyncset.done $0x0  }
0xea: {  	s19 =	rddreg [dreg:$0xf];
	[sflag:s13] =	ssyncadd.s32 $0xFFFFC000  }
0xeb: {  	[spmem:s3] =	stream.indirect.scatter.add.f32 [tilespmem:s16], [sflag:$0x4], $0x80, s19, s14, $0xb8;
	[tilespmem:$0x1CC00] =	vst v63  }
0xec: {  	_ =	swait.ge [sflag:s18], $0x4000  }
0xed: {  	[sflag:s18] =	ssyncset.done $0x0  }
0xee: {  	s10 =	rddreg [dreg:$0x10];
	[sflag:s18] =	ssyncadd.s32 $0xFFFFC000  }
0xef: {  	[tilespmem:s16], [sflag:$0x2] =	stream.indirect.gather [hbm4b:s1+s14], $0x80, s10, s14, $0xb8;
	[tilespmem:$0x1CC00] =	vst v63  }
0xf0: {  	_ =	swait.ge [sflag:s12], $0x4000  }
0xf1: {  	[sflag:s12] =	ssyncset.done $0x0  }
0xf2: {  	s19 =	rddreg [dreg:$0x11];
	[sflag:s12] =	ssyncadd.s32 $0xFFFFC000  }
0xf3: {  	[spmem:s3] =	stream.indirect.scatter.add.f32 [tilespmem:s15], [sflag:$0x3], $0x80, s19, s14, $0xb8;
	[tilespmem:$0x1CC00] =	vst v63  }
0xf4: {  	_ =	swait.ge [sflag:s17], $0x4000  }
0xf5: {  	[sflag:s17] =	ssyncset.done $0x0  }
0xf6: {  	s10 =	rddreg [dreg:$0x12];
	[sflag:s17] =	ssyncadd.s32 $0xFFFFC000  }
0xf7: {  	[tilespmem:s15], [sflag:$0x1] =	stream.indirect.gather [hbm4b:s1+s14], $0x80, s10, s14, $0xb8;
	[tilespmem:$0x1CC00] =	vst v63  }
0xf8: {  	_ =	swait.ge [sflag:s13], $0x4000  }
0xf9: {  	[sflag:s13] =	ssyncset.done $0x0  }
0xfa: {  	s19 =	simm.s32 $0xB80;
	[sflag:s13] =	ssyncadd.s32 $0xFFFFC000  }
0xfb: {  	[spmem:s3] =	stream.indirect.scatter.add.f32 [tilespmem:s16], [sflag:$0x4], $0x80, s19, s14, $0xb8;
	[tilespmem:$0x1CC00] =	vst v63  }
0xfc: {  	_ =	swait.ge [sflag:s18], $0x4000  }
0xfd: {  	[sflag:s18] =	ssyncset.done $0x0  }
0xfe: {  	[sflag:s18] =	ssyncadd.s32 $0xFFFFC000  }
0xff: {  	[tilespmem:s16], [sflag:$0x2] =	stream.indirect.gather [hbm4b:s1+s14], $0x80, s20, s14, $0xb8;
	[tilespmem:$0x1CC00] =	vst v63  }
0x100: {  	_ =	swait.ge [sflag:s12], $0x4000  }
0x101: {  	[sflag:s12] =	ssyncset.done $0x0  }
0x102: {  	[sflag:s12] =	ssyncadd.s32 $0xFFFFC000  }
0x103: {  	[spmem:s3] =	stream.indirect.scatter.add.f32 [tilespmem:s15], [sflag:$0x3], $0x80, s21, s14, $0xb8;
	[tilespmem:$0x1CC00] =	vst v63  }
0x104: {  	_ =	swait.ge [sflag:s17], $0x4000  }
0x105: {  	[sflag:s17] =	ssyncset.done $0x0  }
0x106: {  	[sflag:s17] =	ssyncadd.s32 $0xFFFFC000  }
0x107: {  	[tilespmem:s15], [sflag:$0x1] =	stream.indirect.gather [hbm4b:s1+s14], $0x80, s22, s14, $0xb8;
	[tilespmem:$0x1CC00] =	vst v63  }
0x108: {  	_ =	swait.ge [sflag:s13], $0x4000  }
0x109: {  	[sflag:s13] =	ssyncset.done $0x0  }
0x10a: {  	[sflag:s13] =	ssyncadd.s32 $0xFFFFC000  }
0x10b: {  	[spmem:s3] =	stream.indirect.scatter.add.f32 [tilespmem:s16], [sflag:$0x4], $0x80, s23, s14, $0xb8;
	[tilespmem:$0x1CC00] =	vst v63  }
0x10c: {  	_ =	swait.ge [sflag:s18], $0x4000  }
0x10d: {  	[sflag:s18] =	ssyncset.done $0x0  }
0x10e: {  	[sflag:s18] =	ssyncadd.s32 $0xFFFFC000  }
0x10f: {  	[tilespmem:s16], [sflag:$0x2] =	stream.indirect.gather [hbm4b:s1+s14], $0x80, s24, s14, $0xb8;
	[tilespmem:$0x1CC00] =	vst v63  }
0x110: {  	_ =	swait.ge [sflag:s12], $0x4000  }
0x111: {  	[sflag:s12] =	ssyncset.done $0x0  }
0x112: {  	[sflag:s12] =	ssyncadd.s32 $0xFFFFC000  }
0x113: {  	[spmem:s3] =	stream.indirect.scatter.add.f32 [tilespmem:s15], [sflag:$0x3], $0x80, s25, s14, $0xb8;
	[tilespmem:$0x1CC00] =	vst v63  }
0x114: {  	_ =	swait.ge [sflag:s17], $0x4000  }
0x115: {  	[sflag:s17] =	ssyncset.done $0x0  }
0x116: {  	[sflag:s17] =	ssyncadd.s32 $0xFFFFC000  }
0x117: {  	[tilespmem:s15], [sflag:$0x1] =	stream.indirect.gather [hbm4b:s1+s14], $0x80, s26, s14, $0xb8;
	[tilespmem:$0x1CC00] =	vst v63  }
0x118: {  	_ =	swait.ge [sflag:s13], $0x4000  }
0x119: {  	[sflag:s13] =	ssyncset.done $0x0  }
0x11a: {  	[sflag:s13] =	ssyncadd.s32 $0xFFFFC000  }
0x11b: {  	[spmem:s3] =	stream.indirect.scatter.add.f32 [tilespmem:s16], [sflag:$0x4], $0x80, s28, s14, $0xb8;
	[tilespmem:$0x1CC00] =	vst v63  }
0x11c: {  	_ =	swait.ge [sflag:s18], $0x4000  }
0x11d: {  	[sflag:s18] =	ssyncset.done $0x0  }
0x11e: {  	[sflag:s18] =	ssyncadd.s32 $0xFFFFC000  }
0x11f: {  	[tilespmem:s16], [sflag:$0x2] =	stream.indirect.gather [hbm4b:s1+s14], $0x80, s29, s14, $0xb8;
	[tilespmem:$0x1CC00] =	vst v63  }
0x120: {  	_ =	swait.ge [sflag:s12], $0x4000  }
0x121: {  	[sflag:s12] =	ssyncset.done $0x0  }
0x122: {  	[sflag:s12] =	ssyncadd.s32 $0xFFFFC000  }
0x123: {  	[spmem:s3] =	stream.indirect.scatter.add.f32 [tilespmem:s15], [sflag:$0x3], $0x80, s30, s14, $0xb8;
	[tilespmem:$0x1CC00] =	vst v63  }
0x124: {  	_ =	swait.ge [sflag:s17], $0x4000  }
0x125: {  	[sflag:s17] =	ssyncset.done $0x0  }
0x126: {  	[sflag:s17] =	ssyncadd.s32 $0xFFFFC000  }
0x127: {  	[tilespmem:s15], [sflag:$0x1] =	stream.indirect.gather [hbm4b:s1+s14], $0x80, s31, s14, $0xb8;
	[tilespmem:$0x1CC00] =	vst v63  }
0x128: {  	_ =	swait.ge [sflag:s13], $0x4000  }
0x129: {  	[sflag:s13] =	ssyncset.done $0x0  }
0x12a: {  	[sflag:s13] =	ssyncadd.s32 $0xFFFFC000  }
0x12b: {  	[spmem:s3] =	stream.indirect.scatter.add.f32 [tilespmem:s16], [sflag:$0x4], $0x80, s2, s14, $0xb8;
	[tilespmem:$0x1CC00] =	vst v63  }
0x12c: {  	_ =	swait.ge [sflag:s18], $0x4000  }
0x12d: {  	[sflag:s18] =	ssyncset.done $0x0  }
0x12e: {  	[sflag:s18] =	ssyncadd.s32 $0xFFFFC000  }
0x12f: {  	[tilespmem:s16], [sflag:$0x2] =	stream.indirect.gather [hbm4b:s1+s14], $0x80, s0, s14, $0xb8;
	[tilespmem:$0x1CC00] =	vst v63  }
0x130: {  	_ =	swait.ge [sflag:s12], $0x4000  }
0x131: {  	[sflag:s12] =	ssyncset.done $0x0  }
0x132: {  	[sflag:s12] =	ssyncadd.s32 $0xFFFFC000  }
0x133: {  	[spmem:s3] =	stream.indirect.scatter.add.f32 [tilespmem:s15], [sflag:$0x3], $0x80, s5, s14, $0xb8;
	[tilespmem:$0x1CC00] =	vst v63  }
0x134: {  	_ =	swait.ge [sflag:s17], $0x4000  }
0x135: {  	[sflag:s17] =	ssyncset.done $0x0  }
0x136: {  	[sflag:s17] =	ssyncadd.s32 $0xFFFFC000  }
0x137: {  	p0 =	sne.s32 s9, $0x400;
	_ =	swait.ge [sflag:s13], $0x4000  }
.Ltmp0:
0x138: {  	[sflag:s13] =	ssyncset.done $0x0;
	(pc) =	sbr.rel @p0 .LBB2_2-.Ltmp0, $4  }
0x139: {  	[sflag:s13] =	ssyncadd.s32 $0xFFFFC000  }
0x13a: {  	[spmem:s3] =	stream.indirect.scatter.add.f32 [tilespmem:s16], [sflag:$0x4], $0x80, s7, s14, $0xb8;
	[tilespmem:$0x1CC00] =	vst v63  }
0x13b: {  	s8 =	smov.u32 s9;
	s9 =	sadd.s32 $0x100, s9;
	_ =	swait.ge [sflag:s18], $0x4000  }
0x13c: {  	s6 =	smov.u32 s8;
	s10 =	rddreg [dreg:$0x5];
	[sflag:s18] =	ssyncset.done $0x0  }
0x13d: {  	s8 =	rddreg [dreg:$0x4];
	[sflag:s18] =	ssyncadd.s32 $0xFFFFC000;
	s9 =	sadd.s32 s6, s10  }
0x13e: {  	[tilespmem:s4], [sflag:$0x1] =	stream.linear.gather [hbm4b:s9+s4], $0x800, $0x38;
	[tilespmem:$0x1CC00] =	vst v63  }
0x13f: {  	s8 =	sadd.s32 s6, s8  }
0x140: {  	[tilespmem:s11], [sflag:$0x2] =	stream.linear.gather [hbm4b:s8+s4], $0x800, $0x38;
	[tilespmem:$0x1CC00] =	vst v63  }
0x141: {  	_ =	swait.ge [sflag:s12], $0x800  }
0x142: {  	[sflag:s12] =	ssyncset.done $0x0  }
0x143: {  	[sflag:s12] =	ssyncadd.s32 $0xFFFFF800  }
0x144: {  	_ =	swait.ge [sflag:s13], $0x800  }
0x145: {  	[sflag:s13] =	ssyncset.done $0x0  }
0x146: {  	[sflag:s13] =	ssyncadd.s32 $0xFFFFF800  }
0x147: {  	[tilespmem:s15], [sflag:$0x1] =	stream.indirect.gather [hbm4b:s1+s14], $0x80, s4, s14, $0xb8;
	[tilespmem:$0x1CC00] =	vst v63  }
0x148: {  	_ = 	snop  }
0x149: {  	[tilespmem:s16], [sflag:$0x2] =	stream.indirect.gather [hbm4b:s1+s14], $0x80, s14, s14, $0xb8;
	[tilespmem:$0x1CC00] =	vst v63  }
0x14a: {  	_ =	swait.ge [sflag:s12], $0x4000  }
0x14b: {  	[sflag:s12] =	ssyncset.done $0x0  }
0x14c: {  	[sflag:s12] =	ssyncadd.s32 $0xFFFFC000  }
0x14d: {  	[spmem:s3] =	stream.indirect.scatter.add.f32 [tilespmem:s15], [sflag:$0x3], $0x80, s11, s14, $0xb8;
	[tilespmem:$0x1CC00] =	vst v63  }
0x14e: {  	_ =	swait.ge [sflag:s17], $0x4000  }
0x14f: {  	[sflag:s17] =	ssyncset.done $0x0  }
0x150: {  	s9 =	rddreg [dreg:$0x6];
	[sflag:s17] =	ssyncadd.s32 $0xFFFFC000  }
0x151: {  	[tilespmem:s15], [sflag:$0x1] =	stream.indirect.gather [hbm4b:s1+s14], $0x80, s9, s14, $0xb8;
	[tilespmem:$0x1CC00] =	vst v63  }
0x152: {  	_ =	swait.ge [sflag:s13], $0x4000  }
0x153: {  	[sflag:s13] =	ssyncset.done $0x0  }
0x154: {  	s10 =	rddreg [dreg:$0x7];
	[sflag:s13] =	ssyncadd.s32 $0xFFFFC000  }
0x155: {  	[spmem:s3] =	stream.indirect.scatter.add.f32 [tilespmem:s16], [sflag:$0x4], $0x80, s10, s14, $0xb8;
	[tilespmem:$0x1CC00] =	vst v63  }
0x156: {  	_ =	swait.ge [sflag:s18], $0x4000  }
0x157: {  	[sflag:s18] =	ssyncset.done $0x0  }
0x158: {  	s19 =	rddreg [dreg:$0x8];
	[sflag:s18] =	ssyncadd.s32 $0xFFFFC000  }
0x159: {  	[tilespmem:s16], [sflag:$0x2] =	stream.indirect.gather [hbm4b:s1+s14], $0x80, s19, s14, $0xb8;
	[tilespmem:$0x1CC00] =	vst v63  }
0x15a: {  	_ =	swait.ge [sflag:s12], $0x4000  }
0x15b: {  	[sflag:s12] =	ssyncset.done $0x0  }
0x15c: {  	s8 =	rddreg [dreg:$0x9];
	[sflag:s12] =	ssyncadd.s32 $0xFFFFC000  }
0x15d: {  	[spmem:s3] =	stream.indirect.scatter.add.f32 [tilespmem:s15], [sflag:$0x3], $0x80, s8, s14, $0xb8;
	[tilespmem:$0x1CC00] =	vst v63  }
0x15e: {  	_ =	swait.ge [sflag:s17], $0x4000  }
0x15f: {  	[sflag:s17] =	ssyncset.done $0x0  }
0x160: {  	s9 =	rddreg [dreg:$0xa];
	[sflag:s17] =	ssyncadd.s32 $0xFFFFC000  }
0x161: {  	[tilespmem:s15], [sflag:$0x1] =	stream.indirect.gather [hbm4b:s1+s14], $0x80, s9, s14, $0xb8;
	[tilespmem:$0x1CC00] =	vst v63  }
0x162: {  	_ =	swait.ge [sflag:s13], $0x4000  }
0x163: {  	[sflag:s13] =	ssyncset.done $0x0  }
0x164: {  	s10 =	rddreg [dreg:$0xb];
	[sflag:s13] =	ssyncadd.s32 $0xFFFFC000  }
0x165: {  	[spmem:s3] =	stream.indirect.scatter.add.f32 [tilespmem:s16], [sflag:$0x4], $0x80, s10, s14, $0xb8;
	[tilespmem:$0x1CC00] =	vst v63  }
0x166: {  	_ =	swait.ge [sflag:s18], $0x4000  }
0x167: {  	[sflag:s18] =	ssyncset.done $0x0  }
0x168: {  	s19 =	rddreg [dreg:$0xc];
	[sflag:s18] =	ssyncadd.s32 $0xFFFFC000  }
0x169: {  	[tilespmem:s16], [sflag:$0x2] =	stream.indirect.gather [hbm4b:s1+s14], $0x80, s19, s14, $0xb8;
	[tilespmem:$0x1CC00] =	vst v63  }
0x16a: {  	_ =	swait.ge [sflag:s12], $0x4000  }
0x16b: {  	[sflag:s12] =	ssyncset.done $0x0  }
0x16c: {  	s8 =	rddreg [dreg:$0xd];
	[sflag:s12] =	ssyncadd.s32 $0xFFFFC000  }
0x16d: {  	[spmem:s3] =	stream.indirect.scatter.add.f32 [tilespmem:s15], [sflag:$0x3], $0x80, s8, s14, $0xb8;
	[tilespmem:$0x1CC00] =	vst v63  }
0x16e: {  	_ =	swait.ge [sflag:s17], $0x4000  }
0x16f: {  	[sflag:s17] =	ssyncset.done $0x0  }
0x170: {  	s9 =	rddreg [dreg:$0xe];
	[sflag:s17] =	ssyncadd.s32 $0xFFFFC000  }
0x171: {  	[tilespmem:s15], [sflag:$0x1] =	stream.indirect.gather [hbm4b:s1+s14], $0x80, s9, s14, $0xb8;
	[tilespmem:$0x1CC00] =	vst v63  }
0x172: {  	_ =	swait.ge [sflag:s13], $0x4000  }
0x173: {  	[sflag:s13] =	ssyncset.done $0x0  }
0x174: {  	s10 =	rddreg [dreg:$0xf];
	[sflag:s13] =	ssyncadd.s32 $0xFFFFC000  }
0x175: {  	[spmem:s3] =	stream.indirect.scatter.add.f32 [tilespmem:s16], [sflag:$0x4], $0x80, s10, s14, $0xb8;
	[tilespmem:$0x1CC00] =	vst v63  }
0x176: {  	_ =	swait.ge [sflag:s18], $0x4000  }
0x177: {  	[sflag:s18] =	ssyncset.done $0x0  }
0x178: {  	s19 =	rddreg [dreg:$0x10];
	[sflag:s18] =	ssyncadd.s32 $0xFFFFC000  }
0x179: {  	[tilespmem:s16], [sflag:$0x2] =	stream.indirect.gather [hbm4b:s1+s14], $0x80, s19, s14, $0xb8;
	[tilespmem:$0x1CC00] =	vst v63  }
0x17a: {  	_ =	swait.ge [sflag:s12], $0x4000  }
0x17b: {  	[sflag:s12] =	ssyncset.done $0x0  }
0x17c: {  	s8 =	rddreg [dreg:$0x11];
	[sflag:s12] =	ssyncadd.s32 $0xFFFFC000  }
0x17d: {  	[spmem:s3] =	stream.indirect.scatter.add.f32 [tilespmem:s15], [sflag:$0x3], $0x80, s8, s14, $0xb8;
	[tilespmem:$0x1CC00] =	vst v63  }
0x17e: {  	_ =	swait.ge [sflag:s17], $0x4000  }
0x17f: {  	[sflag:s17] =	ssyncset.done $0x0  }
0x180: {  	s9 =	rddreg [dreg:$0x12];
	[sflag:s17] =	ssyncadd.s32 $0xFFFFC000  }
0x181: {  	[tilespmem:s15], [sflag:$0x1] =	stream.indirect.gather [hbm4b:s1+s14], $0x80, s9, s14, $0xb8;
	[tilespmem:$0x1CC00] =	vst v63  }
0x182: {  	_ =	swait.ge [sflag:s13], $0x4000  }
0x183: {  	[sflag:s13] =	ssyncset.done $0x0  }
0x184: {  	s10 =	simm.s32 $0xB80;
	[sflag:s13] =	ssyncadd.s32 $0xFFFFC000  }
0x185: {  	[spmem:s3] =	stream.indirect.scatter.add.f32 [tilespmem:s16], [sflag:$0x4], $0x80, s10, s14, $0xb8;
	[tilespmem:$0x1CC00] =	vst v63  }
0x186: {  	_ =	swait.ge [sflag:s18], $0x4000  }
0x187: {  	[sflag:s18] =	ssyncset.done $0x0  }
0x188: {  	[sflag:s18] =	ssyncadd.s32 $0xFFFFC000  }
0x189: {  	[tilespmem:s16], [sflag:$0x2] =	stream.indirect.gather [hbm4b:s1+s14], $0x80, s20, s14, $0xb8;
	[tilespmem:$0x1CC00] =	vst v63  }
0x18a: {  	_ =	swait.ge [sflag:s12], $0x4000  }
0x18b: {  	[sflag:s12] =	ssyncset.done $0x0  }
0x18c: {  	[sflag:s12] =	ssyncadd.s32 $0xFFFFC000  }
0x18d: {  	[spmem:s3] =	stream.indirect.scatter.add.f32 [tilespmem:s15], [sflag:$0x3], $0x80, s21, s14, $0xb8;
	[tilespmem:$0x1CC00] =	vst v63  }
0x18e: {  	_ =	swait.ge [sflag:s17], $0x4000  }
0x18f: {  	[sflag:s17] =	ssyncset.done $0x0  }
0x190: {  	[sflag:s17] =	ssyncadd.s32 $0xFFFFC000  }
0x191: {  	[tilespmem:s15], [sflag:$0x1] =	stream.indirect.gather [hbm4b:s1+s14], $0x80, s22, s14, $0xb8;
	[tilespmem:$0x1CC00] =	vst v63  }
0x192: {  	_ =	swait.ge [sflag:s13], $0x4000  }
0x193: {  	[sflag:s13] =	ssyncset.done $0x0  }
0x194: {  	[sflag:s13] =	ssyncadd.s32 $0xFFFFC000  }
0x195: {  	[spmem:s3] =	stream.indirect.scatter.add.f32 [tilespmem:s16], [sflag:$0x4], $0x80, s23, s14, $0xb8;
	[tilespmem:$0x1CC00] =	vst v63  }
0x196: {  	_ =	swait.ge [sflag:s18], $0x4000  }
0x197: {  	[sflag:s18] =	ssyncset.done $0x0  }
0x198: {  	[sflag:s18] =	ssyncadd.s32 $0xFFFFC000  }
0x199: {  	[tilespmem:s16], [sflag:$0x2] =	stream.indirect.gather [hbm4b:s1+s14], $0x80, s24, s14, $0xb8;
	[tilespmem:$0x1CC00] =	vst v63  }
0x19a: {  	_ =	swait.ge [sflag:s12], $0x4000  }
0x19b: {  	[sflag:s12] =	ssyncset.done $0x0  }
0x19c: {  	[sflag:s12] =	ssyncadd.s32 $0xFFFFC000  }
0x19d: {  	[spmem:s3] =	stream.indirect.scatter.add.f32 [tilespmem:s15], [sflag:$0x3], $0x80, s25, s14, $0xb8;
	[tilespmem:$0x1CC00] =	vst v63  }
0x19e: {  	_ =	swait.ge [sflag:s17], $0x4000  }
0x19f: {  	[sflag:s17] =	ssyncset.done $0x0  }
0x1a0: {  	[sflag:s17] =	ssyncadd.s32 $0xFFFFC000  }
0x1a1: {  	[tilespmem:s15], [sflag:$0x1] =	stream.indirect.gather [hbm4b:s1+s14], $0x80, s26, s14, $0xb8;
	[tilespmem:$0x1CC00] =	vst v63  }
0x1a2: {  	_ =	swait.ge [sflag:s13], $0x4000  }
0x1a3: {  	[sflag:s13] =	ssyncset.done $0x0  }
0x1a4: {  	[sflag:s13] =	ssyncadd.s32 $0xFFFFC000  }
0x1a5: {  	[spmem:s3] =	stream.indirect.scatter.add.f32 [tilespmem:s16], [sflag:$0x4], $0x80, s28, s14, $0xb8;
	[tilespmem:$0x1CC00] =	vst v63  }
0x1a6: {  	_ =	swait.ge [sflag:s18], $0x4000  }
0x1a7: {  	[sflag:s18] =	ssyncset.done $0x0  }
0x1a8: {  	[sflag:s18] =	ssyncadd.s32 $0xFFFFC000  }
0x1a9: {  	[tilespmem:s16], [sflag:$0x2] =	stream.indirect.gather [hbm4b:s1+s14], $0x80, s29, s14, $0xb8;
	[tilespmem:$0x1CC00] =	vst v63  }
0x1aa: {  	_ =	swait.ge [sflag:s12], $0x4000  }
0x1ab: {  	[sflag:s12] =	ssyncset.done $0x0  }
0x1ac: {  	[sflag:s12] =	ssyncadd.s32 $0xFFFFC000  }
0x1ad: {  	[spmem:s3] =	stream.indirect.scatter.add.f32 [tilespmem:s15], [sflag:$0x3], $0x80, s30, s14, $0xb8;
	[tilespmem:$0x1CC00] =	vst v63  }
0x1ae: {  	_ =	swait.ge [sflag:s17], $0x4000  }
0x1af: {  	[sflag:s17] =	ssyncset.done $0x0  }
0x1b0: {  	[sflag:s17] =	ssyncadd.s32 $0xFFFFC000  }
0x1b1: {  	[tilespmem:s15], [sflag:$0x1] =	stream.indirect.gather [hbm4b:s1+s14], $0x80, s31, s14, $0xb8;
	[tilespmem:$0x1CC00] =	vst v63  }
0x1b2: {  	_ =	swait.ge [sflag:s13], $0x4000  }
0x1b3: {  	[sflag:s13] =	ssyncset.done $0x0  }
0x1b4: {  	[sflag:s13] =	ssyncadd.s32 $0xFFFFC000  }
0x1b5: {  	[spmem:s3] =	stream.indirect.scatter.add.f32 [tilespmem:s16], [sflag:$0x4], $0x80, s2, s14, $0xb8;
	[tilespmem:$0x1CC00] =	vst v63  }
0x1b6: {  	_ =	swait.ge [sflag:s18], $0x4000  }
0x1b7: {  	[sflag:s18] =	ssyncset.done $0x0  }
0x1b8: {  	[sflag:s18] =	ssyncadd.s32 $0xFFFFC000  }
0x1b9: {  	[tilespmem:s16], [sflag:$0x2] =	stream.indirect.gather [hbm4b:s1+s14], $0x80, s0, s14, $0xb8;
	[tilespmem:$0x1CC00] =	vst v63  }
0x1ba: {  	_ =	swait.ge [sflag:s12], $0x4000  }
0x1bb: {  	[sflag:s12] =	ssyncset.done $0x0  }
0x1bc: {  	[sflag:s12] =	ssyncadd.s32 $0xFFFFC000  }
0x1bd: {  	[spmem:s3] =	stream.indirect.scatter.add.f32 [tilespmem:s15], [sflag:$0x3], $0x80, s5, s14, $0xb8;
	[tilespmem:$0x1CC00] =	vst v63  }
0x1be: {  	_ =	swait.ge [sflag:s17], $0x4000  }
0x1bf: {  	[sflag:s17] =	ssyncset.done $0x0  }
0x1c0: {  	[sflag:s17] =	ssyncadd.s32 $0xFFFFC000  }
0x1c1: {  	_ =	swait.ge [sflag:s13], $0x4000  }
0x1c2: {  	[sflag:s13] =	ssyncset.done $0x0  }
0x1c3: {  	[sflag:s13] =	ssyncadd.s32 $0xFFFFC000  }
0x1c4: {  	[spmem:s3] =	stream.indirect.scatter.add.f32 [tilespmem:s16], [sflag:$0x4], $0x80, s7, s14, $0xb8;
	[tilespmem:$0x1CC00] =	vst v63  }
0x1c5: {  	_ =	swait.ge [sflag:s18], $0x4000  }
0x1c6: {  	[sflag:s18] =	ssyncset.done $0x0  }
0x1c7: {  	[sflag:s18] =	ssyncadd.s32 $0xFFFFC000  }
0x1c8: {  	[bflag:$0x0] =	sbarrier.arrive $0xFFFF  }
0x1c9: {  	s8 =	rddreg [dreg:$0x14]  }
0x1ca: {  	s19 =	rddreg [dreg:$0x15]  }
0x1cb: {  	s10 =	simm.s32 $0x5;
	s9 =	rddreg [dreg:$0x17]  }
0x1cc: {  	[hbm:s19], [sflag:s8] =	dma.local [spmem:s9], $0x2780  }
0x1cd: {  	_ =	swait.ge [sflag:s10], $0x2780  }
0x1ce: {  	s19 =	rddreg [dreg:$0x18]  }
0x1cf: {  	s6 =	rddreg [dreg:$0x16];
	s19 =	sadd.s32 $0x1, s19  }
0x1d0: {  	p0 =	sne.s32 s19, s6  }
.Ltmp1:
0x1d1: {  	_ = 	snop;
	(pc) =	sbr.rel @p0 .LBB2_1-.Ltmp1, $3  }
0x1d2: {  	_ =	sdelay $0x1  }
0x1d3: {  	[sflag:s10] =	ssyncset.done $0x0  }
0x1d4: {  	[sflag:s10] =	ssyncadd.s32 $0xFFFFD880  }
0x1d5: {  	_ =	sfence.sel $0x180000  }
0x1d6: {  	[bflag:$0x0] =	sbarrier.arrive $0xFFFF  }
0x1d7: {  	_ =	strace $0x9000004A  }
0x1d8: {  	s0 =	stileid.u32;
	[bflag:$0x2] =	sbarrier.arrive $0xFFFF  }
0x1d9: {  	p0 =	sne.s32 s0, $0x0;
	s0 =	rddreg [dreg:$0x3]  }
0x1da: {  	s0 =	sadd.s32 @!p0 $0x100000, s0  }
0x1db: {  	[sflag:s0] =	ssyncadd.tile.s32 @!p0 $0x1;
	_ =	shalt  }
.Lfunc_end2:
_tile_overlayer_lowered:
.L_overlay_start_2:
0x1dc: {  	(tag) =	ssettag $0x2  }
0x1dd: {  	s0 =	rddreg [dreg:$0x0];
	s2 =	stileid.u32  }
0x1de: {  	s1 =	rddreg [dreg:$0x1];
	p0 =	sne.s32 s2, $0x0  }
0x1df: {  	s3 =	rddreg [dreg:$0x2];
	[bflag:$0x3] =	sbarrier.arrive $0xFFFF;
	s2 =	simm.s32 @!p0 $0x1C05  }
0x1e0: {  	[timem:s3], [sflag:s2] =	dma.local @!p0 [hbm:s0], s1  }
0x1e1: {  	s0 =	simm.s32 @!p0 $0x5  }
0x1e2: {  	_ =	swait.ge @!p0 [sflag:s0], s1  }
0x1e3: {  	s1 =	ssub.s32 @!p0 $0x0, s1;
	[sflag:s0] =	ssyncset.done @!p0 $0x0  }
0x1e4: {  	[sflag:s0] =	ssyncadd.s32 @!p0 s1  }
0x1e5: {  	[bflag:$0x3] =	sbarrier.arrive $0xFFFF  }
0x1e6: {  	_ =	shalt  }

// kernel: kernel.14.cloned.1.call-start
scs
__scs_entry_jumppad:
0x0: {  	(pc) =	sbr.rel $0x88, $3  }
0x1: {  	(tag) =	ssettag $0x0;
	lr =	simm.s32 $0x1  }
0x2: {  	[smem:$0x3F9B] =	sst lr;
	_ =	strace $0xD0000000  }
0x3: {  	_ = 	snop  }
0x4: {  	_ = 	snop  }
0x5: {  	_ = 	snop  }
0x6: {  	_ = 	snop  }
0x7: {  	_ = 	snop  }
__scs_overlays_trampoline_lowered:
0x8: {  	[smem:$0x3FAA] =	sst s0  }
0x9: {  	[smem:$0x3FAB] =	sst s1  }
0xa: {  	[smem:$0x3FAC] =	sst s2  }
0xb: {  	[smem:$0x3FAD] =	sst s3  }
0xc: {  	[smem:$0x3FAE] =	sst s4  }
0xd: {  	[smem:$0x3FAF] =	sst s5  }
0xe: {  	[smem:$0x3FB0] =	sst s6  }
0xf: {  	[smem:$0x3FB1] =	sst s7  }
0x10: {  	[smem:$0x3FB2] =	sst s8  }
0x11: {  	[smem:$0x3FB3] =	sst s9;
	s0 =	simm.s32 @!p0 $0x0  }
0x12: {  	s1 =	sld [smem:$0x3F99];
	s0 =	simm.s32 @p0 $0x1  }
0x13: {  	[smem:$0x3FB4] =	sst s0;
	s0 =	simm.s32 @!p1 $0x0  }
0x14: {  	s2 =	sld [smem:$0x3F98];
	s0 =	simm.s32 @p1 $0x1  }
0x15: {  	[smem:$0x3FB5] =	sst s0;
	s0 =	simm.s32 @!p2 $0x0  }
0x16: {  	s3 =	sld [smem:$0x3FDB];
	s0 =	simm.s32 @p2 $0x1  }
0x17: {  	s4 =	simm.s32 $0x1BF5;
	[smem:$0x3FB7] =	sst s0  }
0x18: {  	s0 =	sld [smem:$0x3F9A];
	_ =	swait.ge [sflag:s4], $0x0  }
0x19: {  	s7 =	sld [smem:$0x3F9B]  }
0x1a: {  	s8 =	sadd.s32 $0xFFFFE003, lr  }
0x1b: {  	s9 =	sadd.s32 $0xFFFFFEF7, lr;
	s5 =	simm.s32 $0xFFFFFFFF;
	p2 =	slt.u32 s8, $0xFFFFF086  }
0x1c: {  	p1 =	slt.u32 s9, $0xF7A;
	s5 =	simm.s32 @!p2 $0x0  }
0x1d: {  	s5 =	simm.s32 @p1 $0x1;
	p0 =	seq.s32 s7, s2  }
0x1e: {  	s7 =	smul.u32 @!p0 $0xF7A, s2;
	p2 =	seq.s32 @!p0 s5, $0x0  }
0x1f: {  	s9 =	smul.u32 $0xF7A, s1;
	s8 =	simm.s32 @!p0 $0x1BF5;
	p2 =	por !p2, p0  }
0x20: {  	[sflag:s8] =	ssyncset.s32 @!p0 $0xFFFFF086;
	s6 =	sadd.s32 @!p0 s3, s7;
	s7 =	simm.s32 @!p0 $0x108  }
0x21: {  	s3 =	sadd.s32 s3, s9;
	s6 =	sadd.s32 @!p0 $0x88, s6;
	s7 =	simm.s32 @p2 $0x1082  }
0x22: {  	[simem:s7], [sflag:s8] =	dma.local @!p0 [hbm:s6], $0xF7A  }
0x23: {  	s9 =	sor.u32 $0xD0000000, s2;
	s6 =	simm.s32 $0x108;
	_ =	swait.ge @!p0 [sflag:s8], $0x0  }
0x24: {  	s3 =	sadd.s32 $0x88, s3;
	s6 =	simm.s32 @!p1 $0x1082;
	[sflag:s4] =	ssyncset.s32 $0xFFFFF086  }
0x25: {  	[simem:s6], [sflag:s4] =	dma.local [hbm:s3], $0xF7A  }
0x26: {  	[smem:$0x3F9B] =	sst s1;
	(tag) =	ssettag s2;
	_ =	strace s9  }
0x27: {  	s1 =	sld [smem:$0x3FAB]  }
0x28: {  	s2 =	sld [smem:$0x3FAC]  }
0x29: {  	s4 =	sld [smem:$0x3FAE]  }
0x2a: {  	p0 =	seq.s32 s5, $0x0;
	s5 =	sld [smem:$0x3FAF]  }
0x2b: {  	s6 =	sld [smem:$0x3FB0]  }
0x2c: {  	s7 =	sld [smem:$0x3FB1]  }
0x2d: {  	s3 =	simm.s32 $0x108;
	s8 =	sld [smem:$0x3FB2]  }
0x2e: {  	s3 =	simm.s32 @!p0 $0x1082;
	s9 =	sld [smem:$0x3FB3]  }
0x2f: {  	lr =	sadd.s32 s0, s3;
	s0 =	sld [smem:$0x3FAA]  }
0x30: {  	s3 =	sld [smem:$0x3FAD]  }
0x31: {  	[smem:$0x3FB6] =	sst s10  }
0x32: {  	s10 =	sld [smem:$0x3FB4];
	_ =	sdelay $0x3  }
0x33: {  	p0 =	seq.s32 s10, $0x1;
	s10 =	sld [smem:$0x3FB6];
	_ =	sdelay $0x3  }
0x34: {  	[smem:$0x3FB6] =	sst s10  }
0x35: {  	s10 =	sld [smem:$0x3FB5];
	_ =	sdelay $0x3  }
0x36: {  	p1 =	seq.s32 s10, $0x1;
	s10 =	sld [smem:$0x3FB6];
	_ =	sdelay $0x3  }
0x37: {  	[smem:$0x3FB6] =	sst s10  }
0x38: {  	s10 =	sld [smem:$0x3FB7]  }
0x39: {  	_ = 	snop;
	(pc) =	sbr.ind lr, $3  }
0x3a: {  	_ = 	snop  }
0x3b: {  	_ = 	snop  }
0x3c: {  	p2 =	seq.s32 s10, $0x1;
	s10 =	sld [smem:$0x3FB6]  }
0x3d: {  	_ =	shalt  }
0x3e: {  	_ =	shalt  }
0x3f: {  	_ =	shalt  }
0x40: {  	_ =	shalt  }
0x41: {  	_ =	shalt  }
0x42: {  	_ =	shalt  }
0x43: {  	_ =	shalt  }
0x44: {  	_ =	shalt  }
0x45: {  	_ =	shalt  }
0x46: {  	_ =	shalt  }
0x47: {  	_ =	shalt  }
0x48: {  	_ =	shalt  }
0x49: {  	_ =	shalt  }
0x4a: {  	_ =	shalt  }
0x4b: {  	_ =	shalt  }
0x4c: {  	_ =	shalt  }
0x4d: {  	_ =	shalt  }
0x4e: {  	_ =	shalt  }
0x4f: {  	_ =	shalt  }
0x50: {  	_ =	shalt  }
0x51: {  	_ =	shalt  }
0x52: {  	_ =	shalt  }
0x53: {  	_ =	shalt  }
0x54: {  	_ =	shalt  }
0x55: {  	_ =	shalt  }
0x56: {  	_ =	shalt  }
0x57: {  	_ =	shalt  }
0x58: {  	_ =	shalt  }
0x59: {  	_ =	shalt  }
0x5a: {  	_ =	shalt  }
0x5b: {  	_ =	shalt  }
0x5c: {  	_ =	shalt  }
0x5d: {  	_ =	shalt  }
0x5e: {  	_ =	shalt  }
0x5f: {  	_ =	shalt  }
0x60: {  	_ =	shalt  }
0x61: {  	_ =	shalt  }
0x62: {  	_ =	shalt  }
0x63: {  	_ =	shalt  }
0x64: {  	_ =	shalt  }
0x65: {  	_ =	shalt  }
0x66: {  	_ =	shalt  }
0x67: {  	_ =	shalt  }
0x68: {  	_ =	shalt  }
0x69: {  	_ =	shalt  }
0x6a: {  	_ =	shalt  }
0x6b: {  	_ =	shalt  }
0x6c: {  	_ =	shalt  }
0x6d: {  	_ =	shalt  }
0x6e: {  	_ =	shalt  }
0x6f: {  	_ =	shalt  }
0x70: {  	_ =	shalt  }
0x71: {  	_ =	shalt  }
0x72: {  	_ =	shalt  }
0x73: {  	_ =	shalt  }
0x74: {  	_ =	shalt  }
0x75: {  	_ =	shalt  }
0x76: {  	_ =	shalt  }
0x77: {  	_ =	shalt  }
0x78: {  	_ =	shalt  }
0x79: {  	_ =	shalt  }
0x7a: {  	_ =	shalt  }
0x7b: {  	_ =	shalt  }
0x7c: {  	_ =	shalt  }
0x7d: {  	_ =	shalt  }
0x7e: {  	_ =	shalt  }
0x7f: {  	_ =	shalt  }
0x80: {  	_ =	shalt  }
0x81: {  	_ =	shalt  }
0x82: {  	_ =	shalt  }
0x83: {  	_ =	shalt  }
0x84: {  	_ =	shalt  }
0x85: {  	_ =	shalt  }
0x86: {  	_ =	shalt  }
0x87: {  	_ =	shalt  }
.Lfunc_end0:
.L_simem_size_0:
called_computation.2_lowered:
.L_overlay_start_0:
0x88: {  	s2 =	sld [smem:$0x3FD9]  }
0x89: {  	s3 =	sld [smem:$0x3FFE];
	_ =	sdelay $0x1  }
0x8a: {  	s1 =	srdreg.scid  }
0x8b: {  	s0 =	sand.u32 $0x1, s1  }
0x8c: {  	s17 =	sshll.u32 s0, $0xA;
	s2 =	sadd.s32 s3, s2  }
0x8d: {  	s2 =	sadd.s32 s2, s17  }
0x8e: {  	[smem:$0x3FC2] =	sst s2  }
0x8f: {  	_ = 	snop  }
0x90: {  	s2 =	sld [smem:$0x3FD0];
	(tm) =	ssettm $0x1  }
0x91: {  	s18 =	sld [smem:$0x3FFB];
	_ =	sdelay $0x3  }
0x92: {  	_ =	strace s18  }
0x93: {  	s3 =	sld [smem:$0x3FFC];
	_ =	sdelay $0x3  }
0x94: {  	_ =	strace s3  }
0x95: {  	s3 =	sld [smem:$0x3FFD];
	_ =	sdelay $0x3  }
0x96: {  	_ =	strace s3  }
0x97: {  	_ =	strace $0x8FFFFFFF  }
0x98: {  	s19 =	sld [smem:$0x3FDB];
	_ =	sdelay $0x1  }
0x99: {  	s4 =	simm.s32 $_scs_section_size  }
0x9a: {  	s5 =	simm.s32 $_size__tile_overlayer_lowered;
	s6 =	simm.s32 $_tile_overlayer_lowered  }
0x9b: {  	s22 =	simm.s32 $0x1BFF;
	s21 =	sshll.u32 s6, $0x1;
	s3 =	sadd.s32 s4, s19  }
0x9c: {  	s7 =	simm.s32 $0x0;
	s20 =	sshll.u32 s5, $0x1;
	s5 =	sadd.s32 s21, s3  }
0x9d: {  	[timem:s7], [sflag:s22] =	dma.local [hbm:s5], s20  }
0x9e: {  	_ =	swait.ge [sflag:s22], s20  }
0x9f: {  	s4 =	ssub.s32 $0x0, s20;
	[sflag:s22] =	ssyncset.done $0x0  }
0xa0: {  	[sflag:s22] =	ssyncadd.s32 s4;
	_ =	sdelay $0x1  }
0xa1: {  	s23 =	simm.s32 $0x1B8B  }
0xa2: {  	_ =	swait.ge [sflag:s23], $0x1  }
0xa3: {  	[sflag:s23] =	ssyncset.done $0x0  }
0xa4: {  	s25 =	simm.s32 $0x1B8E;
	s24 =	sld [smem:$0x3FFE];
	[sflag:s23] =	ssyncadd.s32 $0xFFFFFFFF  }
0xa5: {  	s26 =	simm.s32 $execute0_lowered;
	[smem:$0x3FD2] =	sst s25  }
0xa6: {  	s5 =	sshll.u32 s26, $0x1;
	_ =	strace $0x8000004C;
	[dreg:$0x1] =	wrdreg $0xFFFFFFFF  }
0xa7: {  	s28 =	simm.s32 $_size_execute0_lowered;
	s3 =	sadd.s32 s3, s5;
	[dreg:$0x0] =	wrdreg $0x0  }
0xa8: {  	s5 =	sshll.u32 s28, $0x1;
	[dreg:$0x2] =	wrdreg s3  }
0xa9: {  	[dreg:$0x3] =	wrdreg s5  }
0xaa: {  	[dreg:$0x4] =	wrdreg $0xC0  }
0xab: {  	_ =	task [dreg:s7], $0x5FFFF  }
0xac: {  	[dreg:$0x1] =	wrdreg $0xFFFFFFFF  }
0xad: {  	[dreg:$0x0] =	wrdreg $0x60  }
0xae: {  	[dreg:$0x2] =	wrdreg s2  }
0xaf: {  	[dreg:$0x3] =	wrdreg s24  }
0xb0: {  	[dreg:$0x4] =	wrdreg $0x90000  }
0xb1: {  	[dreg:$0x5] =	wrdreg $0x9  }
0xb2: {  	_ =	task.clear_ibuf [dreg:s7], $0x6FFFF;
	_ =	strace $0x9000004C  }
0xb3: {  	s29 =	simm.s32 $0x9;
	_ =	strace $0x8000004E  }
0xb4: {  	_ =	swait.ge [sflag:s29], $0x1  }
0xb5: {  	[sflag:s29] =	ssyncadd.s32 $0xFFFFFFFF  }
0xb6: {  	_ =	strace $0x9000004E  }
0xb7: {  	_ =	sfence  }
0xb8: {  	s30 =	sld [smem:$0x0];
	_ =	sdelay $0x2  }
0xb9: {  	s31 =	sshll.u32 s1, $0xD;
	s1 =	sshrl.u32 s1, $0x2  }
0xba: {  	s3 =	sand.u32 $0x4000, s31;
	s1 =	sadd.s32 s1, s30  }
0xbb: {  	s0 =	sor.u32 s3, s0;
	s1 =	sshll.u32 s1, $0x11  }
0xbc: {  	s0 =	sor.u32 s1, s0  }
0xbd: {  	s0 =	sadd.s32 $0x8F2B, s0  }
0xbe: {  	[sflag:s0] =	ssyncadd.remote.s32 $0x1  }
0xbf: {  	_ =	sfence.sel $0xFFFF  }
0xc0: {  	[dreg:$0x0] =	wrdreg $0xFFFFFFFF;
	(pc) =	sbr.abs _section_cstart, $3  }
0xc1: {  	[dreg:$0x1] =	wrdreg $0xFFFFFFFF  }
0xc2: {  	_ =	task.clear_ibuf [dreg:s7], $0x2FFFF;
	_ =	strace $0x9FFFFFFF  }
0xc3: {  	(tm) =	ssettm $0x7FFFFFFF  }
tec
execute0_lowered:
.L_overlay_start_1:
0x0: {  	(tag) =	ssettag $0x1  }
0x1: {  	s1 =	rddreg [dreg:$0x0]  }
0x2: {  	s0 =	srdreg.scid;
	s2 =	rddreg [dreg:$0x1]  }
0x3: {  	s10 =	stileid.u32;
	s3 =	rddreg [dreg:$0x2];
	s4 =	simm.s32 $0x0  }
0x4: {  	s14 =	simm.s32 $0x100;
	s15 =	simm.s32 $0x880;
	s16 =	simm.s32 $0x180  }
0x5: {  	s17 =	simm.s32 $0x900;
	s18 =	simm.s32 $0x200;
	s19 =	simm.s32 $0x980  }
0x6: {  	s20 =	simm.s32 $0x280;
	s21 =	simm.s32 $0xA00;
	[smem:$0x7FF] =	sst s4  }
0x7: {  	s22 =	simm.s32 $0x300;
	_ =	strace $0x8000004D;
	[dreg:$0x6] =	wrdreg s14  }
0x8: {  	s23 =	simm.s32 $0xA80;
	s24 =	simm.s32 $0x380;
	[dreg:$0x7] =	wrdreg s15  }
0x9: {  	s28 =	simm.s32 $0xD80;
	s29 =	simm.s32 $0x680;
	[dreg:$0x8] =	wrdreg s16  }
0xa: {  	s30 =	simm.s32 $0xE00;
	s5 =	smul.u32 $0x5000, s10;
	[dreg:$0x9] =	wrdreg s17  }
0xb: {  	s31 =	simm.s32 $0x700;
	s25 =	smul.u32 $0x13C00, s10;
	[dreg:$0xa] =	wrdreg s18  }
0xc: {  	s0 =	sand.u32 $0x1, s0;
	s26 =	smul.u32 $0x4F000, s10;
	[dreg:$0xb] =	wrdreg s19  }
0xd: {  	s13 =	sshll.u32 s10, $0x6;
	s6 =	smul.u32 $0x2800, s0;
	[dreg:$0xc] =	wrdreg s20  }
0xe: {  	s10 =	simm.s32 $0x5;
	s7 =	smul.u32 $0x13C000, s0;
	[dreg:$0xd] =	wrdreg s21  }
0xf: {  	s0 =	ssub.s32 $0x2, s0;
	s14 =	simm.s32 $0x80;
	[dreg:$0xe] =	wrdreg s22  }
0x10: {  	s15 =	simm.s32 $0x1000;
	s16 =	simm.s32 $0x5000;
	[dreg:$0xf] =	wrdreg s23  }
0x11: {  	s17 =	simm.s32 $0x3;
	[dreg:$0x10] =	wrdreg s24;
	s18 =	simm.s32 $0x4  }
0x12: {  	s20 =	simm.s32 $0x480;
	s21 =	simm.s32 $0xC00;
	s22 =	simm.s32 $0x500  }
0x13: {  	s23 =	simm.s32 $0xC80;
	s24 =	simm.s32 $0x580;
	s19 =	simm.s32 $0x0  }
0x14: {  	s8 =	sshrl.u32 s25, $0x3;
	s9 =	sshrl.u32 s0, $0x1;
	s5 =	sadd.s32 s6, s5  }
0x15: {  	s6 =	sadd.s32 s25, s7;
	s8 =	sadd.s32 s8, s2;
	s0 =	ssub.s32 s0, s9  }
0x16: {  	s9 =	sshrl.u32 s26, $0x2;
	s25 =	simm.s32 $0xB00;
	s26 =	simm.s32 $0x400  }
0x17: {  	s7 =	simm.s32 $0xF80;
	s5 =	sshrl.u32 s5, $0x3;
	s6 =	sshrl.u32 s6, $0x3  }
0x18: {  	s11 =	sadd.s32 $0x16000, s8;
	s8 =	sor.u32 $0x1C05, s13;
	[dreg:$0x11] =	wrdreg s25  }
0x19: {  	s0 =	smax.u32 s0, $0x1;
	s13 =	simm.s32 $0x2;
	[dreg:$0x12] =	wrdreg s26  }
0x1a: {  	s25 =	simm.s32 $0xD00;
	s26 =	simm.s32 $0x600;
	[dreg:$0x13] =	wrdreg s11  }
0x1b: {  	s5 =	sadd.s32 s5, s2;
	s2 =	sadd.s32 s6, s2;
	[dreg:$0x16] =	wrdreg s0  }
0x1c: {  	s6 =	sadd.s32 s9, s3;
	[dreg:$0x14] =	wrdreg s8;
	s12 =	sadd.s32 $0x2000, s5  }
0x1d: {  	s11 =	simm.s32 $0x800;
	s5 =	sadd.s32 $0xC000, s5;
	[dreg:$0x4] =	wrdreg s12  }
0x1e: {  	s0 =	simm.s32 $0x780;
	s2 =	sadd.s32 $0x3D800, s2;
	[dreg:$0x5] =	wrdreg s5  }
0x1f: {  	s9 =	sshrl.u32 s6, $0x3;
	[dreg:$0x15] =	wrdreg s2;
	s12 =	simm.s32 $0x1  }
0x20: {  	s2 =	simm.s32 $0xE80;
	s5 =	simm.s32 $0xF00;
	[dreg:$0x17] =	wrdreg s9  }
.LBB2_1:
0x21: {  	[dreg:$0x18] =	wrdreg s19  }
0x22: {  	s6 =	rddreg [dreg:$0x13]  }
0x23: {  	[spmem:s9], [sflag:s8] =	dma.local [hbm:s6], $0x2780  }
0x24: {  	_ =	swait.ge [sflag:s10], $0x2780  }
0x25: {  	[sflag:s10] =	ssyncset.done $0x0  }
0x26: {  	[sflag:s10] =	ssyncadd.s32 $0xFFFFD880  }
0x27: {  	[bflag:$0x0] =	sbarrier.arrive $0xFFFF  }
0x28: {  	s19 =	rddreg [dreg:$0x5]  }
0x29: {  	s8 =	rddreg [dreg:$0x4];
	s6 =	sadd.s32 $0x0, s19  }
0x2a: {  	[tilespmem:s4], [sflag:$0x1] =	stream.linear.gather [hbm4b:s6+s4], $0x800, $0x38;
	[tilespmem:$0x1CC00] =	vst v63  }
0x2b: {  	s9 =	sadd.s32 $0x0, s8  }
0x2c: {  	[tilespmem:s11], [sflag:$0x2] =	stream.linear.gather [hbm4b:s9+s4], $0x800, $0x38;
	[tilespmem:$0x1CC00] =	vst v63  }
0x2d: {  	_ =	swait.ge [sflag:s12], $0x800  }
0x2e: {  	[sflag:s12] =	ssyncset.done $0x0  }
0x2f: {  	[sflag:s12] =	ssyncadd.s32 $0xFFFFF800  }
0x30: {  	_ =	swait.ge [sflag:s13], $0x800  }
0x31: {  	[sflag:s13] =	ssyncset.done $0x0  }
0x32: {  	[sflag:s13] =	ssyncadd.s32 $0xFFFFF800  }
0x33: {  	[tilespmem:s15], [sflag:$0x1] =	stream.indirect.gather [hbm4b:s1+s14], $0x80, s4, s14, $0xb8;
	[tilespmem:$0x1CC00] =	vst v63  }
0x34: {  	_ = 	snop  }
0x35: {  	[tilespmem:s16], [sflag:$0x2] =	stream.indirect.gather [hbm4b:s1+s14], $0x80, s14, s14, $0xb8;
	[tilespmem:$0x1CC00] =	vst v63  }
0x36: {  	_ =	swait.ge [sflag:s12], $0x4000  }
0x37: {  	[sflag:s12] =	ssyncset.done $0x0  }
0x38: {  	[sflag:s12] =	ssyncadd.s32 $0xFFFFC000  }
0x39: {  	[spmem:s3] =	stream.indirect.scatter.add.f32 [tilespmem:s15], [sflag:$0x3], $0x80, s11, s14, $0xb8;
	[tilespmem:$0x1CC00] =	vst v63  }
0x3a: {  	_ =	swait.ge [sflag:s17], $0x4000  }
0x3b: {  	[sflag:s17] =	ssyncset.done $0x0  }
0x3c: {  	s10 =	rddreg [dreg:$0x6];
	[sflag:s17] =	ssyncadd.s32 $0xFFFFC000  }
0x3d: {  	[tilespmem:s15], [sflag:$0x1] =	stream.indirect.gather [hbm4b:s1+s14], $0x80, s10, s14, $0xb8;
	[tilespmem:$0x1CC00] =	vst v63  }
0x3e: {  	_ =	swait.ge [sflag:s13], $0x4000  }
0x3f: {  	[sflag:s13] =	ssyncset.done $0x0  }
0x40: {  	s19 =	rddreg [dreg:$0x7];
	[sflag:s13] =	ssyncadd.s32 $0xFFFFC000  }
0x41: {  	[spmem:s3] =	stream.indirect.scatter.add.f32 [tilespmem:s16], [sflag:$0x4], $0x80, s19, s14, $0xb8;
	[tilespmem:$0x1CC00] =	vst v63  }
0x42: {  	_ =	swait.ge [sflag:s18], $0x4000  }
0x43: {  	[sflag:s18] =	ssyncset.done $0x0  }
0x44: {  	s8 =	rddreg [dreg:$0x8];
	[sflag:s18] =	ssyncadd.s32 $0xFFFFC000  }
0x45: {  	[tilespmem:s16], [sflag:$0x2] =	stream.indirect.gather [hbm4b:s1+s14], $0x80, s8, s14, $0xb8;
	[tilespmem:$0x1CC00] =	vst v63  }
0x46: {  	_ =	swait.ge [sflag:s12], $0x4000  }
0x47: {  	[sflag:s12] =	ssyncset.done $0x0  }
0x48: {  	s9 =	rddreg [dreg:$0x9];
	[sflag:s12] =	ssyncadd.s32 $0xFFFFC000  }
0x49: {  	[spmem:s3] =	stream.indirect.scatter.add.f32 [tilespmem:s15], [sflag:$0x3], $0x80, s9, s14, $0xb8;
	[tilespmem:$0x1CC00] =	vst v63  }
0x4a: {  	_ =	swait.ge [sflag:s17], $0x4000  }
0x4b: {  	[sflag:s17] =	ssyncset.done $0x0  }
0x4c: {  	s10 =	rddreg [dreg:$0xa];
	[sflag:s17] =	ssyncadd.s32 $0xFFFFC000  }
0x4d: {  	[tilespmem:s15], [sflag:$0x1] =	stream.indirect.gather [hbm4b:s1+s14], $0x80, s10, s14, $0xb8;
	[tilespmem:$0x1CC00] =	vst v63  }
0x4e: {  	_ =	swait.ge [sflag:s13], $0x4000  }
0x4f: {  	[sflag:s13] =	ssyncset.done $0x0  }
0x50: {  	s19 =	rddreg [dreg:$0xb];
	[sflag:s13] =	ssyncadd.s32 $0xFFFFC000  }
0x51: {  	[spmem:s3] =	stream.indirect.scatter.add.f32 [tilespmem:s16], [sflag:$0x4], $0x80, s19, s14, $0xb8;
	[tilespmem:$0x1CC00] =	vst v63  }
0x52: {  	_ =	swait.ge [sflag:s18], $0x4000  }
0x53: {  	[sflag:s18] =	ssyncset.done $0x0  }
0x54: {  	s8 =	rddreg [dreg:$0xc];
	[sflag:s18] =	ssyncadd.s32 $0xFFFFC000  }
0x55: {  	[tilespmem:s16], [sflag:$0x2] =	stream.indirect.gather [hbm4b:s1+s14], $0x80, s8, s14, $0xb8;
	[tilespmem:$0x1CC00] =	vst v63  }
0x56: {  	_ =	swait.ge [sflag:s12], $0x4000  }
0x57: {  	[sflag:s12] =	ssyncset.done $0x0  }
0x58: {  	s9 =	rddreg [dreg:$0xd];
	[sflag:s12] =	ssyncadd.s32 $0xFFFFC000  }
0x59: {  	[spmem:s3] =	stream.indirect.scatter.add.f32 [tilespmem:s15], [sflag:$0x3], $0x80, s9, s14, $0xb8;
	[tilespmem:$0x1CC00] =	vst v63  }
0x5a: {  	_ =	swait.ge [sflag:s17], $0x4000  }
0x5b: {  	[sflag:s17] =	ssyncset.done $0x0  }
0x5c: {  	s10 =	rddreg [dreg:$0xe];
	[sflag:s17] =	ssyncadd.s32 $0xFFFFC000  }
0x5d: {  	[tilespmem:s15], [sflag:$0x1] =	stream.indirect.gather [hbm4b:s1+s14], $0x80, s10, s14, $0xb8;
	[tilespmem:$0x1CC00] =	vst v63  }
0x5e: {  	_ =	swait.ge [sflag:s13], $0x4000  }
0x5f: {  	[sflag:s13] =	ssyncset.done $0x0  }
0x60: {  	s19 =	rddreg [dreg:$0xf];
	[sflag:s13] =	ssyncadd.s32 $0xFFFFC000  }
0x61: {  	[spmem:s3] =	stream.indirect.scatter.add.f32 [tilespmem:s16], [sflag:$0x4], $0x80, s19, s14, $0xb8;
	[tilespmem:$0x1CC00] =	vst v63  }
0x62: {  	_ =	swait.ge [sflag:s18], $0x4000  }
0x63: {  	[sflag:s18] =	ssyncset.done $0x0  }
0x64: {  	s8 =	rddreg [dreg:$0x10];
	[sflag:s18] =	ssyncadd.s32 $0xFFFFC000  }
0x65: {  	[tilespmem:s16], [sflag:$0x2] =	stream.indirect.gather [hbm4b:s1+s14], $0x80, s8, s14, $0xb8;
	[tilespmem:$0x1CC00] =	vst v63  }
0x66: {  	_ =	swait.ge [sflag:s12], $0x4000  }
0x67: {  	[sflag:s12] =	ssyncset.done $0x0  }
0x68: {  	s9 =	rddreg [dreg:$0x11];
	[sflag:s12] =	ssyncadd.s32 $0xFFFFC000  }
0x69: {  	[spmem:s3] =	stream.indirect.scatter.add.f32 [tilespmem:s15], [sflag:$0x3], $0x80, s9, s14, $0xb8;
	[tilespmem:$0x1CC00] =	vst v63  }
0x6a: {  	_ =	swait.ge [sflag:s17], $0x4000  }
0x6b: {  	[sflag:s17] =	ssyncset.done $0x0  }
0x6c: {  	s10 =	rddreg [dreg:$0x12];
	[sflag:s17] =	ssyncadd.s32 $0xFFFFC000  }
0x6d: {  	[tilespmem:s15], [sflag:$0x1] =	stream.indirect.gather [hbm4b:s1+s14], $0x80, s10, s14, $0xb8;
	[tilespmem:$0x1CC00] =	vst v63  }
0x6e: {  	_ =	swait.ge [sflag:s13], $0x4000  }
0x6f: {  	[sflag:s13] =	ssyncset.done $0x0  }
0x70: {  	s19 =	simm.s32 $0xB80;
	[sflag:s13] =	ssyncadd.s32 $0xFFFFC000  }
0x71: {  	[spmem:s3] =	stream.indirect.scatter.add.f32 [tilespmem:s16], [sflag:$0x4], $0x80, s19, s14, $0xb8;
	[tilespmem:$0x1CC00] =	vst v63  }
0x72: {  	_ =	swait.ge [sflag:s18], $0x4000  }
0x73: {  	[sflag:s18] =	ssyncset.done $0x0  }
0x74: {  	[sflag:s18] =	ssyncadd.s32 $0xFFFFC000  }
0x75: {  	[tilespmem:s16], [sflag:$0x2] =	stream.indirect.gather [hbm4b:s1+s14], $0x80, s20, s14, $0xb8;
	[tilespmem:$0x1CC00] =	vst v63  }
0x76: {  	_ =	swait.ge [sflag:s12], $0x4000  }
0x77: {  	[sflag:s12] =	ssyncset.done $0x0  }
0x78: {  	[sflag:s12] =	ssyncadd.s32 $0xFFFFC000  }
0x79: {  	[spmem:s3] =	stream.indirect.scatter.add.f32 [tilespmem:s15], [sflag:$0x3], $0x80, s21, s14, $0xb8;
	[tilespmem:$0x1CC00] =	vst v63  }
0x7a: {  	_ =	swait.ge [sflag:s17], $0x4000  }
0x7b: {  	[sflag:s17] =	ssyncset.done $0x0  }
0x7c: {  	[sflag:s17] =	ssyncadd.s32 $0xFFFFC000  }
0x7d: {  	[tilespmem:s15], [sflag:$0x1] =	stream.indirect.gather [hbm4b:s1+s14], $0x80, s22, s14, $0xb8;
	[tilespmem:$0x1CC00] =	vst v63  }
0x7e: {  	_ =	swait.ge [sflag:s13], $0x4000  }
0x7f: {  	[sflag:s13] =	ssyncset.done $0x0  }
0x80: {  	[sflag:s13] =	ssyncadd.s32 $0xFFFFC000  }
0x81: {  	[spmem:s3] =	stream.indirect.scatter.add.f32 [tilespmem:s16], [sflag:$0x4], $0x80, s23, s14, $0xb8;
	[tilespmem:$0x1CC00] =	vst v63  }
0x82: {  	_ =	swait.ge [sflag:s18], $0x4000  }
0x83: {  	[sflag:s18] =	ssyncset.done $0x0  }
0x84: {  	[sflag:s18] =	ssyncadd.s32 $0xFFFFC000  }
0x85: {  	[tilespmem:s16], [sflag:$0x2] =	stream.indirect.gather [hbm4b:s1+s14], $0x80, s24, s14, $0xb8;
	[tilespmem:$0x1CC00] =	vst v63  }
0x86: {  	_ =	swait.ge [sflag:s12], $0x4000  }
0x87: {  	[sflag:s12] =	ssyncset.done $0x0  }
0x88: {  	[sflag:s12] =	ssyncadd.s32 $0xFFFFC000  }
0x89: {  	[spmem:s3] =	stream.indirect.scatter.add.f32 [tilespmem:s15], [sflag:$0x3], $0x80, s25, s14, $0xb8;
	[tilespmem:$0x1CC00] =	vst v63  }
0x8a: {  	_ =	swait.ge [sflag:s17], $0x4000  }
0x8b: {  	[sflag:s17] =	ssyncset.done $0x0  }
0x8c: {  	[sflag:s17] =	ssyncadd.s32 $0xFFFFC000  }
0x8d: {  	[tilespmem:s15], [sflag:$0x1] =	stream.indirect.gather [hbm4b:s1+s14], $0x80, s26, s14, $0xb8;
	[tilespmem:$0x1CC00] =	vst v63  }
0x8e: {  	_ =	swait.ge [sflag:s13], $0x4000  }
0x8f: {  	[sflag:s13] =	ssyncset.done $0x0  }
0x90: {  	[sflag:s13] =	ssyncadd.s32 $0xFFFFC000  }
0x91: {  	[spmem:s3] =	stream.indirect.scatter.add.f32 [tilespmem:s16], [sflag:$0x4], $0x80, s28, s14, $0xb8;
	[tilespmem:$0x1CC00] =	vst v63  }
0x92: {  	_ =	swait.ge [sflag:s18], $0x4000  }
0x93: {  	[sflag:s18] =	ssyncset.done $0x0  }
0x94: {  	[sflag:s18] =	ssyncadd.s32 $0xFFFFC000  }
0x95: {  	[tilespmem:s16], [sflag:$0x2] =	stream.indirect.gather [hbm4b:s1+s14], $0x80, s29, s14, $0xb8;
	[tilespmem:$0x1CC00] =	vst v63  }
0x96: {  	_ =	swait.ge [sflag:s12], $0x4000  }
0x97: {  	[sflag:s12] =	ssyncset.done $0x0  }
0x98: {  	[sflag:s12] =	ssyncadd.s32 $0xFFFFC000  }
0x99: {  	[spmem:s3] =	stream.indirect.scatter.add.f32 [tilespmem:s15], [sflag:$0x3], $0x80, s30, s14, $0xb8;
	[tilespmem:$0x1CC00] =	vst v63  }
0x9a: {  	_ =	swait.ge [sflag:s17], $0x4000  }
0x9b: {  	[sflag:s17] =	ssyncset.done $0x0  }
0x9c: {  	[sflag:s17] =	ssyncadd.s32 $0xFFFFC000  }
0x9d: {  	[tilespmem:s15], [sflag:$0x1] =	stream.indirect.gather [hbm4b:s1+s14], $0x80, s31, s14, $0xb8;
	[tilespmem:$0x1CC00] =	vst v63  }
0x9e: {  	_ =	swait.ge [sflag:s13], $0x4000  }
0x9f: {  	[sflag:s13] =	ssyncset.done $0x0  }
0xa0: {  	[sflag:s13] =	ssyncadd.s32 $0xFFFFC000  }
0xa1: {  	[spmem:s3] =	stream.indirect.scatter.add.f32 [tilespmem:s16], [sflag:$0x4], $0x80, s2, s14, $0xb8;
	[tilespmem:$0x1CC00] =	vst v63  }
0xa2: {  	_ =	swait.ge [sflag:s18], $0x4000  }
0xa3: {  	[sflag:s18] =	ssyncset.done $0x0  }
0xa4: {  	[sflag:s18] =	ssyncadd.s32 $0xFFFFC000  }
0xa5: {  	[tilespmem:s16], [sflag:$0x2] =	stream.indirect.gather [hbm4b:s1+s14], $0x80, s0, s14, $0xb8;
	[tilespmem:$0x1CC00] =	vst v63  }
0xa6: {  	_ =	swait.ge [sflag:s12], $0x4000  }
0xa7: {  	[sflag:s12] =	ssyncset.done $0x0  }
0xa8: {  	[sflag:s12] =	ssyncadd.s32 $0xFFFFC000  }
0xa9: {  	[spmem:s3] =	stream.indirect.scatter.add.f32 [tilespmem:s15], [sflag:$0x3], $0x80, s5, s14, $0xb8;
	[tilespmem:$0x1CC00] =	vst v63  }
0xaa: {  	_ =	swait.ge [sflag:s17], $0x4000  }
0xab: {  	[sflag:s17] =	ssyncset.done $0x0  }
0xac: {  	[sflag:s17] =	ssyncadd.s32 $0xFFFFC000  }
0xad: {  	_ =	swait.ge [sflag:s13], $0x4000  }
0xae: {  	[sflag:s13] =	ssyncset.done $0x0  }
0xaf: {  	[sflag:s13] =	ssyncadd.s32 $0xFFFFC000  }
0xb0: {  	[spmem:s3] =	stream.indirect.scatter.add.f32 [tilespmem:s16], [sflag:$0x4], $0x80, s7, s14, $0xb8;
	[tilespmem:$0x1CC00] =	vst v63  }
0xb1: {  	s6 =	simm.s32 $0x100;
	_ =	swait.ge [sflag:s18], $0x4000  }
0xb2: {  	s9 =	simm.s32 $0x200;
	s10 =	rddreg [dreg:$0x5];
	[sflag:s18] =	ssyncset.done $0x0  }
.LBB2_2:
0xb3: {  	[sflag:s18] =	ssyncadd.s32 $0xFFFFC000;
	s19 =	rddreg [dreg:$0x4];
	s10 =	sadd.s32 s6, s10  }
0xb4: {  	[tilespmem:s4], [sflag:$0x1] =	stream.linear.gather [hbm4b:s10+s4], $0x800, $0x38;
	[tilespmem:$0x1CC00] =	vst v63  }
0xb5: {  	s19 =	sadd.s32 s6, s19  }
0xb6: {  	[tilespmem:s11], [sflag:$0x2] =	stream.linear.gather [hbm4b:s19+s4], $0x800, $0x38;
	[tilespmem:$0x1CC00] =	vst v63  }
0xb7: {  	_ =	swait.ge [sflag:s12], $0x800  }
0xb8: {  	[sflag:s12] =	ssyncset.done $0x0  }
0xb9: {  	[sflag:s12] =	ssyncadd.s32 $0xFFFFF800  }
0xba: {  	_ =	swait.ge [sflag:s13], $0x800  }
0xbb: {  	[sflag:s13] =	ssyncset.done $0x0  }
0xbc: {  	[sflag:s13] =	ssyncadd.s32 $0xFFFFF800  }
0xbd: {  	[tilespmem:s15], [sflag:$0x1] =	stream.indirect.gather [hbm4b:s1+s14], $0x80, s4, s14, $0xb8;
	[tilespmem:$0x1CC00] =	vst v63  }
0xbe: {  	_ = 	snop  }
0xbf: {  	[tilespmem:s16], [sflag:$0x2] =	stream.indirect.gather [hbm4b:s1+s14], $0x80, s14, s14, $0xb8;
	[tilespmem:$0x1CC00] =	vst v63  }
0xc0: {  	_ =	swait.ge [sflag:s12], $0x4000  }
0xc1: {  	[sflag:s12] =	ssyncset.done $0x0  }
0xc2: {  	[sflag:s12] =	ssyncadd.s32 $0xFFFFC000  }
0xc3: {  	[spmem:s3] =	stream.indirect.scatter.add.f32 [tilespmem:s15], [sflag:$0x3], $0x80, s11, s14, $0xb8;
	[tilespmem:$0x1CC00] =	vst v63  }
0xc4: {  	_ =	swait.ge [sflag:s17], $0x4000  }
0xc5: {  	[sflag:s17] =	ssyncset.done $0x0  }
0xc6: {  	s10 =	rddreg [dreg:$0x6];
	[sflag:s17] =	ssyncadd.s32 $0xFFFFC000  }
0xc7: {  	[tilespmem:s15], [sflag:$0x1] =	stream.indirect.gather [hbm4b:s1+s14], $0x80, s10, s14, $0xb8;
	[tilespmem:$0x1CC00] =	vst v63  }
0xc8: {  	_ =	swait.ge [sflag:s13], $0x4000  }
0xc9: {  	[sflag:s13] =	ssyncset.done $0x0  }
0xca: {  	s19 =	rddreg [dreg:$0x7];
	[sflag:s13] =	ssyncadd.s32 $0xFFFFC000  }
0xcb: {  	[spmem:s3] =	stream.indirect.scatter.add.f32 [tilespmem:s16], [sflag:$0x4], $0x80, s19, s14, $0xb8;
	[tilespmem:$0x1CC00] =	vst v63  }
0xcc: {  	_ =	swait.ge [sflag:s18], $0x4000  }
0xcd: {  	[sflag:s18] =	ssyncset.done $0x0  }
0xce: {  	s10 =	rddreg [dreg:$0x8];
	[sflag:s18] =	ssyncadd.s32 $0xFFFFC000  }
0xcf: {  	[tilespmem:s16], [sflag:$0x2] =	stream.indirect.gather [hbm4b:s1+s14], $0x80, s10, s14, $0xb8;
	[tilespmem:$0x1CC00] =	vst v63  }
0xd0: {  	_ =	swait.ge [sflag:s12], $0x4000  }
0xd1: {  	[sflag:s12] =	ssyncset.done $0x0  }
0xd2: {  	s19 =	rddreg [dreg:$0x9];
	[sflag:s12] =	ssyncadd.s32 $0xFFFFC000  }
0xd3: {  	[spmem:s3] =	stream.indirect.scatter.add.f32 [tilespmem:s15], [sflag:$0x3], $0x80, s19, s14, $0xb8;
	[tilespmem:$0x1CC00] =	vst v63  }
0xd4: {  	_ =	swait.ge [sflag:s17], $0x4000  }
0xd5: {  	[sflag:s17] =	ssyncset.done $0x0  }
0xd6: {  	s10 =	rddreg [dreg:$0xa];
	[sflag:s17] =	ssyncadd.s32 $0xFFFFC000  }
0xd7: {  	[tilespmem:s15], [sflag:$0x1] =	stream.indirect.gather [hbm4b:s1+s14], $0x80, s10, s14, $0xb8;
	[tilespmem:$0x1CC00] =	vst v63  }
0xd8: {  	_ =	swait.ge [sflag:s13], $0x4000  }
0xd9: {  	[sflag:s13] =	ssyncset.done $0x0  }
0xda: {  	s19 =	rddreg [dreg:$0xb];
	[sflag:s13] =	ssyncadd.s32 $0xFFFFC000  }
0xdb: {  	[spmem:s3] =	stream.indirect.scatter.add.f32 [tilespmem:s16], [sflag:$0x4], $0x80, s19, s14, $0xb8;
	[tilespmem:$0x1CC00] =	vst v63  }
0xdc: {  	_ =	swait.ge [sflag:s18], $0x4000  }
0xdd: {  	[sflag:s18] =	ssyncset.done $0x0  }
0xde: {  	s10 =	rddreg [dreg:$0xc];
	[sflag:s18] =	ssyncadd.s32 $0xFFFFC000  }
0xdf: {  	[tilespmem:s16], [sflag:$0x2] =	stream.indirect.gather [hbm4b:s1+s14], $0x80, s10, s14, $0xb8;
	[tilespmem:$0x1CC00] =	vst v63  }
0xe0: {  	_ =	swait.ge [sflag:s12], $0x4000  }
0xe1: {  	[sflag:s12] =	ssyncset.done $0x0  }
0xe2: {  	s19 =	rddreg [dreg:$0xd];
	[sflag:s12] =	ssyncadd.s32 $0xFFFFC000  }
0xe3: {  	[spmem:s3] =	stream.indirect.scatter.add.f32 [tilespmem:s15], [sflag:$0x3], $0x80, s19, s14, $0xb8;
	[tilespmem:$0x1CC00] =	vst v63  }
0xe4: {  	_ =	swait.ge [sflag:s17], $0x4000  }
0xe5: {  	[sflag:s17] =	ssyncset.done $0x0  }
0xe6: {  	s10 =	rddreg [dreg:$0xe];
	[sflag:s17] =	ssyncadd.s32 $0xFFFFC000  }
0xe7: {  	[tilespmem:s15], [sflag:$0x1] =	stream.indirect.gather [hbm4b:s1+s14], $0x80, s10, s14, $0xb8;
	[tilespmem:$0x1CC00] =	vst v63  }
0xe8: {  	_ =	swait.ge [sflag:s13], $0x4000  }
0xe9: {  	[sflag:s13] =	ssyncset.done $0x0  }
0xea: {  	s19 =	rddreg [dreg:$0xf];
	[sflag:s13] =	ssyncadd.s32 $0xFFFFC000  }
0xeb: {  	[spmem:s3] =	stream.indirect.scatter.add.f32 [tilespmem:s16], [sflag:$0x4], $0x80, s19, s14, $0xb8;
	[tilespmem:$0x1CC00] =	vst v63  }
0xec: {  	_ =	swait.ge [sflag:s18], $0x4000  }
0xed: {  	[sflag:s18] =	ssyncset.done $0x0  }
0xee: {  	s10 =	rddreg [dreg:$0x10];
	[sflag:s18] =	ssyncadd.s32 $0xFFFFC000  }
0xef: {  	[tilespmem:s16], [sflag:$0x2] =	stream.indirect.gather [hbm4b:s1+s14], $0x80, s10, s14, $0xb8;
	[tilespmem:$0x1CC00] =	vst v63  }
0xf0: {  	_ =	swait.ge [sflag:s12], $0x4000  }
0xf1: {  	[sflag:s12] =	ssyncset.done $0x0  }
0xf2: {  	s19 =	rddreg [dreg:$0x11];
	[sflag:s12] =	ssyncadd.s32 $0xFFFFC000  }
0xf3: {  	[spmem:s3] =	stream.indirect.scatter.add.f32 [tilespmem:s15], [sflag:$0x3], $0x80, s19, s14, $0xb8;
	[tilespmem:$0x1CC00] =	vst v63  }
0xf4: {  	_ =	swait.ge [sflag:s17], $0x4000  }
0xf5: {  	[sflag:s17] =	ssyncset.done $0x0  }
0xf6: {  	s10 =	rddreg [dreg:$0x12];
	[sflag:s17] =	ssyncadd.s32 $0xFFFFC000  }
0xf7: {  	[tilespmem:s15], [sflag:$0x1] =	stream.indirect.gather [hbm4b:s1+s14], $0x80, s10, s14, $0xb8;
	[tilespmem:$0x1CC00] =	vst v63  }
0xf8: {  	_ =	swait.ge [sflag:s13], $0x4000  }
0xf9: {  	[sflag:s13] =	ssyncset.done $0x0  }
0xfa: {  	s19 =	simm.s32 $0xB80;
	[sflag:s13] =	ssyncadd.s32 $0xFFFFC000  }
0xfb: {  	[spmem:s3] =	stream.indirect.scatter.add.f32 [tilespmem:s16], [sflag:$0x4], $0x80, s19, s14, $0xb8;
	[tilespmem:$0x1CC00] =	vst v63  }
0xfc: {  	_ =	swait.ge [sflag:s18], $0x4000  }
0xfd: {  	[sflag:s18] =	ssyncset.done $0x0  }
0xfe: {  	[sflag:s18] =	ssyncadd.s32 $0xFFFFC000  }
0xff: {  	[tilespmem:s16], [sflag:$0x2] =	stream.indirect.gather [hbm4b:s1+s14], $0x80, s20, s14, $0xb8;
	[tilespmem:$0x1CC00] =	vst v63  }
0x100: {  	_ =	swait.ge [sflag:s12], $0x4000  }
0x101: {  	[sflag:s12] =	ssyncset.done $0x0  }
0x102: {  	[sflag:s12] =	ssyncadd.s32 $0xFFFFC000  }
0x103: {  	[spmem:s3] =	stream.indirect.scatter.add.f32 [tilespmem:s15], [sflag:$0x3], $0x80, s21, s14, $0xb8;
	[tilespmem:$0x1CC00] =	vst v63  }
0x104: {  	_ =	swait.ge [sflag:s17], $0x4000  }
0x105: {  	[sflag:s17] =	ssyncset.done $0x0  }
0x106: {  	[sflag:s17] =	ssyncadd.s32 $0xFFFFC000  }
0x107: {  	[tilespmem:s15], [sflag:$0x1] =	stream.indirect.gather [hbm4b:s1+s14], $0x80, s22, s14, $0xb8;
	[tilespmem:$0x1CC00] =	vst v63  }
0x108: {  	_ =	swait.ge [sflag:s13], $0x4000  }
0x109: {  	[sflag:s13] =	ssyncset.done $0x0  }
0x10a: {  	[sflag:s13] =	ssyncadd.s32 $0xFFFFC000  }
0x10b: {  	[spmem:s3] =	stream.indirect.scatter.add.f32 [tilespmem:s16], [sflag:$0x4], $0x80, s23, s14, $0xb8;
	[tilespmem:$0x1CC00] =	vst v63  }
0x10c: {  	_ =	swait.ge [sflag:s18], $0x4000  }
0x10d: {  	[sflag:s18] =	ssyncset.done $0x0  }
0x10e: {  	[sflag:s18] =	ssyncadd.s32 $0xFFFFC000  }
0x10f: {  	[tilespmem:s16], [sflag:$0x2] =	stream.indirect.gather [hbm4b:s1+s14], $0x80, s24, s14, $0xb8;
	[tilespmem:$0x1CC00] =	vst v63  }
0x110: {  	_ =	swait.ge [sflag:s12], $0x4000  }
0x111: {  	[sflag:s12] =	ssyncset.done $0x0  }
0x112: {  	[sflag:s12] =	ssyncadd.s32 $0xFFFFC000  }
0x113: {  	[spmem:s3] =	stream.indirect.scatter.add.f32 [tilespmem:s15], [sflag:$0x3], $0x80, s25, s14, $0xb8;
	[tilespmem:$0x1CC00] =	vst v63  }
0x114: {  	_ =	swait.ge [sflag:s17], $0x4000  }
0x115: {  	[sflag:s17] =	ssyncset.done $0x0  }
0x116: {  	[sflag:s17] =	ssyncadd.s32 $0xFFFFC000  }
0x117: {  	[tilespmem:s15], [sflag:$0x1] =	stream.indirect.gather [hbm4b:s1+s14], $0x80, s26, s14, $0xb8;
	[tilespmem:$0x1CC00] =	vst v63  }
0x118: {  	_ =	swait.ge [sflag:s13], $0x4000  }
0x119: {  	[sflag:s13] =	ssyncset.done $0x0  }
0x11a: {  	[sflag:s13] =	ssyncadd.s32 $0xFFFFC000  }
0x11b: {  	[spmem:s3] =	stream.indirect.scatter.add.f32 [tilespmem:s16], [sflag:$0x4], $0x80, s28, s14, $0xb8;
	[tilespmem:$0x1CC00] =	vst v63  }
0x11c: {  	_ =	swait.ge [sflag:s18], $0x4000  }
0x11d: {  	[sflag:s18] =	ssyncset.done $0x0  }
0x11e: {  	[sflag:s18] =	ssyncadd.s32 $0xFFFFC000  }
0x11f: {  	[tilespmem:s16], [sflag:$0x2] =	stream.indirect.gather [hbm4b:s1+s14], $0x80, s29, s14, $0xb8;
	[tilespmem:$0x1CC00] =	vst v63  }
0x120: {  	_ =	swait.ge [sflag:s12], $0x4000  }
0x121: {  	[sflag:s12] =	ssyncset.done $0x0  }
0x122: {  	[sflag:s12] =	ssyncadd.s32 $0xFFFFC000  }
0x123: {  	[spmem:s3] =	stream.indirect.scatter.add.f32 [tilespmem:s15], [sflag:$0x3], $0x80, s30, s14, $0xb8;
	[tilespmem:$0x1CC00] =	vst v63  }
0x124: {  	_ =	swait.ge [sflag:s17], $0x4000  }
0x125: {  	[sflag:s17] =	ssyncset.done $0x0  }
0x126: {  	[sflag:s17] =	ssyncadd.s32 $0xFFFFC000  }
0x127: {  	[tilespmem:s15], [sflag:$0x1] =	stream.indirect.gather [hbm4b:s1+s14], $0x80, s31, s14, $0xb8;
	[tilespmem:$0x1CC00] =	vst v63  }
0x128: {  	_ =	swait.ge [sflag:s13], $0x4000  }
0x129: {  	[sflag:s13] =	ssyncset.done $0x0  }
0x12a: {  	[sflag:s13] =	ssyncadd.s32 $0xFFFFC000  }
0x12b: {  	[spmem:s3] =	stream.indirect.scatter.add.f32 [tilespmem:s16], [sflag:$0x4], $0x80, s2, s14, $0xb8;
	[tilespmem:$0x1CC00] =	vst v63  }
0x12c: {  	_ =	swait.ge [sflag:s18], $0x4000  }
0x12d: {  	[sflag:s18] =	ssyncset.done $0x0  }
0x12e: {  	[sflag:s18] =	ssyncadd.s32 $0xFFFFC000  }
0x12f: {  	[tilespmem:s16], [sflag:$0x2] =	stream.indirect.gather [hbm4b:s1+s14], $0x80, s0, s14, $0xb8;
	[tilespmem:$0x1CC00] =	vst v63  }
0x130: {  	_ =	swait.ge [sflag:s12], $0x4000  }
0x131: {  	[sflag:s12] =	ssyncset.done $0x0  }
0x132: {  	[sflag:s12] =	ssyncadd.s32 $0xFFFFC000  }
0x133: {  	[spmem:s3] =	stream.indirect.scatter.add.f32 [tilespmem:s15], [sflag:$0x3], $0x80, s5, s14, $0xb8;
	[tilespmem:$0x1CC00] =	vst v63  }
0x134: {  	_ =	swait.ge [sflag:s17], $0x4000  }
0x135: {  	[sflag:s17] =	ssyncset.done $0x0  }
0x136: {  	[sflag:s17] =	ssyncadd.s32 $0xFFFFC000  }
0x137: {  	p0 =	sne.s32 s9, $0x400;
	_ =	swait.ge [sflag:s13], $0x4000  }
.Ltmp0:
0x138: {  	[sflag:s13] =	ssyncset.done $0x0;
	(pc) =	sbr.rel @p0 .LBB2_2-.Ltmp0, $4  }
0x139: {  	[sflag:s13] =	ssyncadd.s32 $0xFFFFC000  }
0x13a: {  	[spmem:s3] =	stream.indirect.scatter.add.f32 [tilespmem:s16], [sflag:$0x4], $0x80, s7, s14, $0xb8;
	[tilespmem:$0x1CC00] =	vst v63  }
0x13b: {  	s8 =	smov.u32 s9;
	s9 =	sadd.s32 $0x100, s9;
	_ =	swait.ge [sflag:s18], $0x4000  }
0x13c: {  	s6 =	smov.u32 s8;
	s10 =	rddreg [dreg:$0x5];
	[sflag:s18] =	ssyncset.done $0x0  }
0x13d: {  	s8 =	rddreg [dreg:$0x4];
	[sflag:s18] =	ssyncadd.s32 $0xFFFFC000;
	s9 =	sadd.s32 s6, s10  }
0x13e: {  	[tilespmem:s4], [sflag:$0x1] =	stream.linear.gather [hbm4b:s9+s4], $0x800, $0x38;
	[tilespmem:$0x1CC00] =	vst v63  }
0x13f: {  	s8 =	sadd.s32 s6, s8  }
0x140: {  	[tilespmem:s11], [sflag:$0x2] =	stream.linear.gather [hbm4b:s8+s4], $0x800, $0x38;
	[tilespmem:$0x1CC00] =	vst v63  }
0x141: {  	_ =	swait.ge [sflag:s12], $0x800  }
0x142: {  	[sflag:s12] =	ssyncset.done $0x0  }
0x143: {  	[sflag:s12] =	ssyncadd.s32 $0xFFFFF800  }
0x144: {  	_ =	swait.ge [sflag:s13], $0x800  }
0x145: {  	[sflag:s13] =	ssyncset.done $0x0  }
0x146: {  	[sflag:s13] =	ssyncadd.s32 $0xFFFFF800  }
0x147: {  	[tilespmem:s15], [sflag:$0x1] =	stream.indirect.gather [hbm4b:s1+s14], $0x80, s4, s14, $0xb8;
	[tilespmem:$0x1CC00] =	vst v63  }
0x148: {  	_ = 	snop  }
0x149: {  	[tilespmem:s16], [sflag:$0x2] =	stream.indirect.gather [hbm4b:s1+s14], $0x80, s14, s14, $0xb8;
	[tilespmem:$0x1CC00] =	vst v63  }
0x14a: {  	_ =	swait.ge [sflag:s12], $0x4000  }
0x14b: {  	[sflag:s12] =	ssyncset.done $0x0  }
0x14c: {  	[sflag:s12] =	ssyncadd.s32 $0xFFFFC000  }
0x14d: {  	[spmem:s3] =	stream.indirect.scatter.add.f32 [tilespmem:s15], [sflag:$0x3], $0x80, s11, s14, $0xb8;
	[tilespmem:$0x1CC00] =	vst v63  }
0x14e: {  	_ =	swait.ge [sflag:s17], $0x4000  }
0x14f: {  	[sflag:s17] =	ssyncset.done $0x0  }
0x150: {  	s9 =	rddreg [dreg:$0x6];
	[sflag:s17] =	ssyncadd.s32 $0xFFFFC000  }
0x151: {  	[tilespmem:s15], [sflag:$0x1] =	stream.indirect.gather [hbm4b:s1+s14], $0x80, s9, s14, $0xb8;
	[tilespmem:$0x1CC00] =	vst v63  }
0x152: {  	_ =	swait.ge [sflag:s13], $0x4000  }
0x153: {  	[sflag:s13] =	ssyncset.done $0x0  }
0x154: {  	s10 =	rddreg [dreg:$0x7];
	[sflag:s13] =	ssyncadd.s32 $0xFFFFC000  }
0x155: {  	[spmem:s3] =	stream.indirect.scatter.add.f32 [tilespmem:s16], [sflag:$0x4], $0x80, s10, s14, $0xb8;
	[tilespmem:$0x1CC00] =	vst v63  }
0x156: {  	_ =	swait.ge [sflag:s18], $0x4000  }
0x157: {  	[sflag:s18] =	ssyncset.done $0x0  }
0x158: {  	s19 =	rddreg [dreg:$0x8];
	[sflag:s18] =	ssyncadd.s32 $0xFFFFC000  }
0x159: {  	[tilespmem:s16], [sflag:$0x2] =	stream.indirect.gather [hbm4b:s1+s14], $0x80, s19, s14, $0xb8;
	[tilespmem:$0x1CC00] =	vst v63  }
0x15a: {  	_ =	swait.ge [sflag:s12], $0x4000  }
0x15b: {  	[sflag:s12] =	ssyncset.done $0x0  }
0x15c: {  	s8 =	rddreg [dreg:$0x9];
	[sflag:s12] =	ssyncadd.s32 $0xFFFFC000  }
0x15d: {  	[spmem:s3] =	stream.indirect.scatter.add.f32 [tilespmem:s15], [sflag:$0x3], $0x80, s8, s14, $0xb8;
	[tilespmem:$0x1CC00] =	vst v63  }
0x15e: {  	_ =	swait.ge [sflag:s17], $0x4000  }
0x15f: {  	[sflag:s17] =	ssyncset.done $0x0  }
0x160: {  	s9 =	rddreg [dreg:$0xa];
	[sflag:s17] =	ssyncadd.s32 $0xFFFFC000  }
0x161: {  	[tilespmem:s15], [sflag:$0x1] =	stream.indirect.gather [hbm4b:s1+s14], $0x80, s9, s14, $0xb8;
	[tilespmem:$0x1CC00] =	vst v63  }
0x162: {  	_ =	swait.ge [sflag:s13], $0x4000  }
0x163: {  	[sflag:s13] =	ssyncset.done $0x0  }
0x164: {  	s10 =	rddreg [dreg:$0xb];
	[sflag:s13] =	ssyncadd.s32 $0xFFFFC000  }
0x165: {  	[spmem:s3] =	stream.indirect.scatter.add.f32 [tilespmem:s16], [sflag:$0x4], $0x80, s10, s14, $0xb8;
	[tilespmem:$0x1CC00] =	vst v63  }
0x166: {  	_ =	swait.ge [sflag:s18], $0x4000  }
0x167: {  	[sflag:s18] =	ssyncset.done $0x0  }
0x168: {  	s19 =	rddreg [dreg:$0xc];
	[sflag:s18] =	ssyncadd.s32 $0xFFFFC000  }
0x169: {  	[tilespmem:s16], [sflag:$0x2] =	stream.indirect.gather [hbm4b:s1+s14], $0x80, s19, s14, $0xb8;
	[tilespmem:$0x1CC00] =	vst v63  }
0x16a: {  	_ =	swait.ge [sflag:s12], $0x4000  }
0x16b: {  	[sflag:s12] =	ssyncset.done $0x0  }
0x16c: {  	s8 =	rddreg [dreg:$0xd];
	[sflag:s12] =	ssyncadd.s32 $0xFFFFC000  }
0x16d: {  	[spmem:s3] =	stream.indirect.scatter.add.f32 [tilespmem:s15], [sflag:$0x3], $0x80, s8, s14, $0xb8;
	[tilespmem:$0x1CC00] =	vst v63  }
0x16e: {  	_ =	swait.ge [sflag:s17], $0x4000  }
0x16f: {  	[sflag:s17] =	ssyncset.done $0x0  }
0x170: {  	s9 =	rddreg [dreg:$0xe];
	[sflag:s17] =	ssyncadd.s32 $0xFFFFC000  }
0x171: {  	[tilespmem:s15], [sflag:$0x1] =	stream.indirect.gather [hbm4b:s1+s14], $0x80, s9, s14, $0xb8;
	[tilespmem:$0x1CC00] =	vst v63  }
0x172: {  	_ =	swait.ge [sflag:s13], $0x4000  }
0x173: {  	[sflag:s13] =	ssyncset.done $0x0  }
0x174: {  	s10 =	rddreg [dreg:$0xf];
	[sflag:s13] =	ssyncadd.s32 $0xFFFFC000  }
0x175: {  	[spmem:s3] =	stream.indirect.scatter.add.f32 [tilespmem:s16], [sflag:$0x4], $0x80, s10, s14, $0xb8;
	[tilespmem:$0x1CC00] =	vst v63  }
0x176: {  	_ =	swait.ge [sflag:s18], $0x4000  }
0x177: {  	[sflag:s18] =	ssyncset.done $0x0  }
0x178: {  	s19 =	rddreg [dreg:$0x10];
	[sflag:s18] =	ssyncadd.s32 $0xFFFFC000  }
0x179: {  	[tilespmem:s16], [sflag:$0x2] =	stream.indirect.gather [hbm4b:s1+s14], $0x80, s19, s14, $0xb8;
	[tilespmem:$0x1CC00] =	vst v63  }
0x17a: {  	_ =	swait.ge [sflag:s12], $0x4000  }
0x17b: {  	[sflag:s12] =	ssyncset.done $0x0  }
0x17c: {  	s8 =	rddreg [dreg:$0x11];
	[sflag:s12] =	ssyncadd.s32 $0xFFFFC000  }
0x17d: {  	[spmem:s3] =	stream.indirect.scatter.add.f32 [tilespmem:s15], [sflag:$0x3], $0x80, s8, s14, $0xb8;
	[tilespmem:$0x1CC00] =	vst v63  }
0x17e: {  	_ =	swait.ge [sflag:s17], $0x4000  }
0x17f: {  	[sflag:s17] =	ssyncset.done $0x0  }
0x180: {  	s9 =	rddreg [dreg:$0x12];
	[sflag:s17] =	ssyncadd.s32 $0xFFFFC000  }
0x181: {  	[tilespmem:s15], [sflag:$0x1] =	stream.indirect.gather [hbm4b:s1+s14], $0x80, s9, s14, $0xb8;
	[tilespmem:$0x1CC00] =	vst v63  }
0x182: {  	_ =	swait.ge [sflag:s13], $0x4000  }
0x183: {  	[sflag:s13] =	ssyncset.done $0x0  }
0x184: {  	s10 =	simm.s32 $0xB80;
	[sflag:s13] =	ssyncadd.s32 $0xFFFFC000  }
0x185: {  	[spmem:s3] =	stream.indirect.scatter.add.f32 [tilespmem:s16], [sflag:$0x4], $0x80, s10, s14, $0xb8;
	[tilespmem:$0x1CC00] =	vst v63  }
0x186: {  	_ =	swait.ge [sflag:s18], $0x4000  }
0x187: {  	[sflag:s18] =	ssyncset.done $0x0  }
0x188: {  	[sflag:s18] =	ssyncadd.s32 $0xFFFFC000  }
0x189: {  	[tilespmem:s16], [sflag:$0x2] =	stream.indirect.gather [hbm4b:s1+s14], $0x80, s20, s14, $0xb8;
	[tilespmem:$0x1CC00] =	vst v63  }
0x18a: {  	_ =	swait.ge [sflag:s12], $0x4000  }
0x18b: {  	[sflag:s12] =	ssyncset.done $0x0  }
0x18c: {  	[sflag:s12] =	ssyncadd.s32 $0xFFFFC000  }
0x18d: {  	[spmem:s3] =	stream.indirect.scatter.add.f32 [tilespmem:s15], [sflag:$0x3], $0x80, s21, s14, $0xb8;
	[tilespmem:$0x1CC00] =	vst v63  }
0x18e: {  	_ =	swait.ge [sflag:s17], $0x4000  }
0x18f: {  	[sflag:s17] =	ssyncset.done $0x0  }
0x190: {  	[sflag:s17] =	ssyncadd.s32 $0xFFFFC000  }
0x191: {  	[tilespmem:s15], [sflag:$0x1] =	stream.indirect.gather [hbm4b:s1+s14], $0x80, s22, s14, $0xb8;
	[tilespmem:$0x1CC00] =	vst v63  }
0x192: {  	_ =	swait.ge [sflag:s13], $0x4000  }
0x193: {  	[sflag:s13] =	ssyncset.done $0x0  }
0x194: {  	[sflag:s13] =	ssyncadd.s32 $0xFFFFC000  }
0x195: {  	[spmem:s3] =	stream.indirect.scatter.add.f32 [tilespmem:s16], [sflag:$0x4], $0x80, s23, s14, $0xb8;
	[tilespmem:$0x1CC00] =	vst v63  }
0x196: {  	_ =	swait.ge [sflag:s18], $0x4000  }
0x197: {  	[sflag:s18] =	ssyncset.done $0x0  }
0x198: {  	[sflag:s18] =	ssyncadd.s32 $0xFFFFC000  }
0x199: {  	[tilespmem:s16], [sflag:$0x2] =	stream.indirect.gather [hbm4b:s1+s14], $0x80, s24, s14, $0xb8;
	[tilespmem:$0x1CC00] =	vst v63  }
0x19a: {  	_ =	swait.ge [sflag:s12], $0x4000  }
0x19b: {  	[sflag:s12] =	ssyncset.done $0x0  }
0x19c: {  	[sflag:s12] =	ssyncadd.s32 $0xFFFFC000  }
0x19d: {  	[spmem:s3] =	stream.indirect.scatter.add.f32 [tilespmem:s15], [sflag:$0x3], $0x80, s25, s14, $0xb8;
	[tilespmem:$0x1CC00] =	vst v63  }
0x19e: {  	_ =	swait.ge [sflag:s17], $0x4000  }
0x19f: {  	[sflag:s17] =	ssyncset.done $0x0  }
0x1a0: {  	[sflag:s17] =	ssyncadd.s32 $0xFFFFC000  }
0x1a1: {  	[tilespmem:s15], [sflag:$0x1] =	stream.indirect.gather [hbm4b:s1+s14], $0x80, s26, s14, $0xb8;
	[tilespmem:$0x1CC00] =	vst v63  }
0x1a2: {  	_ =	swait.ge [sflag:s13], $0x4000  }
0x1a3: {  	[sflag:s13] =	ssyncset.done $0x0  }
0x1a4: {  	[sflag:s13] =	ssyncadd.s32 $0xFFFFC000  }
0x1a5: {  	[spmem:s3] =	stream.indirect.scatter.add.f32 [tilespmem:s16], [sflag:$0x4], $0x80, s28, s14, $0xb8;
	[tilespmem:$0x1CC00] =	vst v63  }
0x1a6: {  	_ =	swait.ge [sflag:s18], $0x4000  }
0x1a7: {  	[sflag:s18] =	ssyncset.done $0x0  }
0x1a8: {  	[sflag:s18] =	ssyncadd.s32 $0xFFFFC000  }
0x1a9: {  	[tilespmem:s16], [sflag:$0x2] =	stream.indirect.gather [hbm4b:s1+s14], $0x80, s29, s14, $0xb8;
	[tilespmem:$0x1CC00] =	vst v63  }
0x1aa: {  	_ =	swait.ge [sflag:s12], $0x4000  }
0x1ab: {  	[sflag:s12] =	ssyncset.done $0x0  }
0x1ac: {  	[sflag:s12] =	ssyncadd.s32 $0xFFFFC000  }
0x1ad: {  	[spmem:s3] =	stream.indirect.scatter.add.f32 [tilespmem:s15], [sflag:$0x3], $0x80, s30, s14, $0xb8;
	[tilespmem:$0x1CC00] =	vst v63  }
0x1ae: {  	_ =	swait.ge [sflag:s17], $0x4000  }
0x1af: {  	[sflag:s17] =	ssyncset.done $0x0  }
0x1b0: {  	[sflag:s17] =	ssyncadd.s32 $0xFFFFC000  }
0x1b1: {  	[tilespmem:s15], [sflag:$0x1] =	stream.indirect.gather [hbm4b:s1+s14], $0x80, s31, s14, $0xb8;
	[tilespmem:$0x1CC00] =	vst v63  }
0x1b2: {  	_ =	swait.ge [sflag:s13], $0x4000  }
0x1b3: {  	[sflag:s13] =	ssyncset.done $0x0  }
0x1b4: {  	[sflag:s13] =	ssyncadd.s32 $0xFFFFC000  }
0x1b5: {  	[spmem:s3] =	stream.indirect.scatter.add.f32 [tilespmem:s16], [sflag:$0x4], $0x80, s2, s14, $0xb8;
	[tilespmem:$0x1CC00] =	vst v63  }
0x1b6: {  	_ =	swait.ge [sflag:s18], $0x4000  }
0x1b7: {  	[sflag:s18] =	ssyncset.done $0x0  }
0x1b8: {  	[sflag:s18] =	ssyncadd.s32 $0xFFFFC000  }
0x1b9: {  	[tilespmem:s16], [sflag:$0x2] =	stream.indirect.gather [hbm4b:s1+s14], $0x80, s0, s14, $0xb8;
	[tilespmem:$0x1CC00] =	vst v63  }
0x1ba: {  	_ =	swait.ge [sflag:s12], $0x4000  }
0x1bb: {  	[sflag:s12] =	ssyncset.done $0x0  }
0x1bc: {  	[sflag:s12] =	ssyncadd.s32 $0xFFFFC000  }
0x1bd: {  	[spmem:s3] =	stream.indirect.scatter.add.f32 [tilespmem:s15], [sflag:$0x3], $0x80, s5, s14, $0xb8;
	[tilespmem:$0x1CC00] =	vst v63  }
0x1be: {  	_ =	swait.ge [sflag:s17], $0x4000  }
0x1bf: {  	[sflag:s17] =	ssyncset.done $0x0  }
0x1c0: {  	[sflag:s17] =	ssyncadd.s32 $0xFFFFC000  }
0x1c1: {  	_ =	swait.ge [sflag:s13], $0x4000  }
0x1c2: {  	[sflag:s13] =	ssyncset.done $0x0  }
0x1c3: {  	[sflag:s13] =	ssyncadd.s32 $0xFFFFC000  }
0x1c4: {  	[spmem:s3] =	stream.indirect.scatter.add.f32 [tilespmem:s16], [sflag:$0x4], $0x80, s7, s14, $0xb8;
	[tilespmem:$0x1CC00] =	vst v63  }
0x1c5: {  	_ =	swait.ge [sflag:s18], $0x4000  }
0x1c6: {  	[sflag:s18] =	ssyncset.done $0x0  }
0x1c7: {  	[sflag:s18] =	ssyncadd.s32 $0xFFFFC000  }
0x1c8: {  	[bflag:$0x0] =	sbarrier.arrive $0xFFFF  }
0x1c9: {  	s8 =	rddreg [dreg:$0x14]  }
0x1ca: {  	s19 =	rddreg [dreg:$0x15]  }
0x1cb: {  	s10 =	simm.s32 $0x5;
	s9 =	rddreg [dreg:$0x17]  }
0x1cc: {  	[hbm:s19], [sflag:s8] =	dma.local [spmem:s9], $0x2780  }
0x1cd: {  	_ =	swait.ge [sflag:s10], $0x2780  }
0x1ce: {  	s19 =	rddreg [dreg:$0x18]  }
0x1cf: {  	s6 =	rddreg [dreg:$0x16];
	s19 =	sadd.s32 $0x1, s19  }
0x1d0: {  	p0 =	sne.s32 s19, s6  }
.Ltmp1:
0x1d1: {  	_ = 	snop;
	(pc) =	sbr.rel @p0 .LBB2_1-.Ltmp1, $3  }
0x1d2: {  	_ =	sdelay $0x1  }
0x1d3: {  	[sflag:s10] =	ssyncset.done $0x0  }
0x1d4: {  	[sflag:s10] =	ssyncadd.s32 $0xFFFFD880  }
0x1d5: {  	_ =	sfence.sel $0x180000  }
0x1d6: {  	[bflag:$0x0] =	sbarrier.arrive $0xFFFF  }
0x1d7: {  	_ =	strace $0x9000004D  }
0x1d8: {  	s0 =	stileid.u32;
	[bflag:$0x2] =	sbarrier.arrive $0xFFFF  }
0x1d9: {  	p0 =	sne.s32 s0, $0x0;
	s0 =	rddreg [dreg:$0x3]  }
0x1da: {  	s0 =	sadd.s32 @!p0 $0x100000, s0  }
0x1db: {  	[sflag:s0] =	ssyncadd.tile.s32 @!p0 $0x1;
	_ =	shalt  }
.Lfunc_end2:
_tile_overlayer_lowered:
.L_overlay_start_2:
0x1dc: {  	(tag) =	ssettag $0x2  }
0x1dd: {  	s0 =	rddreg [dreg:$0x0];
	s2 =	stileid.u32  }
0x1de: {  	s1 =	rddreg [dreg:$0x1];
	p0 =	sne.s32 s2, $0x0  }
0x1df: {  	s3 =	rddreg [dreg:$0x2];
	[bflag:$0x3] =	sbarrier.arrive $0xFFFF;
	s2 =	simm.s32 @!p0 $0x1C05  }
0x1e0: {  	[timem:s3], [sflag:s2] =	dma.local @!p0 [hbm:s0], s1  }
0x1e1: {  	s0 =	simm.s32 @!p0 $0x5  }
0x1e2: {  	_ =	swait.ge @!p0 [sflag:s0], s1  }
0x1e3: {  	s1 =	ssub.s32 @!p0 $0x0, s1;
	[sflag:s0] =	ssyncset.done @!p0 $0x0  }
0x1e4: {  	[sflag:s0] =	ssyncadd.s32 @!p0 s1  }
0x1e5: {  	[bflag:$0x3] =	sbarrier.arrive $0xFFFF  }
0x1e6: {  	_ =	shalt  }

// kernel: kernel.8.cloned.1.call-start
scs
__scs_entry_jumppad:
0x0: {  	(pc) =	sbr.rel $0x88, $3  }
0x1: {  	(tag) =	ssettag $0x0;
	lr =	simm.s32 $0x1  }
0x2: {  	[smem:$0x3F9B] =	sst lr;
	_ =	strace $0xD0000000  }
0x3: {  	_ = 	snop  }
0x4: {  	_ = 	snop  }
0x5: {  	_ = 	snop  }
0x6: {  	_ = 	snop  }
0x7: {  	_ = 	snop  }
__scs_overlays_trampoline_lowered:
0x8: {  	[smem:$0x3FAA] =	sst s0  }
0x9: {  	[smem:$0x3FAB] =	sst s1  }
0xa: {  	[smem:$0x3FAC] =	sst s2  }
0xb: {  	[smem:$0x3FAD] =	sst s3  }
0xc: {  	[smem:$0x3FAE] =	sst s4  }
0xd: {  	[smem:$0x3FAF] =	sst s5  }
0xe: {  	[smem:$0x3FB0] =	sst s6  }
0xf: {  	[smem:$0x3FB1] =	sst s7  }
0x10: {  	[smem:$0x3FB2] =	sst s8  }
0x11: {  	[smem:$0x3FB3] =	sst s9;
	s0 =	simm.s32 @!p0 $0x0  }
0x12: {  	s1 =	sld [smem:$0x3F99];
	s0 =	simm.s32 @p0 $0x1  }
0x13: {  	[smem:$0x3FB4] =	sst s0;
	s0 =	simm.s32 @!p1 $0x0  }
0x14: {  	s2 =	sld [smem:$0x3F98];
	s0 =	simm.s32 @p1 $0x1  }
0x15: {  	[smem:$0x3FB5] =	sst s0;
	s0 =	simm.s32 @!p2 $0x0  }
0x16: {  	s3 =	sld [smem:$0x3FDB];
	s0 =	simm.s32 @p2 $0x1  }
0x17: {  	s4 =	simm.s32 $0x1BF5;
	[smem:$0x3FB7] =	sst s0  }
0x18: {  	s0 =	sld [smem:$0x3F9A];
	_ =	swait.ge [sflag:s4], $0x0  }
0x19: {  	s7 =	sld [smem:$0x3F9B]  }
0x1a: {  	s8 =	sadd.s32 $0xFFFFE003, lr  }
0x1b: {  	s9 =	sadd.s32 $0xFFFFFEF7, lr;
	s5 =	simm.s32 $0xFFFFFFFF;
	p2 =	slt.u32 s8, $0xFFFFF086  }
0x1c: {  	p1 =	slt.u32 s9, $0xF7A;
	s5 =	simm.s32 @!p2 $0x0  }
0x1d: {  	s5 =	simm.s32 @p1 $0x1;
	p0 =	seq.s32 s7, s2  }
0x1e: {  	s7 =	smul.u32 @!p0 $0xF7A, s2;
	p2 =	seq.s32 @!p0 s5, $0x0  }
0x1f: {  	s9 =	smul.u32 $0xF7A, s1;
	s8 =	simm.s32 @!p0 $0x1BF5;
	p2 =	por !p2, p0  }
0x20: {  	[sflag:s8] =	ssyncset.s32 @!p0 $0xFFFFF086;
	s6 =	sadd.s32 @!p0 s3, s7;
	s7 =	simm.s32 @!p0 $0x108  }
0x21: {  	s3 =	sadd.s32 s3, s9;
	s6 =	sadd.s32 @!p0 $0x88, s6;
	s7 =	simm.s32 @p2 $0x1082  }
0x22: {  	[simem:s7], [sflag:s8] =	dma.local @!p0 [hbm:s6], $0xF7A  }
0x23: {  	s9 =	sor.u32 $0xD0000000, s2;
	s6 =	simm.s32 $0x108;
	_ =	swait.ge @!p0 [sflag:s8], $0x0  }
0x24: {  	s3 =	sadd.s32 $0x88, s3;
	s6 =	simm.s32 @!p1 $0x1082;
	[sflag:s4] =	ssyncset.s32 $0xFFFFF086  }
0x25: {  	[simem:s6], [sflag:s4] =	dma.local [hbm:s3], $0xF7A  }
0x26: {  	[smem:$0x3F9B] =	sst s1;
	(tag) =	ssettag s2;
	_ =	strace s9  }
0x27: {  	s1 =	sld [smem:$0x3FAB]  }
0x28: {  	s2 =	sld [smem:$0x3FAC]  }
0x29: {  	s4 =	sld [smem:$0x3FAE]  }
0x2a: {  	p0 =	seq.s32 s5, $0x0;
	s5 =	sld [smem:$0x3FAF]  }
0x2b: {  	s6 =	sld [smem:$0x3FB0]  }
0x2c: {  	s7 =	sld [smem:$0x3FB1]  }
0x2d: {  	s3 =	simm.s32 $0x108;
	s8 =	sld [smem:$0x3FB2]  }
0x2e: {  	s3 =	simm.s32 @!p0 $0x1082;
	s9 =	sld [smem:$0x3FB3]  }
0x2f: {  	lr =	sadd.s32 s0, s3;
	s0 =	sld [smem:$0x3FAA]  }
0x30: {  	s3 =	sld [smem:$0x3FAD]  }
0x31: {  	[smem:$0x3FB6] =	sst s10  }
0x32: {  	s10 =	sld [smem:$0x3FB4];
	_ =	sdelay $0x3  }
0x33: {  	p0 =	seq.s32 s10, $0x1;
	s10 =	sld [smem:$0x3FB6];
	_ =	sdelay $0x3  }
0x34: {  	[smem:$0x3FB6] =	sst s10  }
0x35: {  	s10 =	sld [smem:$0x3FB5];
	_ =	sdelay $0x3  }
0x36: {  	p1 =	seq.s32 s10, $0x1;
	s10 =	sld [smem:$0x3FB6];
	_ =	sdelay $0x3  }
0x37: {  	[smem:$0x3FB6] =	sst s10  }
0x38: {  	s10 =	sld [smem:$0x3FB7]  }
0x39: {  	_ = 	snop;
	(pc) =	sbr.ind lr, $3  }
0x3a: {  	_ = 	snop  }
0x3b: {  	_ = 	snop  }
0x3c: {  	p2 =	seq.s32 s10, $0x1;
	s10 =	sld [smem:$0x3FB6]  }
0x3d: {  	_ =	shalt  }
0x3e: {  	_ =	shalt  }
0x3f: {  	_ =	shalt  }
0x40: {  	_ =	shalt  }
0x41: {  	_ =	shalt  }
0x42: {  	_ =	shalt  }
0x43: {  	_ =	shalt  }
0x44: {  	_ =	shalt  }
0x45: {  	_ =	shalt  }
0x46: {  	_ =	shalt  }
0x47: {  	_ =	shalt  }
0x48: {  	_ =	shalt  }
0x49: {  	_ =	shalt  }
0x4a: {  	_ =	shalt  }
0x4b: {  	_ =	shalt  }
0x4c: {  	_ =	shalt  }
0x4d: {  	_ =	shalt  }
0x4e: {  	_ =	shalt  }
0x4f: {  	_ =	shalt  }
0x50: {  	_ =	shalt  }
0x51: {  	_ =	shalt  }
0x52: {  	_ =	shalt  }
0x53: {  	_ =	shalt  }
0x54: {  	_ =	shalt  }
0x55: {  	_ =	shalt  }
0x56: {  	_ =	shalt  }
0x57: {  	_ =	shalt  }
0x58: {  	_ =	shalt  }
0x59: {  	_ =	shalt  }
0x5a: {  	_ =	shalt  }
0x5b: {  	_ =	shalt  }
0x5c: {  	_ =	shalt  }
0x5d: {  	_ =	shalt  }
0x5e: {  	_ =	shalt  }
0x5f: {  	_ =	shalt  }
0x60: {  	_ =	shalt  }
0x61: {  	_ =	shalt  }
0x62: {  	_ =	shalt  }
0x63: {  	_ =	shalt  }
0x64: {  	_ =	shalt  }
0x65: {  	_ =	shalt  }
0x66: {  	_ =	shalt  }
0x67: {  	_ =	shalt  }
0x68: {  	_ =	shalt  }
0x69: {  	_ =	shalt  }
0x6a: {  	_ =	shalt  }
0x6b: {  	_ =	shalt  }
0x6c: {  	_ =	shalt  }
0x6d: {  	_ =	shalt  }
0x6e: {  	_ =	shalt  }
0x6f: {  	_ =	shalt  }
0x70: {  	_ =	shalt  }
0x71: {  	_ =	shalt  }
0x72: {  	_ =	shalt  }
0x73: {  	_ =	shalt  }
0x74: {  	_ =	shalt  }
0x75: {  	_ =	shalt  }
0x76: {  	_ =	shalt  }
0x77: {  	_ =	shalt  }
0x78: {  	_ =	shalt  }
0x79: {  	_ =	shalt  }
0x7a: {  	_ =	shalt  }
0x7b: {  	_ =	shalt  }
0x7c: {  	_ =	shalt  }
0x7d: {  	_ =	shalt  }
0x7e: {  	_ =	shalt  }
0x7f: {  	_ =	shalt  }
0x80: {  	_ =	shalt  }
0x81: {  	_ =	shalt  }
0x82: {  	_ =	shalt  }
0x83: {  	_ =	shalt  }
0x84: {  	_ =	shalt  }
0x85: {  	_ =	shalt  }
0x86: {  	_ =	shalt  }
0x87: {  	_ =	shalt  }
.Lfunc_end0:
.L_simem_size_0:
called_computation_lowered:
.L_overlay_start_0:
0x88: {  	s2 =	sld [smem:$0x3FD9]  }
0x89: {  	s3 =	sld [smem:$0x3FFE];
	_ =	sdelay $0x1  }
0x8a: {  	s1 =	srdreg.scid  }
0x8b: {  	s0 =	sand.u32 $0x1, s1  }
0x8c: {  	s17 =	sshll.u32 s0, $0xA;
	s2 =	sadd.s32 s3, s2  }
0x8d: {  	s2 =	sadd.s32 s2, s17  }
0x8e: {  	[smem:$0x3FC2] =	sst s2  }
0x8f: {  	_ = 	snop  }
0x90: {  	s2 =	sld [smem:$0x3FD0];
	(tm) =	ssettm $0x1  }
0x91: {  	s18 =	sld [smem:$0x3FFB];
	_ =	sdelay $0x3  }
0x92: {  	_ =	strace s18  }
0x93: {  	s3 =	sld [smem:$0x3FFC];
	_ =	sdelay $0x3  }
0x94: {  	_ =	strace s3  }
0x95: {  	s3 =	sld [smem:$0x3FFD];
	_ =	sdelay $0x3  }
0x96: {  	_ =	strace s3  }
0x97: {  	_ =	strace $0x8FFFFFFF  }
0x98: {  	s19 =	sld [smem:$0x3FDB];
	_ =	sdelay $0x1  }
0x99: {  	s4 =	simm.s32 $_scs_section_size  }
0x9a: {  	s5 =	simm.s32 $_size__tile_overlayer_lowered;
	s6 =	simm.s32 $_tile_overlayer_lowered  }
0x9b: {  	s22 =	simm.s32 $0x1BFF;
	s21 =	sshll.u32 s6, $0x1;
	s3 =	sadd.s32 s4, s19  }
0x9c: {  	s7 =	simm.s32 $0x0;
	s20 =	sshll.u32 s5, $0x1;
	s5 =	sadd.s32 s21, s3  }
0x9d: {  	[timem:s7], [sflag:s22] =	dma.local [hbm:s5], s20  }
0x9e: {  	_ =	swait.ge [sflag:s22], s20  }
0x9f: {  	s4 =	ssub.s32 $0x0, s20;
	[sflag:s22] =	ssyncset.done $0x0  }
0xa0: {  	[sflag:s22] =	ssyncadd.s32 s4;
	_ =	sdelay $0x1  }
0xa1: {  	s23 =	simm.s32 $0x1B8B  }
0xa2: {  	_ =	swait.ge [sflag:s23], $0x1  }
0xa3: {  	[sflag:s23] =	ssyncset.done $0x0  }
0xa4: {  	s25 =	simm.s32 $0x1B8E;
	s24 =	sld [smem:$0x3FFE];
	[sflag:s23] =	ssyncadd.s32 $0xFFFFFFFF  }
0xa5: {  	s26 =	simm.s32 $execute0_lowered;
	[smem:$0x3FD2] =	sst s25  }
0xa6: {  	s5 =	sshll.u32 s26, $0x1;
	_ =	strace $0x80000046;
	[dreg:$0x1] =	wrdreg $0xFFFFFFFF  }
0xa7: {  	s28 =	simm.s32 $_size_execute0_lowered;
	s3 =	sadd.s32 s3, s5;
	[dreg:$0x0] =	wrdreg $0x0  }
0xa8: {  	s5 =	sshll.u32 s28, $0x1;
	[dreg:$0x2] =	wrdreg s3  }
0xa9: {  	[dreg:$0x3] =	wrdreg s5  }
0xaa: {  	[dreg:$0x4] =	wrdreg $0xC0  }
0xab: {  	_ =	task [dreg:s7], $0x5FFFF  }
0xac: {  	[dreg:$0x1] =	wrdreg $0xFFFFFFFF  }
0xad: {  	[dreg:$0x0] =	wrdreg $0x60  }
0xae: {  	[dreg:$0x2] =	wrdreg s24  }
0xaf: {  	[dreg:$0x3] =	wrdreg s2  }
0xb0: {  	[dreg:$0x4] =	wrdreg $0x55000  }
0xb1: {  	[dreg:$0x5] =	wrdreg $0x9  }
0xb2: {  	_ =	task.clear_ibuf [dreg:s7], $0x6FFFF;
	_ =	strace $0x90000046  }
0xb3: {  	s29 =	simm.s32 $0x9;
	_ =	strace $0x80000048  }
0xb4: {  	_ =	swait.ge [sflag:s29], $0x1  }
0xb5: {  	[sflag:s29] =	ssyncadd.s32 $0xFFFFFFFF  }
0xb6: {  	_ =	strace $0x90000048  }
0xb7: {  	_ =	sfence  }
0xb8: {  	s30 =	sld [smem:$0x0];
	_ =	sdelay $0x2  }
0xb9: {  	s31 =	sshll.u32 s1, $0xD;
	s1 =	sshrl.u32 s1, $0x2  }
0xba: {  	s3 =	sand.u32 $0x4000, s31;
	s1 =	sadd.s32 s1, s30  }
0xbb: {  	s0 =	sor.u32 s3, s0;
	s1 =	sshll.u32 s1, $0x11  }
0xbc: {  	s0 =	sor.u32 s1, s0  }
0xbd: {  	s0 =	sadd.s32 $0x8F2B, s0  }
0xbe: {  	[sflag:s0] =	ssyncadd.remote.s32 $0x1  }
0xbf: {  	_ =	sfence.sel $0xFFFF  }
0xc0: {  	[dreg:$0x0] =	wrdreg $0xFFFFFFFF;
	(pc) =	sbr.abs _section_cstart, $3  }
0xc1: {  	[dreg:$0x1] =	wrdreg $0xFFFFFFFF  }
0xc2: {  	_ =	task.clear_ibuf [dreg:s7], $0x2FFFF;
	_ =	strace $0x9FFFFFFF  }
0xc3: {  	(tm) =	ssettm $0x7FFFFFFF  }
tec
execute0_lowered:
.L_overlay_start_1:
0x0: {  	(tag) =	ssettag $0x1  }
0x1: {  	s3 =	rddreg [dreg:$0x0]  }
0x2: {  	s6 =	rddreg [dreg:$0x1]  }
0x3: {  	s1 =	srdreg.scid;
	s0 =	stileid.u32  }
0x4: {  	s5 =	rddreg [dreg:$0x2];
	s2 =	simm.s32 $0x0;
	s12 =	simm.s32 $0x2  }
0x5: {  	s13 =	simm.s32 $0x5280;
	s14 =	simm.s32 $0x100;
	s15 =	simm.s32 $0x5000  }
0x6: {  	s16 =	simm.s32 $0x0;
	s4 =	sand.u32 $0x1, s1;
	s1 =	rddreg [dreg:$0x3]  }
0x7: {  	s7 =	sshll.u32 s0, $0x1;
	[smem:$0x7FF] =	sst s2;
	s29 =	smul.u32 $0x500, s0  }
0x8: {  	s10 =	sshrl.u32 s0, $0x3;
	s28 =	sshll.u32 s0, $0x7;
	s11 =	smul.u32 $0x5000, s0  }
0x9: {  	s7 =	sor.u32 s4, s7;
	s8 =	ssub.s32 $0x2, s4;
	s26 =	smul.u32 $0x50000, s10  }
0xa: {  	_ =	strace $0x80000047;
	s4 =	sshll.u32 s4, $0x7;
	s7 =	smul.u32 $0x500, s7  }
0xb: {  	s9 =	sshrl.u32 s8, $0x1;
	s10 =	sor.u32 s4, s29;
	s30 =	sshrl.u32 s11, $0x2  }
0xc: {  	s11 =	simm.s32 $0x400;
	s25 =	ssub.s32 s8, s9;
	s8 =	sshrl.u32 s26, $0x2  }
0xd: {  	s9 =	sand.u32 $0x380, s28;
	s31 =	sshrl.u32 s10, $0x3;
	s10 =	simm.s32 $0x80  }
0xe: {  	s3 =	sadd.s32 s7, s3;
	s8 =	sadd.s32 s8, s5;
	s5 =	sadd.s32 s30, s5  }
0xf: {  	s6 =	sadd.s32 s6, s31;
	s7 =	smax.u32 s25, $0x1;
	s3 =	sadd.s32 $0x2000, s3  }
0x10: {  	v0 =	vimm.f32 $0.0e+00;
	v1 =	vimm.f32 $1.000000000e+00;
	s4 =	sadd.s32 s9, s8;
	s8 =	simm.s32 $0x1;
	s9 =	simm.s32 $0x2800  }
.LBB2_1:
0x11: {  	[tilespmem:s2], [sflag:$0x1] =	stream.linear.gather [hbm4b:s3+s2], $0x2800, $0x38;
	[tilespmem:$0x7D00] =	vst v63  }
0x12: {  	s17 =	simm.s32 $0x40;
	s18 =	simm.s32 $0x0  }
.LBB2_2:
0x13: {  	p0 =	sne.s32 s17, $0x9FC0;
	[tilespmem:s18+$0x2800] =	vst v0;
	s18 =	smov.u32 s17;
	s17 =	sadd.s32 $0x40, s17  }
.Ltmp0:
0x14: {  	(pc) =	sbr.rel @p0 .LBB2_2-.Ltmp0, $2  }
0x15: {  	_ =	sdelay $0x2  }
0x16: {  	s18 =	sshra.s32 s18, $0x2  }
0x17: {  	[tilespmem:s18+$0x2800] =	vst v0  }
0x18: {  	_ =	swait.ge [sflag:s8], $0x2800  }
0x19: {  	[sflag:s8] =	ssyncset.done $0x0  }
0x1a: {  	s17 =	simm.s32 $0x0;
	[sflag:s8] =	ssyncadd.s32 $0xFFFFD800  }
.LBB2_4:
0x1b: {  	s18 =	sshra.s32 s17, $0x2  }
0x1c: {  	v2 =	vld [tilespmem:s18+$0x0];
	_ =	sdelay $0x7  }
0x1d: {  	[tilespmem:v2+s9+$0x0] =	vst.idx.add.f32.msk $0xffff, v1  }
0x1e: {  	v2 =	vld [tilespmem:s18+$0x10];
	_ =	sdelay $0x7  }
0x1f: {  	[tilespmem:v2+s9+$0x0] =	vst.idx.add.f32.msk $0xffff, v1  }
0x20: {  	v2 =	vld [tilespmem:s18+$0x20];
	_ =	sdelay $0x7  }
0x21: {  	[tilespmem:v2+s9+$0x0] =	vst.idx.add.f32.msk $0xffff, v1  }
0x22: {  	v2 =	vld [tilespmem:s18+$0x30];
	_ =	sdelay $0x7  }
0x23: {  	[tilespmem:v2+s9+$0x0] =	vst.idx.add.f32.msk $0xffff, v1  }
0x24: {  	v2 =	vld [tilespmem:s18+$0x40];
	_ =	sdelay $0x7  }
0x25: {  	[tilespmem:v2+s9+$0x0] =	vst.idx.add.f32.msk $0xffff, v1  }
0x26: {  	v2 =	vld [tilespmem:s18+$0x50];
	_ =	sdelay $0x7  }
0x27: {  	[tilespmem:v2+s9+$0x0] =	vst.idx.add.f32.msk $0xffff, v1  }
0x28: {  	v2 =	vld [tilespmem:s18+$0x60];
	_ =	sdelay $0x7  }
0x29: {  	[tilespmem:v2+s9+$0x0] =	vst.idx.add.f32.msk $0xffff, v1  }
0x2a: {  	v2 =	vld [tilespmem:s18+$0x70];
	_ =	sdelay $0x2  }
0x2b: {  	p0 =	sne.s32 s17, $0x9E00  }
.Ltmp1:
0x2c: {  	_ = 	snop;
	(pc) =	sbr.rel @p0 .LBB2_4-.Ltmp1, $2  }
0x2d: {  	_ =	sdelay $0x2  }
0x2e: {  	s17 =	sadd.s32 $0x200, s17;
	[tilespmem:v2+s9+$0x0] =	vst.idx.add.f32.msk $0xffff, v1  }
0x2f: {  	[spmem:s4] =	stream.strided.scatter [tilespmem:s9], [sflag:$0x2], $0x2800, s11, s10, $0x38;
	[tilespmem:$0x7D00] =	vst v63  }
0x30: {  	_ =	swait.ge [sflag:s12], $0x2800  }
0x31: {  	[sflag:s12] =	ssyncset.done $0x0  }
0x32: {  	[sflag:s12] =	ssyncadd.s32 $0xFFFFD800  }
0x33: {  	[bflag:$0x0] =	sbarrier.arrive $0xFFFF  }
0x34: {  	[tilespmem:$0x5000] =	vst v0  }
0x35: {  	[tilespmem:$0x5010] =	vst v0  }
0x36: {  	[tilespmem:$0x5020] =	vst v0  }
0x37: {  	[tilespmem:$0x5030] =	vst v0  }
0x38: {  	[tilespmem:$0x5040] =	vst v0  }
0x39: {  	[tilespmem:$0x5050] =	vst v0  }
0x3a: {  	[tilespmem:$0x5060] =	vst v0  }
0x3b: {  	[tilespmem:$0x5070] =	vst v0  }
0x3c: {  	[tilespmem:$0x5080] =	vst v0  }
0x3d: {  	[tilespmem:$0x5090] =	vst v0  }
0x3e: {  	[tilespmem:$0x50A0] =	vst v0  }
0x3f: {  	[tilespmem:$0x50B0] =	vst v0  }
0x40: {  	[tilespmem:$0x50C0] =	vst v0  }
0x41: {  	[tilespmem:$0x50D0] =	vst v0  }
0x42: {  	[tilespmem:$0x50E0] =	vst v0  }
0x43: {  	[tilespmem:$0x50F0] =	vst v0  }
0x44: {  	[tilespmem:$0x5100] =	vst v0  }
0x45: {  	[tilespmem:$0x5110] =	vst v0  }
0x46: {  	[tilespmem:$0x5120] =	vst v0  }
0x47: {  	[tilespmem:$0x5130] =	vst v0  }
0x48: {  	[tilespmem:$0x5140] =	vst v0  }
0x49: {  	[tilespmem:$0x5150] =	vst v0  }
0x4a: {  	[tilespmem:$0x5160] =	vst v0  }
0x4b: {  	[tilespmem:$0x5170] =	vst v0  }
0x4c: {  	[tilespmem:$0x5180] =	vst v0  }
0x4d: {  	[tilespmem:$0x5190] =	vst v0  }
0x4e: {  	[tilespmem:$0x51A0] =	vst v0  }
0x4f: {  	[tilespmem:$0x51B0] =	vst v0  }
0x50: {  	[tilespmem:$0x51C0] =	vst v0  }
0x51: {  	[tilespmem:$0x51D0] =	vst v0  }
0x52: {  	[tilespmem:$0x51E0] =	vst v0  }
0x53: {  	[tilespmem:$0x51F0] =	vst v0  }
0x54: {  	[tilespmem:$0x5200] =	vst v0  }
0x55: {  	[tilespmem:$0x5210] =	vst v0  }
0x56: {  	[tilespmem:$0x5220] =	vst v0  }
0x57: {  	[tilespmem:$0x5230] =	vst v0  }
0x58: {  	[tilespmem:$0x5240] =	vst v0  }
0x59: {  	[tilespmem:$0x5250] =	vst v0  }
0x5a: {  	[tilespmem:$0x5260] =	vst v0  }
0x5b: {  	s17 =	simm.s32 $0x0;
	s18 =	simm.s32 $0x0;
	[tilespmem:$0x5270] =	vst v0  }
.LBB2_6:
0x5c: {  	s19 =	sshrl.u32 s18, $0x3  }
0x5d: {  	s19 =	smul.u32 $0x50000, s19;
	_ =	sdelay $0x1  }
0x5e: {  	s19 =	sshra.s32 s19, $0x2  }
0x5f: {  	s20 =	sand.u32 $0x380, s17;
	s19 =	sadd.s32 s19, s5  }
0x60: {  	s19 =	sadd.s32 s20, s19  }
0x61: {  	[tilespmem:s13], [sflag:$0x2] =	stream.strided.gather [spmem:s19], $0x280, s11, s10, $0x38;
	[tilespmem:$0x7D00] =	vst v63  }
0x62: {  	_ =	swait.ge [sflag:s12], $0x280  }
0x63: {  	[sflag:s12] =	ssyncset.done $0x0  }
0x64: {  	[sflag:s12] =	ssyncadd.s32 $0xFFFFFD80  }
0x65: {  	v2 =	vld [tilespmem:$0x5000]  }
0x66: {  	v3 =	vld [tilespmem:$0x5280]  }
0x67: {  	v4 =	vld [tilespmem:$0x5010]  }
0x68: {  	v5 =	vld [tilespmem:$0x5290]  }
0x69: {  	v6 =	vld [tilespmem:$0x5020]  }
0x6a: {  	v7 =	vld [tilespmem:$0x52A0]  }
0x6b: {  	v8 =	vld [tilespmem:$0x5030]  }
0x6c: {  	v9 =	vld [tilespmem:$0x52B0]  }
0x6d: {  	v10 =	vld [tilespmem:$0x5040]  }
0x6e: {  	v11 =	vld [tilespmem:$0x52C0]  }
0x6f: {  	v12 =	vld [tilespmem:$0x5050]  }
0x70: {  	v13 =	vld [tilespmem:$0x52D0]  }
0x71: {  	v14 =	vld [tilespmem:$0x5060]  }
0x72: {  	v15 =	vld [tilespmem:$0x52E0]  }
0x73: {  	v16 =	vld [tilespmem:$0x5070]  }
0x74: {  	v17 =	vld [tilespmem:$0x52F0]  }
0x75: {  	v18 =	vld [tilespmem:$0x5080]  }
0x76: {  	v19 =	vld [tilespmem:$0x5300]  }
0x77: {  	v20 =	vld [tilespmem:$0x5090]  }
0x78: {  	v21 =	vld [tilespmem:$0x5310]  }
0x79: {  	v22 =	vld [tilespmem:$0x50A0]  }
0x7a: {  	v23 =	vld [tilespmem:$0x5320]  }
0x7b: {  	v24 =	vld [tilespmem:$0x50B0]  }
0x7c: {  	v25 =	vld [tilespmem:$0x5330]  }
0x7d: {  	v26 =	vld [tilespmem:$0x50C0]  }
0x7e: {  	v27 =	vld [tilespmem:$0x5340]  }
0x7f: {  	v28 =	vld [tilespmem:$0x50D0]  }
0x80: {  	v29 =	vld [tilespmem:$0x5350]  }
0x81: {  	v30 =	vld [tilespmem:$0x50E0]  }
0x82: {  	v31 =	vld [tilespmem:$0x5360]  }
0x83: {  	v32 =	vld [tilespmem:$0x50F0]  }
0x84: {  	v33 =	vld [tilespmem:$0x5370]  }
0x85: {  	v34 =	vld [tilespmem:$0x5100]  }
0x86: {  	v35 =	vld [tilespmem:$0x5380]  }
0x87: {  	v36 =	vld [tilespmem:$0x5110]  }
0x88: {  	v37 =	vld [tilespmem:$0x5390]  }
0x89: {  	v38 =	vld [tilespmem:$0x5120]  }
0x8a: {  	v39 =	vld [tilespmem:$0x53A0]  }
0x8b: {  	v40 =	vld [tilespmem:$0x5130]  }
0x8c: {  	v41 =	vld [tilespmem:$0x53B0]  }
0x8d: {  	v42 =	vld [tilespmem:$0x5140]  }
0x8e: {  	v43 =	vld [tilespmem:$0x53C0]  }
0x8f: {  	v44 =	vld [tilespmem:$0x5150]  }
0x90: {  	v45 =	vld [tilespmem:$0x53D0]  }
0x91: {  	v46 =	vld [tilespmem:$0x5160]  }
0x92: {  	v47 =	vld [tilespmem:$0x5170];
	v2 =	vadd.f32 v3, v2  }
0x93: {  	v48 =	vld [tilespmem:$0x53F0];
	v4 =	vadd.f32 v5, v4  }
0x94: {  	v50 =	vld [tilespmem:$0x5180];
	[tilespmem:$0x5000] =	vst v2;
	v2 =	vadd.f32 v7, v6  }
0x95: {  	v51 =	vld [tilespmem:$0x5400];
	v49 =	vadd.f32 v9, v8;
	[tilespmem:$0x5010] =	vst v4  }
0x96: {  	v53 =	vld [tilespmem:$0x5190];
	[tilespmem:$0x5020] =	vst v2;
	v2 =	vadd.f32 v11, v10  }
0x97: {  	v54 =	vld [tilespmem:$0x5410];
	v52 =	vadd.f32 v13, v12;
	[tilespmem:$0x5030] =	vst v49  }
0x98: {  	v56 =	vld [tilespmem:$0x51A0];
	[tilespmem:$0x5040] =	vst v2;
	v2 =	vadd.f32 v15, v14  }
0x99: {  	v57 =	vld [tilespmem:$0x5420];
	v55 =	vadd.f32 v17, v16;
	[tilespmem:$0x5050] =	vst v52  }
0x9a: {  	v59 =	vld [tilespmem:$0x51B0];
	[tilespmem:$0x5060] =	vst v2;
	v2 =	vadd.f32 v19, v18  }
0x9b: {  	v60 =	vld [tilespmem:$0x5430];
	v58 =	vadd.f32 v21, v20;
	[tilespmem:$0x5070] =	vst v55  }
0x9c: {  	v62 =	vld [tilespmem:$0x51C0];
	[tilespmem:$0x5080] =	vst v2;
	v2 =	vadd.f32 v23, v22  }
0x9d: {  	v63 =	vld [tilespmem:$0x5440];
	v61 =	vadd.f32 v25, v24;
	[tilespmem:$0x5090] =	vst v58  }
0x9e: {  	v3 =	vld [tilespmem:$0x53E0];
	[tilespmem:$0x50A0] =	vst v2;
	v2 =	vadd.f32 v27, v26  }
0x9f: {  	v28 =	vadd.f32 v29, v28;
	v29 =	vld [tilespmem:$0x51D0];
	[tilespmem:$0x50B0] =	vst v61  }
0xa0: {  	v32 =	vadd.f32 v33, v32;
	v33 =	vld [tilespmem:$0x51E0];
	[tilespmem:$0x50C0] =	vst v2;
	v2 =	vadd.f32 v31, v30  }
0xa1: {  	v36 =	vadd.f32 v37, v36;
	v37 =	vld [tilespmem:$0x51F0];
	[tilespmem:$0x50D0] =	vst v28  }
0xa2: {  	v40 =	vadd.f32 v41, v40;
	v41 =	vld [tilespmem:$0x5200];
	[tilespmem:$0x50E0] =	vst v2;
	v2 =	vadd.f32 v35, v34  }
0xa3: {  	v44 =	vadd.f32 v45, v44;
	v45 =	vld [tilespmem:$0x5210];
	[tilespmem:$0x50F0] =	vst v32  }
0xa4: {  	v47 =	vadd.f32 v48, v47;
	v48 =	vld [tilespmem:$0x5220];
	[tilespmem:$0x5100] =	vst v2;
	v2 =	vadd.f32 v39, v38  }
0xa5: {  	[tilespmem:$0x5110] =	vst v36;
	v49 =	vld [tilespmem:$0x54A0]  }
0xa6: {  	v52 =	vld [tilespmem:$0x54B0];
	[tilespmem:$0x5120] =	vst v2;
	v2 =	vadd.f32 v43, v42  }
0xa7: {  	[tilespmem:$0x5130] =	vst v40;
	v55 =	vld [tilespmem:$0x54C0]  }
0xa8: {  	v58 =	vld [tilespmem:$0x54D0];
	[tilespmem:$0x5140] =	vst v2;
	v2 =	vadd.f32 v3, v46  }
0xa9: {  	[tilespmem:$0x5150] =	vst v44;
	v39 =	vld [tilespmem:$0x5470]  }
0xaa: {  	v61 =	vld [tilespmem:$0x54E0];
	[tilespmem:$0x5160] =	vst v2;
	v2 =	vadd.f32 v51, v50  }
0xab: {  	[tilespmem:$0x5170] =	vst v47;
	v31 =	vld [tilespmem:$0x5450];
	v50 =	vadd.f32 v54, v53  }
0xac: {  	v35 =	vld [tilespmem:$0x5460];
	v53 =	vadd.f32 v60, v59;
	[tilespmem:$0x5180] =	vst v2  }
0xad: {  	v3 =	vld [tilespmem:$0x5490];
	v2 =	vadd.f32 v57, v56;
	[tilespmem:$0x5190] =	vst v50  }
0xae: {  	v43 =	vld [tilespmem:$0x5480];
	v59 =	vadd.f32 v39, v37;
	[tilespmem:$0x51B0] =	vst v53  }
0xaf: {  	v51 =	vld [tilespmem:$0x5230];
	[tilespmem:$0x51A0] =	vst v2;
	v2 =	vadd.f32 v63, v62  }
0xb0: {  	v54 =	vld [tilespmem:$0x5240];
	v56 =	vadd.f32 v31, v29;
	[tilespmem:$0x51F0] =	vst v59  }
0xb1: {  	v57 =	vld [tilespmem:$0x5250];
	[tilespmem:$0x51C0] =	vst v2;
	v2 =	vadd.f32 v35, v33  }
0xb2: {  	v3 =	vadd.f32 v3, v45;
	[tilespmem:$0x51D0] =	vst v56;
	v62 =	vld [tilespmem:$0x5270]  }
0xb3: {  	v63 =	vld [tilespmem:$0x54F0];
	[tilespmem:$0x51E0] =	vst v2;
	v2 =	vadd.f32 v43, v41  }
0xb4: {  	v60 =	vld [tilespmem:$0x5260];
	[tilespmem:$0x5210] =	vst v3;
	v3 =	vadd.f32 v52, v51  }
0xb5: {  	[tilespmem:$0x5200] =	vst v2;
	v2 =	vadd.f32 v49, v48  }
0xb6: {  	p0 =	sne.s32 s18, $0xF;
	[tilespmem:$0x5230] =	vst v3;
	v3 =	vadd.f32 v58, v57  }
.Ltmp2:
0xb7: {  	[tilespmem:$0x5220] =	vst v2;
	v2 =	vadd.f32 v55, v54;
	(pc) =	sbr.rel @p0 .LBB2_6-.Ltmp2, $4  }
0xb8: {  	[tilespmem:$0x5250] =	vst v3;
	v3 =	vadd.f32 v63, v62  }
0xb9: {  	[tilespmem:$0x5240] =	vst v2;
	v2 =	vadd.f32 v61, v60  }
0xba: {  	[tilespmem:$0x5270] =	vst v3  }
0xbb: {  	s17 =	sadd.s32 $0x80, s17;
	s18 =	sadd.s32 $0x1, s18;
	[tilespmem:$0x5260] =	vst v2  }
0xbc: {  	s16 =	sadd.s32 $0x1, s16  }
0xbd: {  	p0 =	sne.s32 s16, s7  }
.Ltmp3:
0xbe: {  	_ = 	snop;
	(pc) =	sbr.rel @p0 .LBB2_1-.Ltmp3, $4  }
0xbf: {  	[hbm4b:s6+s10] =	stream.strided.scatter [tilespmem:s15], [sflag:$0x2], $0x280, s14, s10, $0x38;
	[tilespmem:$0x7D00] =	vst v63  }
0xc0: {  	_ =	swait.ge [sflag:s12], $0x280  }
0xc1: {  	[sflag:s12] =	ssyncset.done $0x0  }
0xc2: {  	[sflag:s12] =	ssyncadd.s32 $0xFFFFFD80  }
0xc3: {  	_ =	sfence.sel $0x180000  }
0xc4: {  	[bflag:$0x0] =	sbarrier.arrive $0xFFFF  }
0xc5: {  	p0 =	sne.s32 s0, $0x0;
	_ =	strace $0x90000047  }
0xc6: {  	s0 =	sadd.s32 @!p0 $0x100000, s1;
	[bflag:$0x2] =	sbarrier.arrive $0xFFFF  }
0xc7: {  	[sflag:s0] =	ssyncadd.tile.s32 @!p0 $0x1;
	_ =	shalt  }
.Lfunc_end2:
_tile_overlayer_lowered:
.L_overlay_start_2:
0xc8: {  	(tag) =	ssettag $0x2  }
0xc9: {  	s0 =	rddreg [dreg:$0x0];
	s2 =	stileid.u32  }
0xca: {  	s1 =	rddreg [dreg:$0x1];
	p0 =	sne.s32 s2, $0x0  }
0xcb: {  	s3 =	rddreg [dreg:$0x2];
	[bflag:$0x3] =	sbarrier.arrive $0xFFFF;
	s2 =	simm.s32 @!p0 $0x1C02  }
0xcc: {  	[timem:s3], [sflag:s2] =	dma.local @!p0 [hbm:s0], s1  }
0xcd: {  	s0 =	simm.s32 @!p0 $0x2  }
0xce: {  	_ =	swait.ge @!p0 [sflag:s0], s1  }
0xcf: {  	s1 =	ssub.s32 @!p0 $0x0, s1;
	[sflag:s0] =	ssyncset.done @!p0 $0x0  }
0xd0: {  	[sflag:s0] =	ssyncadd.s32 @!p0 s1  }
0xd1: {  	[bflag:$0x3] =	sbarrier.arrive $0xFFFF  }
0xd2: {  	_ =	shalt  }

</sc_bundles>
